<compile_context>
chip_gen: v7x
topology: tpu7x:2x2x1
jax: 0.10.2.dev20260603
libtpu: 0.0.44.dev20260713+nightly
codegen_flags: <defaults>
</compile_context>

<pallas_src>
import functools

import jax
import jax.numpy as jnp
from jax import lax
from jax.experimental import pallas as pl
from jax.experimental.pallas import tpu as pltpu
from jax.experimental.pallas import tpu_sc as plsc

B = 4096
S = 100
V = 1000
E = 128
H = 128
O = 1000
VP = 1024

NC = 2
NS = 16
NW = NC * NS
L = 16
RW = B // NW
RC = 64
NCHUNK = RW // RC

BBLK = 1024


BH = B // 2
RWH = BH // NW
RB = 16
NB = RWH // RB


def _make_counts_body(half):
    def _counts_body(ids_hbm, counts_hbm, ids_v, buf0, buf1, sem0, sem1):
        wid = lax.axis_index("s") * NC + lax.axis_index("c")
        base = wid * RWH
        pltpu.sync_copy(ids_hbm.at[:, pl.ds(base, RWH)], ids_v)

        lane = lax.iota(jnp.int32, L)
        ones = jnp.full((L,), 1.0, jnp.float32)
        zeros = jnp.zeros((L,), jnp.float32)
        row_base = (lane >> 3) * (8 * VP) + (lane & 7) * 128

        bufs = (buf0, buf1)
        sems = (sem0, sem1)

        def out_slice(rb):
            return counts_hbm.at[pl.ds((base + rb * RB) * VP, RB * VP)]

        for rb in range(NB):
            buf, sem = bufs[rb % 2], sems[rb % 2]
            if rb >= 2:
                pltpu.make_async_copy(buf, out_slice(rb - 2), sem).wait()

            ZU = 16
            def zbody(i, _):
                for u in range(ZU):
                    buf[pl.ds((i * ZU + u) * L, L)] = zeros
                return 0
            lax.fori_loop(0, RB * VP // (L * ZU), zbody, 0)

            def sbody(s, _):
                ids16 = ids_v[s, pl.ds(rb * RB, L)]
                idoff = ids16 + (ids16 >> 7) * (8 * 128 - 128)
                plsc.addupdate_scatter(buf, [row_base + idoff], ones)
                return 0
            lax.fori_loop(0, S, sbody, 0)

            pltpu.make_async_copy(buf, out_slice(rb), sem).start()

        pltpu.make_async_copy(bufs[0], out_slice(NB - 2), sems[0]).wait()
        pltpu.make_async_copy(bufs[1], out_slice(NB - 1), sems[1]).wait()

    return _counts_body


@functools.cache
def _counts_kernel(half):
    return pl.kernel(
        _make_counts_body(half),
        out_type=jax.ShapeDtypeStruct((BH * VP,), jnp.float32),
        mesh=plsc.VectorSubcoreMesh(core_axis_name="c", subcore_axis_name="s"),
        compiler_params=pltpu.CompilerParams(use_tc_tiling_on_sc=False,
                                             needs_layout_passes=False),
        scratch_types=[
            pltpu.VMEM((S, RWH), jnp.int32),
            pltpu.VMEM((RB * VP,), jnp.float32),
            pltpu.VMEM((RB * VP,), jnp.float32),
            pltpu.SemaphoreType.DMA,
            pltpu.SemaphoreType.DMA,
        ],
    )


def _mlp_body(counts_ref, emb_ref, w1t_ref, b1t_ref, w2t_ref, b2t_ref, out_ref):
    pooled = jnp.zeros((BBLK, E), jnp.float32)
    for tc in range(VP // 128):
        c = counts_ref[:, tc, :, :].reshape(BBLK, 128)
        e = emb_ref[pl.ds(tc * 128, 128), :]
        pooled = pooled + jax.lax.dot(
            c, e, precision=jax.lax.Precision.DEFAULT,
            preferred_element_type=jnp.float32)
    pooled = pooled * (1.0 / S)
    pooled_t = pooled.T
    h_t = jnp.maximum(
        jax.lax.dot(w1t_ref[...], pooled_t,
                    precision=jax.lax.Precision.DEFAULT,
                    preferred_element_type=jnp.float32) + b1t_ref[...], 0.0)
    logits_t = jax.lax.dot(
        w2t_ref[...], h_t,
        precision=jax.lax.Precision.DEFAULT,
        preferred_element_type=jnp.float32) + b2t_ref[...]
    m = jnp.max(logits_t, axis=0, keepdims=True)
    e = jnp.exp(logits_t - m)
    out_ref[...] = e / jnp.sum(e, axis=0, keepdims=True)


def _mlp_body_alias(counts_ref, emb_ref, w1t_ref, b1t_ref, w2t_ref, b2t_ref,
                    prev_ref, out_ref):
    del prev_ref
    _mlp_body(counts_ref, emb_ref, w1t_ref, b1t_ref, w2t_ref, b2t_ref,
              out_ref)


def _mlp_call_half(half, counts, emb_pad, W1t, b1t, W2t, b2t, prev=None):
    grid = (BH // BBLK,)
    in_specs = [
        pl.BlockSpec((BBLK // 8, VP // 128, 8, 128), lambda i: (i, 0, 0, 0)),
        pl.BlockSpec((VP, E), lambda i: (0, 0)),
        pl.BlockSpec((H, E), lambda i: (0, 0)),
        pl.BlockSpec((H, 1), lambda i: (0, 0)),
        pl.BlockSpec((O, H), lambda i: (0, 0)),
        pl.BlockSpec((O, 1), lambda i: (0, 0)),
    ]
    args = (counts, emb_pad, W1t, b1t, W2t, b2t)
    body = _mlp_body
    kwargs = {}
    if prev is not None:
        in_specs.append(pl.BlockSpec(memory_space=pl.ANY))
        args = args + (prev,)
        body = _mlp_body_alias
        kwargs["input_output_aliases"] = {6: 0}
    off = half * (BH // BBLK)
    return pl.pallas_call(
        body,
        grid=grid,
        in_specs=in_specs,
        out_specs=pl.BlockSpec((O, BBLK), lambda i: (0, off + i)),
        out_shape=jax.ShapeDtypeStruct((O, B), jnp.float32),
        **kwargs,
    )(*args)


def kernel(input_ids, emb_table, W1, b1, W2, b2):
    ids_t = input_ids.astype(jnp.int32).T
    emb_pad = jnp.pad(emb_table, ((0, VP - V), (0, 0)))
    W1t, b1t = W1.T, b1.reshape(H, 1)
    W2t, b2t = W2.T, b2.reshape(O, 1)
    c0 = _counts_kernel(0)(ids_t[:, :BH]).reshape(BH // 8, VP // 128, 8, 128)
    c1 = _counts_kernel(1)(ids_t[:, BH:]).reshape(BH // 8, VP // 128, 8, 128)
    out0 = _mlp_call_half(0, c0, emb_pad, W1t, b1t, W2t, b2t)
    out_t = _mlp_call_half(1, c1, emb_pad, W1t, b1t, W2t, b2t, prev=out0)
    return out_t.T

# --- scband reference (transcript-rebuilt; emitter-appended) ---
"""Pipeline reference for scband-base-model-7456063226568 (READ-ONLY COPY).

The authoritative reference and input builder live on the scoring server;
editing this copy changes nothing except your own understanding.
"""

import jax, jax.numpy as jnp
import numpy as np

VOCAB = 1000
EMBED = 128
SEQ = 100
BATCH = 4096
HIDDEN = 128
OUT = 1000


def setup_inputs(seed: int = 0) -> dict:
    key = jax.random.key(seed)
    k_ids, k_emb, k_w1, k_w2 = jax.random.split(key, 4)
    input_ids = jax.random.randint(k_ids, (BATCH, SEQ), 0, VOCAB, dtype=jnp.int64 if jax.config.jax_enable_x64 else jnp.int32)
    emb_table = jax.random.normal(k_emb, (VOCAB, EMBED), dtype=jnp.float32) * 0.05
    W1 = jax.random.normal(k_w1, (EMBED, HIDDEN), dtype=jnp.float32) * (1.0 / np.sqrt(EMBED))
    b1 = jnp.zeros((HIDDEN,), dtype=jnp.float32)
    W2 = jax.random.normal(k_w2, (HIDDEN, OUT), dtype=jnp.float32) * (1.0 / np.sqrt(HIDDEN))
    b2 = jnp.zeros((OUT,), dtype=jnp.float32)
    return {"input_ids": input_ids, "emb_table": emb_table, "W1": W1, "b1": b1, "W2": W2, "b2": b2}


def reference(input_ids, emb_table, W1, b1, W2, b2):
    # Embedding lookup: gather rows of the table
    x = jnp.take(emb_table, input_ids, axis=0)  # [B, S, E]
    # Mean over the sequence axis
    x = jnp.mean(x, axis=1)  # [B, E]
    # Dense relu
    x = jax.nn.relu(x @ W1 + b1)  # [B, H]
    # Dense softmax output
    logits = x @ W2 + b2  # [B, OUT]
    return jax.nn.softmax(logits, axis=-1)

if __name__ == "__main__":
    import jax
    _d = setup_inputs()
    print(jax.jit(kernel)(*tuple(_d.values())))

</pallas_src>

<mosaic_0001>
#map = affine_map<(d0, d1) -> (0, 0)>
#map1 = affine_map<(d0, d1) -> (0)>
module attributes {stable_mosaic.version = 14 : i64} {
  func.func @_counts_body(%arg0: i32, %arg1: i32, %arg2: memref<100x2048xi32, #tpu.memory_space<hbm>>, %arg3: memref<2097152xf32, #tpu.memory_space<hbm>>, %arg4: memref<100x64xi32, #tpu.memory_space<vmem>>, %arg5: memref<16384xf32, #tpu.memory_space<vmem>>, %arg6: memref<16384xf32, #tpu.memory_space<vmem>>, %arg7: memref<!tpu.dma_semaphore, #tpu.memory_space<semaphore_mem>>, %arg8: memref<!tpu.dma_semaphore, #tpu.memory_space<semaphore_mem>>) attributes {dimension_semantics = [#tpu.dimension_semantics<core_parallel>, #tpu.dimension_semantics<subcore_parallel>], iteration_bounds = array<i64: 2, 16>, scalar_prefetch = 0 : i64, scratch_operands = 5 : i64, tpu.core_type = #tpu.core_type<sc_vector_subcore>, window_params = [{transform_indices = #map}, {transform_indices = #map1}]} {
    %mul3A = arith.constant 2 : i32
    %mul3A_0 = arith.muli %arg1, %mul3A : i32
    %add3A = arith.addi %mul3A_0, %arg0 : i32
    %mul3A_1 = arith.constant 64 : i32
    %mul3A_2 = arith.muli %add3A, %mul3A_1 : i32
    "tpu.region"() ({
      %run_scoped3A = tpu.sem_alloc : memref<!tpu.dma_semaphore, #tpu.memory_space<semaphore_mem>>
      %dma_start3A_118 = arith.constant 0 : i32
      %dma_start3A_119 = tpu.memref_slice %arg2[%dma_start3A_118, %mul3A_2] : memref<100x2048xi32, #tpu.memory_space<hbm>> -> memref<100x64xi32, #tpu.memory_space<hbm>>
      %dma_start3A_120 = arith.constant 0 : i32
      %dma_start3A_121 = tpu.memref_slice %arg2[%dma_start3A_120, %mul3A_2] : memref<100x2048xi32, #tpu.memory_space<hbm>> -> memref<100x64xi32, #tpu.memory_space<hbm>>
      tpu.enqueue_dma source(%dma_start3A_121 : memref<100x64xi32, #tpu.memory_space<hbm>>) target(%arg4 : memref<100x64xi32, #tpu.memory_space<vmem>>) target_semaphore(%run_scoped3A : memref<!tpu.dma_semaphore, #tpu.memory_space<semaphore_mem>>)
      %dma_wait3A_122 = arith.constant 0 : i32
      %dma_wait3A_123 = tpu.memref_slice %arg2[%dma_wait3A_122, %mul3A_2] : memref<100x2048xi32, #tpu.memory_space<hbm>> -> memref<100x64xi32, #tpu.memory_space<hbm>>
      %dma_wait3A_124 = arith.constant 0 : i32
      %dma_wait3A_125 = tpu.memref_slice %arg2[%dma_wait3A_124, %mul3A_2] : memref<100x2048xi32, #tpu.memory_space<hbm>> -> memref<100x64xi32, #tpu.memory_space<hbm>>
      tpu.wait_dma2 semaphore(%run_scoped3A : memref<!tpu.dma_semaphore, #tpu.memory_space<semaphore_mem>>) src(%dma_wait3A_125 : memref<100x64xi32, #tpu.memory_space<hbm>>) dst(%arg4 : memref<100x64xi32, #tpu.memory_space<vmem>>)
      tpu.yield
    }) : () -> ()
    %iota3A = tpu.iota {dimensions = array<i32: 0>} : vector<16xi32>
    %broadcast_in_dim3A = arith.constant 1.000000e+00 : f32
    %broadcast_in_dim3A_3 = vector.broadcast %broadcast_in_dim3A : f32 to vector<16xf32>
    %broadcast_in_dim3A_4 = arith.constant 0.000000e+00 : f32
    %broadcast_in_dim3A_5 = vector.broadcast %broadcast_in_dim3A_4 : f32 to vector<16xf32>
    %shift_right_arithmetic3A = arith.constant 3 : i32
    %shift_right_arithmetic3A_6 = vector.broadcast %shift_right_arithmetic3A : i32 to vector<16xi32>
    %shift_right_arithmetic3A_7 = arith.shrsi %iota3A, %shift_right_arithmetic3A_6 : vector<16xi32>
    %mul3A_8 = arith.constant 8192 : i32
    %mul3A_9 = vector.broadcast %mul3A_8 : i32 to vector<16xi32>
    %mul3A_10 = arith.muli %shift_right_arithmetic3A_7, %mul3A_9 : vector<16xi32>
    %and3A = arith.constant 7 : i32
    %and3A_11 = vector.broadcast %and3A : i32 to vector<16xi32>
    %and3A_12 = arith.andi %iota3A, %and3A_11 : vector<16xi32>
    %mul3A_13 = arith.constant 128 : i32
    %mul3A_14 = vector.broadcast %mul3A_13 : i32 to vector<16xi32>
    %mul3A_15 = arith.muli %and3A_12, %mul3A_14 : vector<16xi32>
    %add3A_16 = arith.addi %mul3A_10, %mul3A_15 : vector<16xi32>
    %scan3A = arith.constant 0 : i32
    %scan3A_17 = arith.constant 0 : i32
    %scan3A_18 = arith.constant 64 : i32
    %scan3A_19 = arith.addi %scan3A_17, %scan3A_18 : i32
    %scan3A_20 = arith.constant 1 : i32
    %scan3A_21 = scf.for %scan3A_118 = %scan3A_17 to %scan3A_19 step %scan3A_20 iter_args(%scan3A_119 = %scan3A) -> (i32)  : i32 {
      %mul3A_120 = arith.constant 16 : i32
      %mul3A_121 = arith.muli %scan3A_118, %mul3A_120 : i32
      %add3A_122 = arith.constant 0 : i32
      %add3A_123 = arith.addi %mul3A_121, %add3A_122 : i32
      %mul3A_124 = arith.constant 16 : i32
      %mul3A_125 = arith.muli %add3A_123, %mul3A_124 : i32
      %swap3A = arith.index_cast %mul3A_125 : i32 to index
      %swap3A_126 = tpu.vector_load %arg5[%swap3A] {strides = array<i32>} : memref<16384xf32, #tpu.memory_space<vmem>>, vector<16xf32>,
      tpu.vector_store %arg5[%swap3A], %broadcast_in_dim3A_5 {strides = array<i32>} : memref<16384xf32, #tpu.memory_space<vmem>>, vector<16xf32>,
      %mul3A_127 = arith.constant 16 : i32
      %mul3A_128 = arith.muli %scan3A_118, %mul3A_127 : i32
      %add3A_129 = arith.constant 1 : i32
      %add3A_130 = arith.addi %mul3A_128, %add3A_129 : i32
      %mul3A_131 = arith.constant 16 : i32
      %mul3A_132 = arith.muli %add3A_130, %mul3A_131 : i32
      %swap3A_133 = arith.index_cast %mul3A_132 : i32 to index
      %swap3A_134 = tpu.vector_load %arg5[%swap3A_133] {strides = array<i32>} : memref<16384xf32, #tpu.memory_space<vmem>>, vector<16xf32>,
      tpu.vector_store %arg5[%swap3A_133], %broadcast_in_dim3A_5 {strides = array<i32>} : memref<16384xf32, #tpu.memory_space<vmem>>, vector<16xf32>,
      %mul3A_135 = arith.constant 16 : i32
      %mul3A_136 = arith.muli %scan3A_118, %mul3A_135 : i32
      %add3A_137 = arith.constant 2 : i32
      %add3A_138 = arith.addi %mul3A_136, %add3A_137 : i32
      %mul3A_139 = arith.constant 16 : i32
      %mul3A_140 = arith.muli %add3A_138, %mul3A_139 : i32
      %swap3A_141 = arith.index_cast %mul3A_140 : i32 to index
      %swap3A_142 = tpu.vector_load %arg5[%swap3A_141] {strides = array<i32>} : memref<16384xf32, #tpu.memory_space<vmem>>, vector<16xf32>,
      tpu.vector_store %arg5[%swap3A_141], %broadcast_in_dim3A_5 {strides = array<i32>} : memref<16384xf32, #tpu.memory_space<vmem>>, vector<16xf32>,
      %mul3A_143 = arith.constant 16 : i32
      %mul3A_144 = arith.muli %scan3A_118, %mul3A_143 : i32
      %add3A_145 = arith.constant 3 : i32
      %add3A_146 = arith.addi %mul3A_144, %add3A_145 : i32
      %mul3A_147 = arith.constant 16 : i32
      %mul3A_148 = arith.muli %add3A_146, %mul3A_147 : i32
      %swap3A_149 = arith.index_cast %mul3A_148 : i32 to index
      %swap3A_150 = tpu.vector_load %arg5[%swap3A_149] {strides = array<i32>} : memref<16384xf32, #tpu.memory_space<vmem>>, vector<16xf32>,
      tpu.vector_store %arg5[%swap3A_149], %broadcast_in_dim3A_5 {strides = array<i32>} : memref<16384xf32, #tpu.memory_space<vmem>>, vector<16xf32>,
      %mul3A_151 = arith.constant 16 : i32
      %mul3A_152 = arith.muli %scan3A_118, %mul3A_151 : i32
      %add3A_153 = arith.constant 4 : i32
      %add3A_154 = arith.addi %mul3A_152, %add3A_153 : i32
      %mul3A_155 = arith.constant 16 : i32
      %mul3A_156 = arith.muli %add3A_154, %mul3A_155 : i32
      %swap3A_157 = arith.index_cast %mul3A_156 : i32 to index
      %swap3A_158 = tpu.vector_load %arg5[%swap3A_157] {strides = array<i32>} : memref<16384xf32, #tpu.memory_space<vmem>>, vector<16xf32>,
      tpu.vector_store %arg5[%swap3A_157], %broadcast_in_dim3A_5 {strides = array<i32>} : memref<16384xf32, #tpu.memory_space<vmem>>, vector<16xf32>,
      %mul3A_159 = arith.constant 16 : i32
      %mul3A_160 = arith.muli %scan3A_118, %mul3A_159 : i32
      %add3A_161 = arith.constant 5 : i32
      %add3A_162 = arith.addi %mul3A_160, %add3A_161 : i32
      %mul3A_163 = arith.constant 16 : i32
      %mul3A_164 = arith.muli %add3A_162, %mul3A_163 : i32
      %swap3A_165 = arith.index_cast %mul3A_164 : i32 to index
      %swap3A_166 = tpu.vector_load %arg5[%swap3A_165] {strides = array<i32>} : memref<16384xf32, #tpu.memory_space<vmem>>, vector<16xf32>,
      tpu.vector_store %arg5[%swap3A_165], %broadcast_in_dim3A_5 {strides = array<i32>} : memref<16384xf32, #tpu.memory_space<vmem>>, vector<16xf32>,
      %mul3A_167 = arith.constant 16 : i32
      %mul3A_168 = arith.muli %scan3A_118, %mul3A_167 : i32
      %add3A_169 = arith.constant 6 : i32
      %add3A_170 = arith.addi %mul3A_168, %add3A_169 : i32
      %mul3A_171 = arith.constant 16 : i32
      %mul3A_172 = arith.muli %add3A_170, %mul3A_171 : i32
      %swap3A_173 = arith.index_cast %mul3A_172 : i32 to index
      %swap3A_174 = tpu.vector_load %arg5[%swap3A_173] {strides = array<i32>} : memref<16384xf32, #tpu.memory_space<vmem>>, vector<16xf32>,
      tpu.vector_store %arg5[%swap3A_173], %broadcast_in_dim3A_5 {strides = array<i32>} : memref<16384xf32, #tpu.memory_space<vmem>>, vector<16xf32>,
      %mul3A_175 = arith.constant 16 : i32
      %mul3A_176 = arith.muli %scan3A_118, %mul3A_175 : i32
      %add3A_177 = arith.constant 7 : i32
      %add3A_178 = arith.addi %mul3A_176, %add3A_177 : i32
      %mul3A_179 = arith.constant 16 : i32
      %mul3A_180 = arith.muli %add3A_178, %mul3A_179 : i32
      %swap3A_181 = arith.index_cast %mul3A_180 : i32 to index
      %swap3A_182 = tpu.vector_load %arg5[%swap3A_181] {strides = array<i32>} : memref<16384xf32, #tpu.memory_space<vmem>>, vector<16xf32>,
      tpu.vector_store %arg5[%swap3A_181], %broadcast_in_dim3A_5 {strides = array<i32>} : memref<16384xf32, #tpu.memory_space<vmem>>, vector<16xf32>,
      %mul3A_183 = arith.constant 16 : i32
      %mul3A_184 = arith.muli %scan3A_118, %mul3A_183 : i32
      %add3A_185 = arith.constant 8 : i32
      %add3A_186 = arith.addi %mul3A_184, %add3A_185 : i32
      %mul3A_187 = arith.constant 16 : i32
      %mul3A_188 = arith.muli %add3A_186, %mul3A_187 : i32
      %swap3A_189 = arith.index_cast %mul3A_188 : i32 to index
      %swap3A_190 = tpu.vector_load %arg5[%swap3A_189] {strides = array<i32>} : memref<16384xf32, #tpu.memory_space<vmem>>, vector<16xf32>,
      tpu.vector_store %arg5[%swap3A_189], %broadcast_in_dim3A_5 {strides = array<i32>} : memref<16384xf32, #tpu.memory_space<vmem>>, vector<16xf32>,
      %mul3A_191 = arith.constant 16 : i32
      %mul3A_192 = arith.muli %scan3A_118, %mul3A_191 : i32
      %add3A_193 = arith.constant 9 : i32
      %add3A_194 = arith.addi %mul3A_192, %add3A_193 : i32
      %mul3A_195 = arith.constant 16 : i32
      %mul3A_196 = arith.muli %add3A_194, %mul3A_195 : i32
      %swap3A_197 = arith.index_cast %mul3A_196 : i32 to index
      %swap3A_198 = tpu.vector_load %arg5[%swap3A_197] {strides = array<i32>} : memref<16384xf32, #tpu.memory_space<vmem>>, vector<16xf32>,
      tpu.vector_store %arg5[%swap3A_197], %broadcast_in_dim3A_5 {strides = array<i32>} : memref<16384xf32, #tpu.memory_space<vmem>>, vector<16xf32>,
      %mul3A_199 = arith.constant 16 : i32
      %mul3A_200 = arith.muli %scan3A_118, %mul3A_199 : i32
      %add3A_201 = arith.constant 10 : i32
      %add3A_202 = arith.addi %mul3A_200, %add3A_201 : i32
      %mul3A_203 = arith.constant 16 : i32
      %mul3A_204 = arith.muli %add3A_202, %mul3A_203 : i32
      %swap3A_205 = arith.index_cast %mul3A_204 : i32 to index
      %swap3A_206 = tpu.vector_load %arg5[%swap3A_205] {strides = array<i32>} : memref<16384xf32, #tpu.memory_space<vmem>>, vector<16xf32>,
      tpu.vector_store %arg5[%swap3A_205], %broadcast_in_dim3A_5 {strides = array<i32>} : memref<16384xf32, #tpu.memory_space<vmem>>, vector<16xf32>,
      %mul3A_207 = arith.constant 16 : i32
      %mul3A_208 = arith.muli %scan3A_118, %mul3A_207 : i32
      %add3A_209 = arith.constant 11 : i32
      %add3A_210 = arith.addi %mul3A_208, %add3A_209 : i32
      %mul3A_211 = arith.constant 16 : i32
      %mul3A_212 = arith.muli %add3A_210, %mul3A_211 : i32
      %swap3A_213 = arith.index_cast %mul3A_212 : i32 to index
      %swap3A_214 = tpu.vector_load %arg5[%swap3A_213] {strides = array<i32>} : memref<16384xf32, #tpu.memory_space<vmem>>, vector<16xf32>,
      tpu.vector_store %arg5[%swap3A_213], %broadcast_in_dim3A_5 {strides = array<i32>} : memref<16384xf32, #tpu.memory_space<vmem>>, vector<16xf32>,
      %mul3A_215 = arith.constant 16 : i32
      %mul3A_216 = arith.muli %scan3A_118, %mul3A_215 : i32
      %add3A_217 = arith.constant 12 : i32
      %add3A_218 = arith.addi %mul3A_216, %add3A_217 : i32
      %mul3A_219 = arith.constant 16 : i32
      %mul3A_220 = arith.muli %add3A_218, %mul3A_219 : i32
      %swap3A_221 = arith.index_cast %mul3A_220 : i32 to index
      %swap3A_222 = tpu.vector_load %arg5[%swap3A_221] {strides = array<i32>} : memref<16384xf32, #tpu.memory_space<vmem>>, vector<16xf32>,
      tpu.vector_store %arg5[%swap3A_221], %broadcast_in_dim3A_5 {strides = array<i32>} : memref<16384xf32, #tpu.memory_space<vmem>>, vector<16xf32>,
      %mul3A_223 = arith.constant 16 : i32
      %mul3A_224 = arith.muli %scan3A_118, %mul3A_223 : i32
      %add3A_225 = arith.constant 13 : i32
      %add3A_226 = arith.addi %mul3A_224, %add3A_225 : i32
      %mul3A_227 = arith.constant 16 : i32
      %mul3A_228 = arith.muli %add3A_226, %mul3A_227 : i32
      %swap3A_229 = arith.index_cast %mul3A_228 : i32 to index
      %swap3A_230 = tpu.vector_load %arg5[%swap3A_229] {strides = array<i32>} : memref<16384xf32, #tpu.memory_space<vmem>>, vector<16xf32>,
      tpu.vector_store %arg5[%swap3A_229], %broadcast_in_dim3A_5 {strides = array<i32>} : memref<16384xf32, #tpu.memory_space<vmem>>, vector<16xf32>,
      %mul3A_231 = arith.constant 16 : i32
      %mul3A_232 = arith.muli %scan3A_118, %mul3A_231 : i32
      %add3A_233 = arith.constant 14 : i32
      %add3A_234 = arith.addi %mul3A_232, %add3A_233 : i32
      %mul3A_235 = arith.constant 16 : i32
      %mul3A_236 = arith.muli %add3A_234, %mul3A_235 : i32
      %swap3A_237 = arith.index_cast %mul3A_236 : i32 to index
      %swap3A_238 = tpu.vector_load %arg5[%swap3A_237] {strides = array<i32>} : memref<16384xf32, #tpu.memory_space<vmem>>, vector<16xf32>,
      tpu.vector_store %arg5[%swap3A_237], %broadcast_in_dim3A_5 {strides = array<i32>} : memref<16384xf32, #tpu.memory_space<vmem>>, vector<16xf32>,
      %mul3A_239 = arith.constant 16 : i32
      %mul3A_240 = arith.muli %scan3A_118, %mul3A_239 : i32
      %add3A_241 = arith.constant 15 : i32
      %add3A_242 = arith.addi %mul3A_240, %add3A_241 : i32
      %mul3A_243 = arith.constant 16 : i32
      %mul3A_244 = arith.muli %add3A_242, %mul3A_243 : i32
      %swap3A_245 = arith.index_cast %mul3A_244 : i32 to index
      %swap3A_246 = tpu.vector_load %arg5[%swap3A_245] {strides = array<i32>} : memref<16384xf32, #tpu.memory_space<vmem>>, vector<16xf32>,
      tpu.vector_store %arg5[%swap3A_245], %broadcast_in_dim3A_5 {strides = array<i32>} : memref<16384xf32, #tpu.memory_space<vmem>>, vector<16xf32>,
      %scan3A_247 = arith.constant 0 : i32
      scf.yield %scan3A_247 : i32
    }
    %scan3A_22 = arith.constant 64 : i32
    %scan3A_23 = arith.constant 0 : i32
    %scan3A_24 = arith.constant 0 : i32
    %scan3A_25 = arith.constant 100 : i32
    %scan3A_26 = arith.addi %scan3A_24, %scan3A_25 : i32
    %scan3A_27 = arith.constant 1 : i32
    %scan3A_28 = scf.for %scan3A_118 = %scan3A_24 to %scan3A_26 step %scan3A_27 iter_args(%scan3A_119 = %scan3A_23) -> (i32)  : i32 {
      %get3A = arith.index_cast %scan3A_118 : i32 to index
      %get3A_120 = arith.constant 0 : index
      %get3A_121 = tpu.vector_load %arg4[%get3A, %get3A_120] {strides = array<i32>} : memref<100x64xi32, #tpu.memory_space<vmem>>, vector<16xi32>,
      %shift_right_arithmetic3A_122 = arith.constant 7 : i32
      %shift_right_arithmetic3A_123 = vector.broadcast %shift_right_arithmetic3A_122 : i32 to vector<16xi32>
      %shift_right_arithmetic3A_124 = arith.shrsi %get3A_121, %shift_right_arithmetic3A_123 : vector<16xi32>
      %mul3A_125 = arith.constant 896 : i32
      %mul3A_126 = vector.broadcast %mul3A_125 : i32 to vector<16xi32>
      %mul3A_127 = arith.muli %shift_right_arithmetic3A_124, %mul3A_126 : vector<16xi32>
      %add3A_128 = arith.addi %get3A_121, %mul3A_127 : vector<16xi32>
      %add3A_129 = arith.addi %add3A_16, %add3A_128 : vector<16xi32>
      tpu.vector_store_idx %arg5[%add3A_129], %broadcast_in_dim3A_3 {add = true} : memref<16384xf32, #tpu.memory_space<vmem>>[vector<16xi32>], vector<16xf32>,
      %scan3A_130 = arith.constant 0 : i32
      scf.yield %scan3A_130 : i32
    }
    %scan3A_29 = arith.constant 100 : i32
    %add3A_30 = arith.constant 0 : i32
    %add3A_31 = arith.addi %mul3A_2, %add3A_30 : i32
    %mul3A_32 = arith.constant 1024 : i32
    %mul3A_33 = arith.muli %add3A_31, %mul3A_32 : i32
    %dma_start3A = tpu.memref_slice %arg3[%mul3A_33] : memref<2097152xf32, #tpu.memory_space<hbm>> -> memref<16384xf32, #tpu.memory_space<hbm>>
    %dma_start3A_34 = tpu.memref_slice %arg3[%mul3A_33] : memref<2097152xf32, #tpu.memory_space<hbm>> -> memref<16384xf32, #tpu.memory_space<hbm>>
    tpu.enqueue_dma source(%arg5 : memref<16384xf32, #tpu.memory_space<vmem>>) target(%dma_start3A_34 : memref<16384xf32, #tpu.memory_space<hbm>>) target_semaphore(%arg7 : memref<!tpu.dma_semaphore, #tpu.memory_space<semaphore_mem>>)
    %scan3A_35 = arith.constant 0 : i32
    %scan3A_36 = arith.constant 0 : i32
    %scan3A_37 = arith.constant 64 : i32
    %scan3A_38 = arith.addi %scan3A_36, %scan3A_37 : i32
    %scan3A_39 = arith.constant 1 : i32
    %scan3A_40 = scf.for %scan3A_118 = %scan3A_36 to %scan3A_38 step %scan3A_39 iter_args(%scan3A_119 = %scan3A_35) -> (i32)  : i32 {
      %mul3A_120 = arith.constant 16 : i32
      %mul3A_121 = arith.muli %scan3A_118, %mul3A_120 : i32
      %add3A_122 = arith.constant 0 : i32
      %add3A_123 = arith.addi %mul3A_121, %add3A_122 : i32
      %mul3A_124 = arith.constant 16 : i32
      %mul3A_125 = arith.muli %add3A_123, %mul3A_124 : i32
      %swap3A = arith.index_cast %mul3A_125 : i32 to index
      %swap3A_126 = tpu.vector_load %arg6[%swap3A] {strides = array<i32>} : memref<16384xf32, #tpu.memory_space<vmem>>, vector<16xf32>,
      tpu.vector_store %arg6[%swap3A], %broadcast_in_dim3A_5 {strides = array<i32>} : memref<16384xf32, #tpu.memory_space<vmem>>, vector<16xf32>,
      %mul3A_127 = arith.constant 16 : i32
      %mul3A_128 = arith.muli %scan3A_118, %mul3A_127 : i32
      %add3A_129 = arith.constant 1 : i32
      %add3A_130 = arith.addi %mul3A_128, %add3A_129 : i32
      %mul3A_131 = arith.constant 16 : i32
      %mul3A_132 = arith.muli %add3A_130, %mul3A_131 : i32
      %swap3A_133 = arith.index_cast %mul3A_132 : i32 to index
      %swap3A_134 = tpu.vector_load %arg6[%swap3A_133] {strides = array<i32>} : memref<16384xf32, #tpu.memory_space<vmem>>, vector<16xf32>,
      tpu.vector_store %arg6[%swap3A_133], %broadcast_in_dim3A_5 {strides = array<i32>} : memref<16384xf32, #tpu.memory_space<vmem>>, vector<16xf32>,
      %mul3A_135 = arith.constant 16 : i32
      %mul3A_136 = arith.muli %scan3A_118, %mul3A_135 : i32
      %add3A_137 = arith.constant 2 : i32
      %add3A_138 = arith.addi %mul3A_136, %add3A_137 : i32
      %mul3A_139 = arith.constant 16 : i32
      %mul3A_140 = arith.muli %add3A_138, %mul3A_139 : i32
      %swap3A_141 = arith.index_cast %mul3A_140 : i32 to index
      %swap3A_142 = tpu.vector_load %arg6[%swap3A_141] {strides = array<i32>} : memref<16384xf32, #tpu.memory_space<vmem>>, vector<16xf32>,
      tpu.vector_store %arg6[%swap3A_141], %broadcast_in_dim3A_5 {strides = array<i32>} : memref<16384xf32, #tpu.memory_space<vmem>>, vector<16xf32>,
      %mul3A_143 = arith.constant 16 : i32
      %mul3A_144 = arith.muli %scan3A_118, %mul3A_143 : i32
      %add3A_145 = arith.constant 3 : i32
      %add3A_146 = arith.addi %mul3A_144, %add3A_145 : i32
      %mul3A_147 = arith.constant 16 : i32
      %mul3A_148 = arith.muli %add3A_146, %mul3A_147 : i32
      %swap3A_149 = arith.index_cast %mul3A_148 : i32 to index
      %swap3A_150 = tpu.vector_load %arg6[%swap3A_149] {strides = array<i32>} : memref<16384xf32, #tpu.memory_space<vmem>>, vector<16xf32>,
      tpu.vector_store %arg6[%swap3A_149], %broadcast_in_dim3A_5 {strides = array<i32>} : memref<16384xf32, #tpu.memory_space<vmem>>, vector<16xf32>,
      %mul3A_151 = arith.constant 16 : i32
      %mul3A_152 = arith.muli %scan3A_118, %mul3A_151 : i32
      %add3A_153 = arith.constant 4 : i32
      %add3A_154 = arith.addi %mul3A_152, %add3A_153 : i32
      %mul3A_155 = arith.constant 16 : i32
      %mul3A_156 = arith.muli %add3A_154, %mul3A_155 : i32
      %swap3A_157 = arith.index_cast %mul3A_156 : i32 to index
      %swap3A_158 = tpu.vector_load %arg6[%swap3A_157] {strides = array<i32>} : memref<16384xf32, #tpu.memory_space<vmem>>, vector<16xf32>,
      tpu.vector_store %arg6[%swap3A_157], %broadcast_in_dim3A_5 {strides = array<i32>} : memref<16384xf32, #tpu.memory_space<vmem>>, vector<16xf32>,
      %mul3A_159 = arith.constant 16 : i32
      %mul3A_160 = arith.muli %scan3A_118, %mul3A_159 : i32
      %add3A_161 = arith.constant 5 : i32
      %add3A_162 = arith.addi %mul3A_160, %add3A_161 : i32
      %mul3A_163 = arith.constant 16 : i32
      %mul3A_164 = arith.muli %add3A_162, %mul3A_163 : i32
      %swap3A_165 = arith.index_cast %mul3A_164 : i32 to index
      %swap3A_166 = tpu.vector_load %arg6[%swap3A_165] {strides = array<i32>} : memref<16384xf32, #tpu.memory_space<vmem>>, vector<16xf32>,
      tpu.vector_store %arg6[%swap3A_165], %broadcast_in_dim3A_5 {strides = array<i32>} : memref<16384xf32, #tpu.memory_space<vmem>>, vector<16xf32>,
      %mul3A_167 = arith.constant 16 : i32
      %mul3A_168 = arith.muli %scan3A_118, %mul3A_167 : i32
      %add3A_169 = arith.constant 6 : i32
      %add3A_170 = arith.addi %mul3A_168, %add3A_169 : i32
      %mul3A_171 = arith.constant 16 : i32
      %mul3A_172 = arith.muli %add3A_170, %mul3A_171 : i32
      %swap3A_173 = arith.index_cast %mul3A_172 : i32 to index
      %swap3A_174 = tpu.vector_load %arg6[%swap3A_173] {strides = array<i32>} : memref<16384xf32, #tpu.memory_space<vmem>>, vector<16xf32>,
      tpu.vector_store %arg6[%swap3A_173], %broadcast_in_dim3A_5 {strides = array<i32>} : memref<16384xf32, #tpu.memory_space<vmem>>, vector<16xf32>,
      %mul3A_175 = arith.constant 16 : i32
      %mul3A_176 = arith.muli %scan3A_118, %mul3A_175 : i32
      %add3A_177 = arith.constant 7 : i32
      %add3A_178 = arith.addi %mul3A_176, %add3A_177 : i32
      %mul3A_179 = arith.constant 16 : i32
      %mul3A_180 = arith.muli %add3A_178, %mul3A_179 : i32
      %swap3A_181 = arith.index_cast %mul3A_180 : i32 to index
      %swap3A_182 = tpu.vector_load %arg6[%swap3A_181] {strides = array<i32>} : memref<16384xf32, #tpu.memory_space<vmem>>, vector<16xf32>,
      tpu.vector_store %arg6[%swap3A_181], %broadcast_in_dim3A_5 {strides = array<i32>} : memref<16384xf32, #tpu.memory_space<vmem>>, vector<16xf32>,
      %mul3A_183 = arith.constant 16 : i32
      %mul3A_184 = arith.muli %scan3A_118, %mul3A_183 : i32
      %add3A_185 = arith.constant 8 : i32
      %add3A_186 = arith.addi %mul3A_184, %add3A_185 : i32
      %mul3A_187 = arith.constant 16 : i32
      %mul3A_188 = arith.muli %add3A_186, %mul3A_187 : i32
      %swap3A_189 = arith.index_cast %mul3A_188 : i32 to index
      %swap3A_190 = tpu.vector_load %arg6[%swap3A_189] {strides = array<i32>} : memref<16384xf32, #tpu.memory_space<vmem>>, vector<16xf32>,
      tpu.vector_store %arg6[%swap3A_189], %broadcast_in_dim3A_5 {strides = array<i32>} : memref<16384xf32, #tpu.memory_space<vmem>>, vector<16xf32>,
      %mul3A_191 = arith.constant 16 : i32
      %mul3A_192 = arith.muli %scan3A_118, %mul3A_191 : i32
      %add3A_193 = arith.constant 9 : i32
      %add3A_194 = arith.addi %mul3A_192, %add3A_193 : i32
      %mul3A_195 = arith.constant 16 : i32
      %mul3A_196 = arith.muli %add3A_194, %mul3A_195 : i32
      %swap3A_197 = arith.index_cast %mul3A_196 : i32 to index
      %swap3A_198 = tpu.vector_load %arg6[%swap3A_197] {strides = array<i32>} : memref<16384xf32, #tpu.memory_space<vmem>>, vector<16xf32>,
      tpu.vector_store %arg6[%swap3A_197], %broadcast_in_dim3A_5 {strides = array<i32>} : memref<16384xf32, #tpu.memory_space<vmem>>, vector<16xf32>,
      %mul3A_199 = arith.constant 16 : i32
      %mul3A_200 = arith.muli %scan3A_118, %mul3A_199 : i32
      %add3A_201 = arith.constant 10 : i32
      %add3A_202 = arith.addi %mul3A_200, %add3A_201 : i32
      %mul3A_203 = arith.constant 16 : i32
      %mul3A_204 = arith.muli %add3A_202, %mul3A_203 : i32
      %swap3A_205 = arith.index_cast %mul3A_204 : i32 to index
      %swap3A_206 = tpu.vector_load %arg6[%swap3A_205] {strides = array<i32>} : memref<16384xf32, #tpu.memory_space<vmem>>, vector<16xf32>,
      tpu.vector_store %arg6[%swap3A_205], %broadcast_in_dim3A_5 {strides = array<i32>} : memref<16384xf32, #tpu.memory_space<vmem>>, vector<16xf32>,
      %mul3A_207 = arith.constant 16 : i32
      %mul3A_208 = arith.muli %scan3A_118, %mul3A_207 : i32
      %add3A_209 = arith.constant 11 : i32
      %add3A_210 = arith.addi %mul3A_208, %add3A_209 : i32
      %mul3A_211 = arith.constant 16 : i32
      %mul3A_212 = arith.muli %add3A_210, %mul3A_211 : i32
      %swap3A_213 = arith.index_cast %mul3A_212 : i32 to index
      %swap3A_214 = tpu.vector_load %arg6[%swap3A_213] {strides = array<i32>} : memref<16384xf32, #tpu.memory_space<vmem>>, vector<16xf32>,
      tpu.vector_store %arg6[%swap3A_213], %broadcast_in_dim3A_5 {strides = array<i32>} : memref<16384xf32, #tpu.memory_space<vmem>>, vector<16xf32>,
      %mul3A_215 = arith.constant 16 : i32
      %mul3A_216 = arith.muli %scan3A_118, %mul3A_215 : i32
      %add3A_217 = arith.constant 12 : i32
      %add3A_218 = arith.addi %mul3A_216, %add3A_217 : i32
      %mul3A_219 = arith.constant 16 : i32
      %mul3A_220 = arith.muli %add3A_218, %mul3A_219 : i32
      %swap3A_221 = arith.index_cast %mul3A_220 : i32 to index
      %swap3A_222 = tpu.vector_load %arg6[%swap3A_221] {strides = array<i32>} : memref<16384xf32, #tpu.memory_space<vmem>>, vector<16xf32>,
      tpu.vector_store %arg6[%swap3A_221], %broadcast_in_dim3A_5 {strides = array<i32>} : memref<16384xf32, #tpu.memory_space<vmem>>, vector<16xf32>,
      %mul3A_223 = arith.constant 16 : i32
      %mul3A_224 = arith.muli %scan3A_118, %mul3A_223 : i32
      %add3A_225 = arith.constant 13 : i32
      %add3A_226 = arith.addi %mul3A_224, %add3A_225 : i32
      %mul3A_227 = arith.constant 16 : i32
      %mul3A_228 = arith.muli %add3A_226, %mul3A_227 : i32
      %swap3A_229 = arith.index_cast %mul3A_228 : i32 to index
      %swap3A_230 = tpu.vector_load %arg6[%swap3A_229] {strides = array<i32>} : memref<16384xf32, #tpu.memory_space<vmem>>, vector<16xf32>,
      tpu.vector_store %arg6[%swap3A_229], %broadcast_in_dim3A_5 {strides = array<i32>} : memref<16384xf32, #tpu.memory_space<vmem>>, vector<16xf32>,
      %mul3A_231 = arith.constant 16 : i32
      %mul3A_232 = arith.muli %scan3A_118, %mul3A_231 : i32
      %add3A_233 = arith.constant 14 : i32
      %add3A_234 = arith.addi %mul3A_232, %add3A_233 : i32
      %mul3A_235 = arith.constant 16 : i32
      %mul3A_236 = arith.muli %add3A_234, %mul3A_235 : i32
      %swap3A_237 = arith.index_cast %mul3A_236 : i32 to index
      %swap3A_238 = tpu.vector_load %arg6[%swap3A_237] {strides = array<i32>} : memref<16384xf32, #tpu.memory_space<vmem>>, vector<16xf32>,
      tpu.vector_store %arg6[%swap3A_237], %broadcast_in_dim3A_5 {strides = array<i32>} : memref<16384xf32, #tpu.memory_space<vmem>>, vector<16xf32>,
      %mul3A_239 = arith.constant 16 : i32
      %mul3A_240 = arith.muli %scan3A_118, %mul3A_239 : i32
      %add3A_241 = arith.constant 15 : i32
      %add3A_242 = arith.addi %mul3A_240, %add3A_241 : i32
      %mul3A_243 = arith.constant 16 : i32
      %mul3A_244 = arith.muli %add3A_242, %mul3A_243 : i32
      %swap3A_245 = arith.index_cast %mul3A_244 : i32 to index
      %swap3A_246 = tpu.vector_load %arg6[%swap3A_245] {strides = array<i32>} : memref<16384xf32, #tpu.memory_space<vmem>>, vector<16xf32>,
      tpu.vector_store %arg6[%swap3A_245], %broadcast_in_dim3A_5 {strides = array<i32>} : memref<16384xf32, #tpu.memory_space<vmem>>, vector<16xf32>,
      %scan3A_247 = arith.constant 0 : i32
      scf.yield %scan3A_247 : i32
    }
    %scan3A_41 = arith.constant 64 : i32
    %scan3A_42 = arith.constant 0 : i32
    %scan3A_43 = arith.constant 0 : i32
    %scan3A_44 = arith.constant 100 : i32
    %scan3A_45 = arith.addi %scan3A_43, %scan3A_44 : i32
    %scan3A_46 = arith.constant 1 : i32
    %scan3A_47 = scf.for %scan3A_118 = %scan3A_43 to %scan3A_45 step %scan3A_46 iter_args(%scan3A_119 = %scan3A_42) -> (i32)  : i32 {
      %get3A = arith.index_cast %scan3A_118 : i32 to index
      %get3A_120 = arith.constant 16 : index
      %get3A_121 = tpu.vector_load %arg4[%get3A, %get3A_120] {strides = array<i32>} : memref<100x64xi32, #tpu.memory_space<vmem>>, vector<16xi32>,
      %shift_right_arithmetic3A_122 = arith.constant 7 : i32
      %shift_right_arithmetic3A_123 = vector.broadcast %shift_right_arithmetic3A_122 : i32 to vector<16xi32>
      %shift_right_arithmetic3A_124 = arith.shrsi %get3A_121, %shift_right_arithmetic3A_123 : vector<16xi32>
      %mul3A_125 = arith.constant 896 : i32
      %mul3A_126 = vector.broadcast %mul3A_125 : i32 to vector<16xi32>
      %mul3A_127 = arith.muli %shift_right_arithmetic3A_124, %mul3A_126 : vector<16xi32>
      %add3A_128 = arith.addi %get3A_121, %mul3A_127 : vector<16xi32>
      %add3A_129 = arith.addi %add3A_16, %add3A_128 : vector<16xi32>
      tpu.vector_store_idx %arg6[%add3A_129], %broadcast_in_dim3A_3 {add = true} : memref<16384xf32, #tpu.memory_space<vmem>>[vector<16xi32>], vector<16xf32>,
      %scan3A_130 = arith.constant 0 : i32
      scf.yield %scan3A_130 : i32
    }
    %scan3A_48 = arith.constant 100 : i32
    %add3A_49 = arith.constant 16 : i32
    %add3A_50 = arith.addi %mul3A_2, %add3A_49 : i32
    %mul3A_51 = arith.constant 1024 : i32
    %mul3A_52 = arith.muli %add3A_50, %mul3A_51 : i32
    %dma_start3A_53 = tpu.memref_slice %arg3[%mul3A_52] : memref<2097152xf32, #tpu.memory_space<hbm>> -> memref<16384xf32, #tpu.memory_space<hbm>>
    %dma_start3A_54 = tpu.memref_slice %arg3[%mul3A_52] : memref<2097152xf32, #tpu.memory_space<hbm>> -> memref<16384xf32, #tpu.memory_space<hbm>>
    tpu.enqueue_dma source(%arg6 : memref<16384xf32, #tpu.memory_space<vmem>>) target(%dma_start3A_54 : memref<16384xf32, #tpu.memory_space<hbm>>) target_semaphore(%arg8 : memref<!tpu.dma_semaphore, #tpu.memory_space<semaphore_mem>>)
    %add3A_55 = arith.constant 0 : i32
    %add3A_56 = arith.addi %mul3A_2, %add3A_55 : i32
    %mul3A_57 = arith.constant 1024 : i32
    %mul3A_58 = arith.muli %add3A_56, %mul3A_57 : i32
    %dma_wait3A = tpu.memref_slice %arg3[%mul3A_58] : memref<2097152xf32, #tpu.memory_space<hbm>> -> memref<16384xf32, #tpu.memory_space<hbm>>
    %dma_wait3A_59 = tpu.memref_slice %arg3[%mul3A_58] : memref<2097152xf32, #tpu.memory_space<hbm>> -> memref<16384xf32, #tpu.memory_space<hbm>>
    tpu.wait_dma2 semaphore(%arg7 : memref<!tpu.dma_semaphore, #tpu.memory_space<semaphore_mem>>) src(%arg5 : memref<16384xf32, #tpu.memory_space<vmem>>) dst(%dma_wait3A_59 : memref<16384xf32, #tpu.memory_space<hbm>>)
    %scan3A_60 = arith.constant 0 : i32
    %scan3A_61 = arith.constant 0 : i32
    %scan3A_62 = arith.constant 64 : i32
    %scan3A_63 = arith.addi %scan3A_61, %scan3A_62 : i32
    %scan3A_64 = arith.constant 1 : i32
    %scan3A_65 = scf.for %scan3A_118 = %scan3A_61 to %scan3A_63 step %scan3A_64 iter_args(%scan3A_119 = %scan3A_60) -> (i32)  : i32 {
      %mul3A_120 = arith.constant 16 : i32
      %mul3A_121 = arith.muli %scan3A_118, %mul3A_120 : i32
      %add3A_122 = arith.constant 0 : i32
      %add3A_123 = arith.addi %mul3A_121, %add3A_122 : i32
      %mul3A_124 = arith.constant 16 : i32
      %mul3A_125 = arith.muli %add3A_123, %mul3A_124 : i32
      %swap3A = arith.index_cast %mul3A_125 : i32 to index
      %swap3A_126 = tpu.vector_load %arg5[%swap3A] {strides = array<i32>} : memref<16384xf32, #tpu.memory_space<vmem>>, vector<16xf32>,
      tpu.vector_store %arg5[%swap3A], %broadcast_in_dim3A_5 {strides = array<i32>} : memref<16384xf32, #tpu.memory_space<vmem>>, vector<16xf32>,
      %mul3A_127 = arith.constant 16 : i32
      %mul3A_128 = arith.muli %scan3A_118, %mul3A_127 : i32
      %add3A_129 = arith.constant 1 : i32
      %add3A_130 = arith.addi %mul3A_128, %add3A_129 : i32
      %mul3A_131 = arith.constant 16 : i32
      %mul3A_132 = arith.muli %add3A_130, %mul3A_131 : i32
      %swap3A_133 = arith.index_cast %mul3A_132 : i32 to index
      %swap3A_134 = tpu.vector_load %arg5[%swap3A_133] {strides = array<i32>} : memref<16384xf32, #tpu.memory_space<vmem>>, vector<16xf32>,
      tpu.vector_store %arg5[%swap3A_133], %broadcast_in_dim3A_5 {strides = array<i32>} : memref<16384xf32, #tpu.memory_space<vmem>>, vector<16xf32>,
      %mul3A_135 = arith.constant 16 : i32
      %mul3A_136 = arith.muli %scan3A_118, %mul3A_135 : i32
      %add3A_137 = arith.constant 2 : i32
      %add3A_138 = arith.addi %mul3A_136, %add3A_137 : i32
      %mul3A_139 = arith.constant 16 : i32
      %mul3A_140 = arith.muli %add3A_138, %mul3A_139 : i32
      %swap3A_141 = arith.index_cast %mul3A_140 : i32 to index
      %swap3A_142 = tpu.vector_load %arg5[%swap3A_141] {strides = array<i32>} : memref<16384xf32, #tpu.memory_space<vmem>>, vector<16xf32>,
      tpu.vector_store %arg5[%swap3A_141], %broadcast_in_dim3A_5 {strides = array<i32>} : memref<16384xf32, #tpu.memory_space<vmem>>, vector<16xf32>,
      %mul3A_143 = arith.constant 16 : i32
      %mul3A_144 = arith.muli %scan3A_118, %mul3A_143 : i32
      %add3A_145 = arith.constant 3 : i32
      %add3A_146 = arith.addi %mul3A_144, %add3A_145 : i32
      %mul3A_147 = arith.constant 16 : i32
      %mul3A_148 = arith.muli %add3A_146, %mul3A_147 : i32
      %swap3A_149 = arith.index_cast %mul3A_148 : i32 to index
      %swap3A_150 = tpu.vector_load %arg5[%swap3A_149] {strides = array<i32>} : memref<16384xf32, #tpu.memory_space<vmem>>, vector<16xf32>,
      tpu.vector_store %arg5[%swap3A_149], %broadcast_in_dim3A_5 {strides = array<i32>} : memref<16384xf32, #tpu.memory_space<vmem>>, vector<16xf32>,
      %mul3A_151 = arith.constant 16 : i32
      %mul3A_152 = arith.muli %scan3A_118, %mul3A_151 : i32
      %add3A_153 = arith.constant 4 : i32
      %add3A_154 = arith.addi %mul3A_152, %add3A_153 : i32
      %mul3A_155 = arith.constant 16 : i32
      %mul3A_156 = arith.muli %add3A_154, %mul3A_155 : i32
      %swap3A_157 = arith.index_cast %mul3A_156 : i32 to index
      %swap3A_158 = tpu.vector_load %arg5[%swap3A_157] {strides = array<i32>} : memref<16384xf32, #tpu.memory_space<vmem>>, vector<16xf32>,
      tpu.vector_store %arg5[%swap3A_157], %broadcast_in_dim3A_5 {strides = array<i32>} : memref<16384xf32, #tpu.memory_space<vmem>>, vector<16xf32>,
      %mul3A_159 = arith.constant 16 : i32
      %mul3A_160 = arith.muli %scan3A_118, %mul3A_159 : i32
      %add3A_161 = arith.constant 5 : i32
      %add3A_162 = arith.addi %mul3A_160, %add3A_161 : i32
      %mul3A_163 = arith.constant 16 : i32
      %mul3A_164 = arith.muli %add3A_162, %mul3A_163 : i32
      %swap3A_165 = arith.index_cast %mul3A_164 : i32 to index
      %swap3A_166 = tpu.vector_load %arg5[%swap3A_165] {strides = array<i32>} : memref<16384xf32, #tpu.memory_space<vmem>>, vector<16xf32>,
      tpu.vector_store %arg5[%swap3A_165], %broadcast_in_dim3A_5 {strides = array<i32>} : memref<16384xf32, #tpu.memory_space<vmem>>, vector<16xf32>,
      %mul3A_167 = arith.constant 16 : i32
      %mul3A_168 = arith.muli %scan3A_118, %mul3A_167 : i32
      %add3A_169 = arith.constant 6 : i32
      %add3A_170 = arith.addi %mul3A_168, %add3A_169 : i32
      %mul3A_171 = arith.constant 16 : i32
      %mul3A_172 = arith.muli %add3A_170, %mul3A_171 : i32
      %swap3A_173 = arith.index_cast %mul3A_172 : i32 to index
      %swap3A_174 = tpu.vector_load %arg5[%swap3A_173] {strides = array<i32>} : memref<16384xf32, #tpu.memory_space<vmem>>, vector<16xf32>,
      tpu.vector_store %arg5[%swap3A_173], %broadcast_in_dim3A_5 {strides = array<i32>} : memref<16384xf32, #tpu.memory_space<vmem>>, vector<16xf32>,
      %mul3A_175 = arith.constant 16 : i32
      %mul3A_176 = arith.muli %scan3A_118, %mul3A_175 : i32
      %add3A_177 = arith.constant 7 : i32
      %add3A_178 = arith.addi %mul3A_176, %add3A_177 : i32
      %mul3A_179 = arith.constant 16 : i32
      %mul3A_180 = arith.muli %add3A_178, %mul3A_179 : i32
      %swap3A_181 = arith.index_cast %mul3A_180 : i32 to index
      %swap3A_182 = tpu.vector_load %arg5[%swap3A_181] {strides = array<i32>} : memref<16384xf32, #tpu.memory_space<vmem>>, vector<16xf32>,
      tpu.vector_store %arg5[%swap3A_181], %broadcast_in_dim3A_5 {strides = array<i32>} : memref<16384xf32, #tpu.memory_space<vmem>>, vector<16xf32>,
      %mul3A_183 = arith.constant 16 : i32
      %mul3A_184 = arith.muli %scan3A_118, %mul3A_183 : i32
      %add3A_185 = arith.constant 8 : i32
      %add3A_186 = arith.addi %mul3A_184, %add3A_185 : i32
      %mul3A_187 = arith.constant 16 : i32
      %mul3A_188 = arith.muli %add3A_186, %mul3A_187 : i32
      %swap3A_189 = arith.index_cast %mul3A_188 : i32 to index
      %swap3A_190 = tpu.vector_load %arg5[%swap3A_189] {strides = array<i32>} : memref<16384xf32, #tpu.memory_space<vmem>>, vector<16xf32>,
      tpu.vector_store %arg5[%swap3A_189], %broadcast_in_dim3A_5 {strides = array<i32>} : memref<16384xf32, #tpu.memory_space<vmem>>, vector<16xf32>,
      %mul3A_191 = arith.constant 16 : i32
      %mul3A_192 = arith.muli %scan3A_118, %mul3A_191 : i32
      %add3A_193 = arith.constant 9 : i32
      %add3A_194 = arith.addi %mul3A_192, %add3A_193 : i32
      %mul3A_195 = arith.constant 16 : i32
      %mul3A_196 = arith.muli %add3A_194, %mul3A_195 : i32
      %swap3A_197 = arith.index_cast %mul3A_196 : i32 to index
      %swap3A_198 = tpu.vector_load %arg5[%swap3A_197] {strides = array<i32>} : memref<16384xf32, #tpu.memory_space<vmem>>, vector<16xf32>,
      tpu.vector_store %arg5[%swap3A_197], %broadcast_in_dim3A_5 {strides = array<i32>} : memref<16384xf32, #tpu.memory_space<vmem>>, vector<16xf32>,
      %mul3A_199 = arith.constant 16 : i32
      %mul3A_200 = arith.muli %scan3A_118, %mul3A_199 : i32
      %add3A_201 = arith.constant 10 : i32
      %add3A_202 = arith.addi %mul3A_200, %add3A_201 : i32
      %mul3A_203 = arith.constant 16 : i32
      %mul3A_204 = arith.muli %add3A_202, %mul3A_203 : i32
      %swap3A_205 = arith.index_cast %mul3A_204 : i32 to index
      %swap3A_206 = tpu.vector_load %arg5[%swap3A_205] {strides = array<i32>} : memref<16384xf32, #tpu.memory_space<vmem>>, vector<16xf32>,
      tpu.vector_store %arg5[%swap3A_205], %broadcast_in_dim3A_5 {strides = array<i32>} : memref<16384xf32, #tpu.memory_space<vmem>>, vector<16xf32>,
      %mul3A_207 = arith.constant 16 : i32
      %mul3A_208 = arith.muli %scan3A_118, %mul3A_207 : i32
      %add3A_209 = arith.constant 11 : i32
      %add3A_210 = arith.addi %mul3A_208, %add3A_209 : i32
      %mul3A_211 = arith.constant 16 : i32
      %mul3A_212 = arith.muli %add3A_210, %mul3A_211 : i32
      %swap3A_213 = arith.index_cast %mul3A_212 : i32 to index
      %swap3A_214 = tpu.vector_load %arg5[%swap3A_213] {strides = array<i32>} : memref<16384xf32, #tpu.memory_space<vmem>>, vector<16xf32>,
      tpu.vector_store %arg5[%swap3A_213], %broadcast_in_dim3A_5 {strides = array<i32>} : memref<16384xf32, #tpu.memory_space<vmem>>, vector<16xf32>,
      %mul3A_215 = arith.constant 16 : i32
      %mul3A_216 = arith.muli %scan3A_118, %mul3A_215 : i32
      %add3A_217 = arith.constant 12 : i32
      %add3A_218 = arith.addi %mul3A_216, %add3A_217 : i32
      %mul3A_219 = arith.constant 16 : i32
      %mul3A_220 = arith.muli %add3A_218, %mul3A_219 : i32
      %swap3A_221 = arith.index_cast %mul3A_220 : i32 to index
      %swap3A_222 = tpu.vector_load %arg5[%swap3A_221] {strides = array<i32>} : memref<16384xf32, #tpu.memory_space<vmem>>, vector<16xf32>,
      tpu.vector_store %arg5[%swap3A_221], %broadcast_in_dim3A_5 {strides = array<i32>} : memref<16384xf32, #tpu.memory_space<vmem>>, vector<16xf32>,
      %mul3A_223 = arith.constant 16 : i32
      %mul3A_224 = arith.muli %scan3A_118, %mul3A_223 : i32
      %add3A_225 = arith.constant 13 : i32
      %add3A_226 = arith.addi %mul3A_224, %add3A_225 : i32
      %mul3A_227 = arith.constant 16 : i32
      %mul3A_228 = arith.muli %add3A_226, %mul3A_227 : i32
      %swap3A_229 = arith.index_cast %mul3A_228 : i32 to index
      %swap3A_230 = tpu.vector_load %arg5[%swap3A_229] {strides = array<i32>} : memref<16384xf32, #tpu.memory_space<vmem>>, vector<16xf32>,
      tpu.vector_store %arg5[%swap3A_229], %broadcast_in_dim3A_5 {strides = array<i32>} : memref<16384xf32, #tpu.memory_space<vmem>>, vector<16xf32>,
      %mul3A_231 = arith.constant 16 : i32
      %mul3A_232 = arith.muli %scan3A_118, %mul3A_231 : i32
      %add3A_233 = arith.constant 14 : i32
      %add3A_234 = arith.addi %mul3A_232, %add3A_233 : i32
      %mul3A_235 = arith.constant 16 : i32
      %mul3A_236 = arith.muli %add3A_234, %mul3A_235 : i32
      %swap3A_237 = arith.index_cast %mul3A_236 : i32 to index
      %swap3A_238 = tpu.vector_load %arg5[%swap3A_237] {strides = array<i32>} : memref<16384xf32, #tpu.memory_space<vmem>>, vector<16xf32>,
      tpu.vector_store %arg5[%swap3A_237], %broadcast_in_dim3A_5 {strides = array<i32>} : memref<16384xf32, #tpu.memory_space<vmem>>, vector<16xf32>,
      %mul3A_239 = arith.constant 16 : i32
      %mul3A_240 = arith.muli %scan3A_118, %mul3A_239 : i32
      %add3A_241 = arith.constant 15 : i32
      %add3A_242 = arith.addi %mul3A_240, %add3A_241 : i32
      %mul3A_243 = arith.constant 16 : i32
      %mul3A_244 = arith.muli %add3A_242, %mul3A_243 : i32
      %swap3A_245 = arith.index_cast %mul3A_244 : i32 to index
      %swap3A_246 = tpu.vector_load %arg5[%swap3A_245] {strides = array<i32>} : memref<16384xf32, #tpu.memory_space<vmem>>, vector<16xf32>,
      tpu.vector_store %arg5[%swap3A_245], %broadcast_in_dim3A_5 {strides = array<i32>} : memref<16384xf32, #tpu.memory_space<vmem>>, vector<16xf32>,
      %scan3A_247 = arith.constant 0 : i32
      scf.yield %scan3A_247 : i32
    }
    %scan3A_66 = arith.constant 64 : i32
    %scan3A_67 = arith.constant 0 : i32
    %scan3A_68 = arith.constant 0 : i32
    %scan3A_69 = arith.constant 100 : i32
    %scan3A_70 = arith.addi %scan3A_68, %scan3A_69 : i32
    %scan3A_71 = arith.constant 1 : i32
    %scan3A_72 = scf.for %scan3A_118 = %scan3A_68 to %scan3A_70 step %scan3A_71 iter_args(%scan3A_119 = %scan3A_67) -> (i32)  : i32 {
      %get3A = arith.index_cast %scan3A_118 : i32 to index
      %get3A_120 = arith.constant 32 : index
      %get3A_121 = tpu.vector_load %arg4[%get3A, %get3A_120] {strides = array<i32>} : memref<100x64xi32, #tpu.memory_space<vmem>>, vector<16xi32>,
      %shift_right_arithmetic3A_122 = arith.constant 7 : i32
      %shift_right_arithmetic3A_123 = vector.broadcast %shift_right_arithmetic3A_122 : i32 to vector<16xi32>
      %shift_right_arithmetic3A_124 = arith.shrsi %get3A_121, %shift_right_arithmetic3A_123 : vector<16xi32>
      %mul3A_125 = arith.constant 896 : i32
      %mul3A_126 = vector.broadcast %mul3A_125 : i32 to vector<16xi32>
      %mul3A_127 = arith.muli %shift_right_arithmetic3A_124, %mul3A_126 : vector<16xi32>
      %add3A_128 = arith.addi %get3A_121, %mul3A_127 : vector<16xi32>
      %add3A_129 = arith.addi %add3A_16, %add3A_128 : vector<16xi32>
      tpu.vector_store_idx %arg5[%add3A_129], %broadcast_in_dim3A_3 {add = true} : memref<16384xf32, #tpu.memory_space<vmem>>[vector<16xi32>], vector<16xf32>,
      %scan3A_130 = arith.constant 0 : i32
      scf.yield %scan3A_130 : i32
    }
    %scan3A_73 = arith.constant 100 : i32
    %add3A_74 = arith.constant 32 : i32
    %add3A_75 = arith.addi %mul3A_2, %add3A_74 : i32
    %mul3A_76 = arith.constant 1024 : i32
    %mul3A_77 = arith.muli %add3A_75, %mul3A_76 : i32
    %dma_start3A_78 = tpu.memref_slice %arg3[%mul3A_77] : memref<2097152xf32, #tpu.memory_space<hbm>> -> memref<16384xf32, #tpu.memory_space<hbm>>
    %dma_start3A_79 = tpu.memref_slice %arg3[%mul3A_77] : memref<2097152xf32, #tpu.memory_space<hbm>> -> memref<16384xf32, #tpu.memory_space<hbm>>
    tpu.enqueue_dma source(%arg5 : memref<16384xf32, #tpu.memory_space<vmem>>) target(%dma_start3A_79 : memref<16384xf32, #tpu.memory_space<hbm>>) target_semaphore(%arg7 : memref<!tpu.dma_semaphore, #tpu.memory_space<semaphore_mem>>)
    %add3A_80 = arith.constant 16 : i32
    %add3A_81 = arith.addi %mul3A_2, %add3A_80 : i32
    %mul3A_82 = arith.constant 1024 : i32
    %mul3A_83 = arith.muli %add3A_81, %mul3A_82 : i32
    %dma_wait3A_84 = tpu.memref_slice %arg3[%mul3A_83] : memref<2097152xf32, #tpu.memory_space<hbm>> -> memref<16384xf32, #tpu.memory_space<hbm>>
    %dma_wait3A_85 = tpu.memref_slice %arg3[%mul3A_83] : memref<2097152xf32, #tpu.memory_space<hbm>> -> memref<16384xf32, #tpu.memory_space<hbm>>
    tpu.wait_dma2 semaphore(%arg8 : memref<!tpu.dma_semaphore, #tpu.memory_space<semaphore_mem>>) src(%arg6 : memref<16384xf32, #tpu.memory_space<vmem>>) dst(%dma_wait3A_85 : memref<16384xf32, #tpu.memory_space<hbm>>)
    %scan3A_86 = arith.constant 0 : i32
    %scan3A_87 = arith.constant 0 : i32
    %scan3A_88 = arith.constant 64 : i32
    %scan3A_89 = arith.addi %scan3A_87, %scan3A_88 : i32
    %scan3A_90 = arith.constant 1 : i32
    %scan3A_91 = scf.for %scan3A_118 = %scan3A_87 to %scan3A_89 step %scan3A_90 iter_args(%scan3A_119 = %scan3A_86) -> (i32)  : i32 {
      %mul3A_120 = arith.constant 16 : i32
      %mul3A_121 = arith.muli %scan3A_118, %mul3A_120 : i32
      %add3A_122 = arith.constant 0 : i32
      %add3A_123 = arith.addi %mul3A_121, %add3A_122 : i32
      %mul3A_124 = arith.constant 16 : i32
      %mul3A_125 = arith.muli %add3A_123, %mul3A_124 : i32
      %swap3A = arith.index_cast %mul3A_125 : i32 to index
      %swap3A_126 = tpu.vector_load %arg6[%swap3A] {strides = array<i32>} : memref<16384xf32, #tpu.memory_space<vmem>>, vector<16xf32>,
      tpu.vector_store %arg6[%swap3A], %broadcast_in_dim3A_5 {strides = array<i32>} : memref<16384xf32, #tpu.memory_space<vmem>>, vector<16xf32>,
      %mul3A_127 = arith.constant 16 : i32
      %mul3A_128 = arith.muli %scan3A_118, %mul3A_127 : i32
      %add3A_129 = arith.constant 1 : i32
      %add3A_130 = arith.addi %mul3A_128, %add3A_129 : i32
      %mul3A_131 = arith.constant 16 : i32
      %mul3A_132 = arith.muli %add3A_130, %mul3A_131 : i32
      %swap3A_133 = arith.index_cast %mul3A_132 : i32 to index
      %swap3A_134 = tpu.vector_load %arg6[%swap3A_133] {strides = array<i32>} : memref<16384xf32, #tpu.memory_space<vmem>>, vector<16xf32>,
      tpu.vector_store %arg6[%swap3A_133], %broadcast_in_dim3A_5 {strides = array<i32>} : memref<16384xf32, #tpu.memory_space<vmem>>, vector<16xf32>,
      %mul3A_135 = arith.constant 16 : i32
      %mul3A_136 = arith.muli %scan3A_118, %mul3A_135 : i32
      %add3A_137 = arith.constant 2 : i32
      %add3A_138 = arith.addi %mul3A_136, %add3A_137 : i32
      %mul3A_139 = arith.constant 16 : i32
      %mul3A_140 = arith.muli %add3A_138, %mul3A_139 : i32
      %swap3A_141 = arith.index_cast %mul3A_140 : i32 to index
      %swap3A_142 = tpu.vector_load %arg6[%swap3A_141] {strides = array<i32>} : memref<16384xf32, #tpu.memory_space<vmem>>, vector<16xf32>,
      tpu.vector_store %arg6[%swap3A_141], %broadcast_in_dim3A_5 {strides = array<i32>} : memref<16384xf32, #tpu.memory_space<vmem>>, vector<16xf32>,
      %mul3A_143 = arith.constant 16 : i32
      %mul3A_144 = arith.muli %scan3A_118, %mul3A_143 : i32
      %add3A_145 = arith.constant 3 : i32
      %add3A_146 = arith.addi %mul3A_144, %add3A_145 : i32
      %mul3A_147 = arith.constant 16 : i32
      %mul3A_148 = arith.muli %add3A_146, %mul3A_147 : i32
      %swap3A_149 = arith.index_cast %mul3A_148 : i32 to index
      %swap3A_150 = tpu.vector_load %arg6[%swap3A_149] {strides = array<i32>} : memref<16384xf32, #tpu.memory_space<vmem>>, vector<16xf32>,
      tpu.vector_store %arg6[%swap3A_149], %broadcast_in_dim3A_5 {strides = array<i32>} : memref<16384xf32, #tpu.memory_space<vmem>>, vector<16xf32>,
      %mul3A_151 = arith.constant 16 : i32
      %mul3A_152 = arith.muli %scan3A_118, %mul3A_151 : i32
      %add3A_153 = arith.constant 4 : i32
      %add3A_154 = arith.addi %mul3A_152, %add3A_153 : i32
      %mul3A_155 = arith.constant 16 : i32
      %mul3A_156 = arith.muli %add3A_154, %mul3A_155 : i32
      %swap3A_157 = arith.index_cast %mul3A_156 : i32 to index
      %swap3A_158 = tpu.vector_load %arg6[%swap3A_157] {strides = array<i32>} : memref<16384xf32, #tpu.memory_space<vmem>>, vector<16xf32>,
      tpu.vector_store %arg6[%swap3A_157], %broadcast_in_dim3A_5 {strides = array<i32>} : memref<16384xf32, #tpu.memory_space<vmem>>, vector<16xf32>,
      %mul3A_159 = arith.constant 16 : i32
      %mul3A_160 = arith.muli %scan3A_118, %mul3A_159 : i32
      %add3A_161 = arith.constant 5 : i32
      %add3A_162 = arith.addi %mul3A_160, %add3A_161 : i32
      %mul3A_163 = arith.constant 16 : i32
      %mul3A_164 = arith.muli %add3A_162, %mul3A_163 : i32
      %swap3A_165 = arith.index_cast %mul3A_164 : i32 to index
      %swap3A_166 = tpu.vector_load %arg6[%swap3A_165] {strides = array<i32>} : memref<16384xf32, #tpu.memory_space<vmem>>, vector<16xf32>,
      tpu.vector_store %arg6[%swap3A_165], %broadcast_in_dim3A_5 {strides = array<i32>} : memref<16384xf32, #tpu.memory_space<vmem>>, vector<16xf32>,
      %mul3A_167 = arith.constant 16 : i32
      %mul3A_168 = arith.muli %scan3A_118, %mul3A_167 : i32
      %add3A_169 = arith.constant 6 : i32
      %add3A_170 = arith.addi %mul3A_168, %add3A_169 : i32
      %mul3A_171 = arith.constant 16 : i32
      %mul3A_172 = arith.muli %add3A_170, %mul3A_171 : i32
      %swap3A_173 = arith.index_cast %mul3A_172 : i32 to index
      %swap3A_174 = tpu.vector_load %arg6[%swap3A_173] {strides = array<i32>} : memref<16384xf32, #tpu.memory_space<vmem>>, vector<16xf32>,
      tpu.vector_store %arg6[%swap3A_173], %broadcast_in_dim3A_5 {strides = array<i32>} : memref<16384xf32, #tpu.memory_space<vmem>>, vector<16xf32>,
      %mul3A_175 = arith.constant 16 : i32
      %mul3A_176 = arith.muli %scan3A_118, %mul3A_175 : i32
      %add3A_177 = arith.constant 7 : i32
      %add3A_178 = arith.addi %mul3A_176, %add3A_177 : i32
      %mul3A_179 = arith.constant 16 : i32
      %mul3A_180 = arith.muli %add3A_178, %mul3A_179 : i32
      %swap3A_181 = arith.index_cast %mul3A_180 : i32 to index
      %swap3A_182 = tpu.vector_load %arg6[%swap3A_181] {strides = array<i32>} : memref<16384xf32, #tpu.memory_space<vmem>>, vector<16xf32>,
      tpu.vector_store %arg6[%swap3A_181], %broadcast_in_dim3A_5 {strides = array<i32>} : memref<16384xf32, #tpu.memory_space<vmem>>, vector<16xf32>,
      %mul3A_183 = arith.constant 16 : i32
      %mul3A_184 = arith.muli %scan3A_118, %mul3A_183 : i32
      %add3A_185 = arith.constant 8 : i32
      %add3A_186 = arith.addi %mul3A_184, %add3A_185 : i32
      %mul3A_187 = arith.constant 16 : i32
      %mul3A_188 = arith.muli %add3A_186, %mul3A_187 : i32
      %swap3A_189 = arith.index_cast %mul3A_188 : i32 to index
      %swap3A_190 = tpu.vector_load %arg6[%swap3A_189] {strides = array<i32>} : memref<16384xf32, #tpu.memory_space<vmem>>, vector<16xf32>,
      tpu.vector_store %arg6[%swap3A_189], %broadcast_in_dim3A_5 {strides = array<i32>} : memref<16384xf32, #tpu.memory_space<vmem>>, vector<16xf32>,
      %mul3A_191 = arith.constant 16 : i32
      %mul3A_192 = arith.muli %scan3A_118, %mul3A_191 : i32
      %add3A_193 = arith.constant 9 : i32
      %add3A_194 = arith.addi %mul3A_192, %add3A_193 : i32
      %mul3A_195 = arith.constant 16 : i32
      %mul3A_196 = arith.muli %add3A_194, %mul3A_195 : i32
      %swap3A_197 = arith.index_cast %mul3A_196 : i32 to index
      %swap3A_198 = tpu.vector_load %arg6[%swap3A_197] {strides = array<i32>} : memref<16384xf32, #tpu.memory_space<vmem>>, vector<16xf32>,
      tpu.vector_store %arg6[%swap3A_197], %broadcast_in_dim3A_5 {strides = array<i32>} : memref<16384xf32, #tpu.memory_space<vmem>>, vector<16xf32>,
      %mul3A_199 = arith.constant 16 : i32
      %mul3A_200 = arith.muli %scan3A_118, %mul3A_199 : i32
      %add3A_201 = arith.constant 10 : i32
      %add3A_202 = arith.addi %mul3A_200, %add3A_201 : i32
      %mul3A_203 = arith.constant 16 : i32
      %mul3A_204 = arith.muli %add3A_202, %mul3A_203 : i32
      %swap3A_205 = arith.index_cast %mul3A_204 : i32 to index
      %swap3A_206 = tpu.vector_load %arg6[%swap3A_205] {strides = array<i32>} : memref<16384xf32, #tpu.memory_space<vmem>>, vector<16xf32>,
      tpu.vector_store %arg6[%swap3A_205], %broadcast_in_dim3A_5 {strides = array<i32>} : memref<16384xf32, #tpu.memory_space<vmem>>, vector<16xf32>,
      %mul3A_207 = arith.constant 16 : i32
      %mul3A_208 = arith.muli %scan3A_118, %mul3A_207 : i32
      %add3A_209 = arith.constant 11 : i32
      %add3A_210 = arith.addi %mul3A_208, %add3A_209 : i32
      %mul3A_211 = arith.constant 16 : i32
      %mul3A_212 = arith.muli %add3A_210, %mul3A_211 : i32
      %swap3A_213 = arith.index_cast %mul3A_212 : i32 to index
      %swap3A_214 = tpu.vector_load %arg6[%swap3A_213] {strides = array<i32>} : memref<16384xf32, #tpu.memory_space<vmem>>, vector<16xf32>,
      tpu.vector_store %arg6[%swap3A_213], %broadcast_in_dim3A_5 {strides = array<i32>} : memref<16384xf32, #tpu.memory_space<vmem>>, vector<16xf32>,
      %mul3A_215 = arith.constant 16 : i32
      %mul3A_216 = arith.muli %scan3A_118, %mul3A_215 : i32
      %add3A_217 = arith.constant 12 : i32
      %add3A_218 = arith.addi %mul3A_216, %add3A_217 : i32
      %mul3A_219 = arith.constant 16 : i32
      %mul3A_220 = arith.muli %add3A_218, %mul3A_219 : i32
      %swap3A_221 = arith.index_cast %mul3A_220 : i32 to index
      %swap3A_222 = tpu.vector_load %arg6[%swap3A_221] {strides = array<i32>} : memref<16384xf32, #tpu.memory_space<vmem>>, vector<16xf32>,
      tpu.vector_store %arg6[%swap3A_221], %broadcast_in_dim3A_5 {strides = array<i32>} : memref<16384xf32, #tpu.memory_space<vmem>>, vector<16xf32>,
      %mul3A_223 = arith.constant 16 : i32
      %mul3A_224 = arith.muli %scan3A_118, %mul3A_223 : i32
      %add3A_225 = arith.constant 13 : i32
      %add3A_226 = arith.addi %mul3A_224, %add3A_225 : i32
      %mul3A_227 = arith.constant 16 : i32
      %mul3A_228 = arith.muli %add3A_226, %mul3A_227 : i32
      %swap3A_229 = arith.index_cast %mul3A_228 : i32 to index
      %swap3A_230 = tpu.vector_load %arg6[%swap3A_229] {strides = array<i32>} : memref<16384xf32, #tpu.memory_space<vmem>>, vector<16xf32>,
      tpu.vector_store %arg6[%swap3A_229], %broadcast_in_dim3A_5 {strides = array<i32>} : memref<16384xf32, #tpu.memory_space<vmem>>, vector<16xf32>,
      %mul3A_231 = arith.constant 16 : i32
      %mul3A_232 = arith.muli %scan3A_118, %mul3A_231 : i32
      %add3A_233 = arith.constant 14 : i32
      %add3A_234 = arith.addi %mul3A_232, %add3A_233 : i32
      %mul3A_235 = arith.constant 16 : i32
      %mul3A_236 = arith.muli %add3A_234, %mul3A_235 : i32
      %swap3A_237 = arith.index_cast %mul3A_236 : i32 to index
      %swap3A_238 = tpu.vector_load %arg6[%swap3A_237] {strides = array<i32>} : memref<16384xf32, #tpu.memory_space<vmem>>, vector<16xf32>,
      tpu.vector_store %arg6[%swap3A_237], %broadcast_in_dim3A_5 {strides = array<i32>} : memref<16384xf32, #tpu.memory_space<vmem>>, vector<16xf32>,
      %mul3A_239 = arith.constant 16 : i32
      %mul3A_240 = arith.muli %scan3A_118, %mul3A_239 : i32
      %add3A_241 = arith.constant 15 : i32
      %add3A_242 = arith.addi %mul3A_240, %add3A_241 : i32
      %mul3A_243 = arith.constant 16 : i32
      %mul3A_244 = arith.muli %add3A_242, %mul3A_243 : i32
      %swap3A_245 = arith.index_cast %mul3A_244 : i32 to index
      %swap3A_246 = tpu.vector_load %arg6[%swap3A_245] {strides = array<i32>} : memref<16384xf32, #tpu.memory_space<vmem>>, vector<16xf32>,
      tpu.vector_store %arg6[%swap3A_245], %broadcast_in_dim3A_5 {strides = array<i32>} : memref<16384xf32, #tpu.memory_space<vmem>>, vector<16xf32>,
      %scan3A_247 = arith.constant 0 : i32
      scf.yield %scan3A_247 : i32
    }
    %scan3A_92 = arith.constant 64 : i32
    %scan3A_93 = arith.constant 0 : i32
    %scan3A_94 = arith.constant 0 : i32
    %scan3A_95 = arith.constant 100 : i32
    %scan3A_96 = arith.addi %scan3A_94, %scan3A_95 : i32
    %scan3A_97 = arith.constant 1 : i32
    %scan3A_98 = scf.for %scan3A_118 = %scan3A_94 to %scan3A_96 step %scan3A_97 iter_args(%scan3A_119 = %scan3A_93) -> (i32)  : i32 {
      %get3A = arith.index_cast %scan3A_118 : i32 to index
      %get3A_120 = arith.constant 48 : index
      %get3A_121 = tpu.vector_load %arg4[%get3A, %get3A_120] {strides = array<i32>} : memref<100x64xi32, #tpu.memory_space<vmem>>, vector<16xi32>,
      %shift_right_arithmetic3A_122 = arith.constant 7 : i32
      %shift_right_arithmetic3A_123 = vector.broadcast %shift_right_arithmetic3A_122 : i32 to vector<16xi32>
      %shift_right_arithmetic3A_124 = arith.shrsi %get3A_121, %shift_right_arithmetic3A_123 : vector<16xi32>
      %mul3A_125 = arith.constant 896 : i32
      %mul3A_126 = vector.broadcast %mul3A_125 : i32 to vector<16xi32>
      %mul3A_127 = arith.muli %shift_right_arithmetic3A_124, %mul3A_126 : vector<16xi32>
      %add3A_128 = arith.addi %get3A_121, %mul3A_127 : vector<16xi32>
      %add3A_129 = arith.addi %add3A_16, %add3A_128 : vector<16xi32>
      tpu.vector_store_idx %arg6[%add3A_129], %broadcast_in_dim3A_3 {add = true} : memref<16384xf32, #tpu.memory_space<vmem>>[vector<16xi32>], vector<16xf32>,
      %scan3A_130 = arith.constant 0 : i32
      scf.yield %scan3A_130 : i32
    }
    %scan3A_99 = arith.constant 100 : i32
    %add3A_100 = arith.constant 48 : i32
    %add3A_101 = arith.addi %mul3A_2, %add3A_100 : i32
    %mul3A_102 = arith.constant 1024 : i32
    %mul3A_103 = arith.muli %add3A_101, %mul3A_102 : i32
    %dma_start3A_104 = tpu.memref_slice %arg3[%mul3A_103] : memref<2097152xf32, #tpu.memory_space<hbm>> -> memref<16384xf32, #tpu.memory_space<hbm>>
    %dma_start3A_105 = tpu.memref_slice %arg3[%mul3A_103] : memref<2097152xf32, #tpu.memory_space<hbm>> -> memref<16384xf32, #tpu.memory_space<hbm>>
    tpu.enqueue_dma source(%arg6 : memref<16384xf32, #tpu.memory_space<vmem>>) target(%dma_start3A_105 : memref<16384xf32, #tpu.memory_space<hbm>>) target_semaphore(%arg8 : memref<!tpu.dma_semaphore, #tpu.memory_space<semaphore_mem>>)
    %add3A_106 = arith.constant 32 : i32
    %add3A_107 = arith.addi %mul3A_2, %add3A_106 : i32
    %mul3A_108 = arith.constant 1024 : i32
    %mul3A_109 = arith.muli %add3A_107, %mul3A_108 : i32
    %dma_wait3A_110 = tpu.memref_slice %arg3[%mul3A_109] : memref<2097152xf32, #tpu.memory_space<hbm>> -> memref<16384xf32, #tpu.memory_space<hbm>>
    %dma_wait3A_111 = tpu.memref_slice %arg3[%mul3A_109] : memref<2097152xf32, #tpu.memory_space<hbm>> -> memref<16384xf32, #tpu.memory_space<hbm>>
    tpu.wait_dma2 semaphore(%arg7 : memref<!tpu.dma_semaphore, #tpu.memory_space<semaphore_mem>>) src(%arg5 : memref<16384xf32, #tpu.memory_space<vmem>>) dst(%dma_wait3A_111 : memref<16384xf32, #tpu.memory_space<hbm>>)
    %add3A_112 = arith.constant 48 : i32
    %add3A_113 = arith.addi %mul3A_2, %add3A_112 : i32
    %mul3A_114 = arith.constant 1024 : i32
    %mul3A_115 = arith.muli %add3A_113, %mul3A_114 : i32
    %dma_wait3A_116 = tpu.memref_slice %arg3[%mul3A_115] : memref<2097152xf32, #tpu.memory_space<hbm>> -> memref<16384xf32, #tpu.memory_space<hbm>>
    %dma_wait3A_117 = tpu.memref_slice %arg3[%mul3A_115] : memref<2097152xf32, #tpu.memory_space<hbm>> -> memref<16384xf32, #tpu.memory_space<hbm>>
    tpu.wait_dma2 semaphore(%arg8 : memref<!tpu.dma_semaphore, #tpu.memory_space<semaphore_mem>>) src(%arg6 : memref<16384xf32, #tpu.memory_space<vmem>>) dst(%dma_wait3A_117 : memref<16384xf32, #tpu.memory_space<hbm>>)
    return
  }
}

#map = affine_map<(d0, d1) -> (0, 0)>
#map1 = affine_map<(d0, d1) -> (0)>
module attributes {stable_mosaic.version = 14 : i64} {
  func.func @_counts_body(%arg0: i32, %arg1: i32, %arg2: memref<100x2048xi32, #tpu.memory_space<hbm>>, %arg3: memref<2097152xf32, #tpu.memory_space<hbm>>, %arg4: memref<100x64xi32, #tpu.memory_space<vmem>>, %arg5: memref<16384xf32, #tpu.memory_space<vmem>>, %arg6: memref<16384xf32, #tpu.memory_space<vmem>>, %arg7: memref<!tpu.dma_semaphore, #tpu.memory_space<semaphore_mem>>, %arg8: memref<!tpu.dma_semaphore, #tpu.memory_space<semaphore_mem>>) attributes {dimension_semantics = [#tpu.dimension_semantics<core_parallel>, #tpu.dimension_semantics<subcore_parallel>], iteration_bounds = array<i64: 2, 16>, scalar_prefetch = 0 : i64, scratch_operands = 5 : i64, tpu.core_type = #tpu.core_type<sc_vector_subcore>, window_params = [{transform_indices = #map}, {transform_indices = #map1}]} {
    %mul3A = arith.constant 2 : i32
    %mul3A_0 = arith.muli %arg1, %mul3A : i32
    %add3A = arith.addi %mul3A_0, %arg0 : i32
    %mul3A_1 = arith.constant 64 : i32
    %mul3A_2 = arith.muli %add3A, %mul3A_1 : i32
    "tpu.region"() ({
      %run_scoped3A = tpu.sem_alloc : memref<!tpu.dma_semaphore, #tpu.memory_space<semaphore_mem>>
      %dma_start3A_118 = arith.constant 0 : i32
      %dma_start3A_119 = tpu.memref_slice %arg2[%dma_start3A_118, %mul3A_2] : memref<100x2048xi32, #tpu.memory_space<hbm>> -> memref<100x64xi32, #tpu.memory_space<hbm>>
      %dma_start3A_120 = arith.constant 0 : i32
      %dma_start3A_121 = tpu.memref_slice %arg2[%dma_start3A_120, %mul3A_2] : memref<100x2048xi32, #tpu.memory_space<hbm>> -> memref<100x64xi32, #tpu.memory_space<hbm>>
      tpu.enqueue_dma source(%dma_start3A_121 : memref<100x64xi32, #tpu.memory_space<hbm>>) target(%arg4 : memref<100x64xi32, #tpu.memory_space<vmem>>) target_semaphore(%run_scoped3A : memref<!tpu.dma_semaphore, #tpu.memory_space<semaphore_mem>>)
      %dma_wait3A_122 = arith.constant 0 : i32
      %dma_wait3A_123 = tpu.memref_slice %arg2[%dma_wait3A_122, %mul3A_2] : memref<100x2048xi32, #tpu.memory_space<hbm>> -> memref<100x64xi32, #tpu.memory_space<hbm>>
      %dma_wait3A_124 = arith.constant 0 : i32
      %dma_wait3A_125 = tpu.memref_slice %arg2[%dma_wait3A_124, %mul3A_2] : memref<100x2048xi32, #tpu.memory_space<hbm>> -> memref<100x64xi32, #tpu.memory_space<hbm>>
      tpu.wait_dma2 semaphore(%run_scoped3A : memref<!tpu.dma_semaphore, #tpu.memory_space<semaphore_mem>>) src(%dma_wait3A_125 : memref<100x64xi32, #tpu.memory_space<hbm>>) dst(%arg4 : memref<100x64xi32, #tpu.memory_space<vmem>>)
      tpu.yield
    }) : () -> ()
    %iota3A = tpu.iota {dimensions = array<i32: 0>} : vector<16xi32>
    %broadcast_in_dim3A = arith.constant 1.000000e+00 : f32
    %broadcast_in_dim3A_3 = vector.broadcast %broadcast_in_dim3A : f32 to vector<16xf32>
    %broadcast_in_dim3A_4 = arith.constant 0.000000e+00 : f32
    %broadcast_in_dim3A_5 = vector.broadcast %broadcast_in_dim3A_4 : f32 to vector<16xf32>
    %shift_right_arithmetic3A = arith.constant 3 : i32
    %shift_right_arithmetic3A_6 = vector.broadcast %shift_right_arithmetic3A : i32 to vector<16xi32>
    %shift_right_arithmetic3A_7 = arith.shrsi %iota3A, %shift_right_arithmetic3A_6 : vector<16xi32>
    %mul3A_8 = arith.constant 8192 : i32
    %mul3A_9 = vector.broadcast %mul3A_8 : i32 to vector<16xi32>
    %mul3A_10 = arith.muli %shift_right_arithmetic3A_7, %mul3A_9 : vector<16xi32>
    %and3A = arith.constant 7 : i32
    %and3A_11 = vector.broadcast %and3A : i32 to vector<16xi32>
    %and3A_12 = arith.andi %iota3A, %and3A_11 : vector<16xi32>
    %mul3A_13 = arith.constant 128 : i32
    %mul3A_14 = vector.broadcast %mul3A_13 : i32 to vector<16xi32>
    %mul3A_15 = arith.muli %and3A_12, %mul3A_14 : vector<16xi32>
    %add3A_16 = arith.addi %mul3A_10, %mul3A_15 : vector<16xi32>
    %scan3A = arith.constant 0 : i32
    %scan3A_17 = arith.constant 0 : i32
    %scan3A_18 = arith.constant 64 : i32
    %scan3A_19 = arith.addi %scan3A_17, %scan3A_18 : i32
    %scan3A_20 = arith.constant 1 : i32
    %scan3A_21 = scf.for %scan3A_118 = %scan3A_17 to %scan3A_19 step %scan3A_20 iter_args(%scan3A_119 = %scan3A) -> (i32)  : i32 {
      %mul3A_120 = arith.constant 16 : i32
      %mul3A_121 = arith.muli %scan3A_118, %mul3A_120 : i32
      %add3A_122 = arith.constant 0 : i32
      %add3A_123 = arith.addi %mul3A_121, %add3A_122 : i32
      %mul3A_124 = arith.constant 16 : i32
      %mul3A_125 = arith.muli %add3A_123, %mul3A_124 : i32
      %swap3A = arith.index_cast %mul3A_125 : i32 to index
      %swap3A_126 = tpu.vector_load %arg5[%swap3A] {strides = array<i32>} : memref<16384xf32, #tpu.memory_space<vmem>>, vector<16xf32>,
      tpu.vector_store %arg5[%swap3A], %broadcast_in_dim3A_5 {strides = array<i32>} : memref<16384xf32, #tpu.memory_space<vmem>>, vector<16xf32>,
      %mul3A_127 = arith.constant 16 : i32
      %mul3A_128 = arith.muli %scan3A_118, %mul3A_127 : i32
      %add3A_129 = arith.constant 1 : i32
      %add3A_130 = arith.addi %mul3A_128, %add3A_129 : i32
      %mul3A_131 = arith.constant 16 : i32
      %mul3A_132 = arith.muli %add3A_130, %mul3A_131 : i32
      %swap3A_133 = arith.index_cast %mul3A_132 : i32 to index
      %swap3A_134 = tpu.vector_load %arg5[%swap3A_133] {strides = array<i32>} : memref<16384xf32, #tpu.memory_space<vmem>>, vector<16xf32>,
      tpu.vector_store %arg5[%swap3A_133], %broadcast_in_dim3A_5 {strides = array<i32>} : memref<16384xf32, #tpu.memory_space<vmem>>, vector<16xf32>,
      %mul3A_135 = arith.constant 16 : i32
      %mul3A_136 = arith.muli %scan3A_118, %mul3A_135 : i32
      %add3A_137 = arith.constant 2 : i32
      %add3A_138 = arith.addi %mul3A_136, %add3A_137 : i32
      %mul3A_139 = arith.constant 16 : i32
      %mul3A_140 = arith.muli %add3A_138, %mul3A_139 : i32
      %swap3A_141 = arith.index_cast %mul3A_140 : i32 to index
      %swap3A_142 = tpu.vector_load %arg5[%swap3A_141] {strides = array<i32>} : memref<16384xf32, #tpu.memory_space<vmem>>, vector<16xf32>,
      tpu.vector_store %arg5[%swap3A_141], %broadcast_in_dim3A_5 {strides = array<i32>} : memref<16384xf32, #tpu.memory_space<vmem>>, vector<16xf32>,
      %mul3A_143 = arith.constant 16 : i32
      %mul3A_144 = arith.muli %scan3A_118, %mul3A_143 : i32
      %add3A_145 = arith.constant 3 : i32
      %add3A_146 = arith.addi %mul3A_144, %add3A_145 : i32
      %mul3A_147 = arith.constant 16 : i32
      %mul3A_148 = arith.muli %add3A_146, %mul3A_147 : i32
      %swap3A_149 = arith.index_cast %mul3A_148 : i32 to index
      %swap3A_150 = tpu.vector_load %arg5[%swap3A_149] {strides = array<i32>} : memref<16384xf32, #tpu.memory_space<vmem>>, vector<16xf32>,
      tpu.vector_store %arg5[%swap3A_149], %broadcast_in_dim3A_5 {strides = array<i32>} : memref<16384xf32, #tpu.memory_space<vmem>>, vector<16xf32>,
      %mul3A_151 = arith.constant 16 : i32
      %mul3A_152 = arith.muli %scan3A_118, %mul3A_151 : i32
      %add3A_153 = arith.constant 4 : i32
      %add3A_154 = arith.addi %mul3A_152, %add3A_153 : i32
      %mul3A_155 = arith.constant 16 : i32
      %mul3A_156 = arith.muli %add3A_154, %mul3A_155 : i32
      %swap3A_157 = arith.index_cast %mul3A_156 : i32 to index
      %swap3A_158 = tpu.vector_load %arg5[%swap3A_157] {strides = array<i32>} : memref<16384xf32, #tpu.memory_space<vmem>>, vector<16xf32>,
      tpu.vector_store %arg5[%swap3A_157], %broadcast_in_dim3A_5 {strides = array<i32>} : memref<16384xf32, #tpu.memory_space<vmem>>, vector<16xf32>,
      %mul3A_159 = arith.constant 16 : i32
      %mul3A_160 = arith.muli %scan3A_118, %mul3A_159 : i32
      %add3A_161 = arith.constant 5 : i32
      %add3A_162 = arith.addi %mul3A_160, %add3A_161 : i32
      %mul3A_163 = arith.constant 16 : i32
      %mul3A_164 = arith.muli %add3A_162, %mul3A_163 : i32
      %swap3A_165 = arith.index_cast %mul3A_164 : i32 to index
      %swap3A_166 = tpu.vector_load %arg5[%swap3A_165] {strides = array<i32>} : memref<16384xf32, #tpu.memory_space<vmem>>, vector<16xf32>,
      tpu.vector_store %arg5[%swap3A_165], %broadcast_in_dim3A_5 {strides = array<i32>} : memref<16384xf32, #tpu.memory_space<vmem>>, vector<16xf32>,
      %mul3A_167 = arith.constant 16 : i32
      %mul3A_168 = arith.muli %scan3A_118, %mul3A_167 : i32
      %add3A_169 = arith.constant 6 : i32
      %add3A_170 = arith.addi %mul3A_168, %add3A_169 : i32
      %mul3A_171 = arith.constant 16 : i32
      %mul3A_172 = arith.muli %add3A_170, %mul3A_171 : i32
      %swap3A_173 = arith.index_cast %mul3A_172 : i32 to index
      %swap3A_174 = tpu.vector_load %arg5[%swap3A_173] {strides = array<i32>} : memref<16384xf32, #tpu.memory_space<vmem>>, vector<16xf32>,
      tpu.vector_store %arg5[%swap3A_173], %broadcast_in_dim3A_5 {strides = array<i32>} : memref<16384xf32, #tpu.memory_space<vmem>>, vector<16xf32>,
      %mul3A_175 = arith.constant 16 : i32
      %mul3A_176 = arith.muli %scan3A_118, %mul3A_175 : i32
      %add3A_177 = arith.constant 7 : i32
      %add3A_178 = arith.addi %mul3A_176, %add3A_177 : i32
      %mul3A_179 = arith.constant 16 : i32
      %mul3A_180 = arith.muli %add3A_178, %mul3A_179 : i32
      %swap3A_181 = arith.index_cast %mul3A_180 : i32 to index
      %swap3A_182 = tpu.vector_load %arg5[%swap3A_181] {strides = array<i32>} : memref<16384xf32, #tpu.memory_space<vmem>>, vector<16xf32>,
      tpu.vector_store %arg5[%swap3A_181], %broadcast_in_dim3A_5 {strides = array<i32>} : memref<16384xf32, #tpu.memory_space<vmem>>, vector<16xf32>,
      %mul3A_183 = arith.constant 16 : i32
      %mul3A_184 = arith.muli %scan3A_118, %mul3A_183 : i32
      %add3A_185 = arith.constant 8 : i32
      %add3A_186 = arith.addi %mul3A_184, %add3A_185 : i32
      %mul3A_187 = arith.constant 16 : i32
      %mul3A_188 = arith.muli %add3A_186, %mul3A_187 : i32
      %swap3A_189 = arith.index_cast %mul3A_188 : i32 to index
      %swap3A_190 = tpu.vector_load %arg5[%swap3A_189] {strides = array<i32>} : memref<16384xf32, #tpu.memory_space<vmem>>, vector<16xf32>,
      tpu.vector_store %arg5[%swap3A_189], %broadcast_in_dim3A_5 {strides = array<i32>} : memref<16384xf32, #tpu.memory_space<vmem>>, vector<16xf32>,
      %mul3A_191 = arith.constant 16 : i32
      %mul3A_192 = arith.muli %scan3A_118, %mul3A_191 : i32
      %add3A_193 = arith.constant 9 : i32
      %add3A_194 = arith.addi %mul3A_192, %add3A_193 : i32
      %mul3A_195 = arith.constant 16 : i32
      %mul3A_196 = arith.muli %add3A_194, %mul3A_195 : i32
      %swap3A_197 = arith.index_cast %mul3A_196 : i32 to index
      %swap3A_198 = tpu.vector_load %arg5[%swap3A_197] {strides = array<i32>} : memref<16384xf32, #tpu.memory_space<vmem>>, vector<16xf32>,
      tpu.vector_store %arg5[%swap3A_197], %broadcast_in_dim3A_5 {strides = array<i32>} : memref<16384xf32, #tpu.memory_space<vmem>>, vector<16xf32>,
      %mul3A_199 = arith.constant 16 : i32
      %mul3A_200 = arith.muli %scan3A_118, %mul3A_199 : i32
      %add3A_201 = arith.constant 10 : i32
      %add3A_202 = arith.addi %mul3A_200, %add3A_201 : i32
      %mul3A_203 = arith.constant 16 : i32
      %mul3A_204 = arith.muli %add3A_202, %mul3A_203 : i32
      %swap3A_205 = arith.index_cast %mul3A_204 : i32 to index
      %swap3A_206 = tpu.vector_load %arg5[%swap3A_205] {strides = array<i32>} : memref<16384xf32, #tpu.memory_space<vmem>>, vector<16xf32>,
      tpu.vector_store %arg5[%swap3A_205], %broadcast_in_dim3A_5 {strides = array<i32>} : memref<16384xf32, #tpu.memory_space<vmem>>, vector<16xf32>,
      %mul3A_207 = arith.constant 16 : i32
      %mul3A_208 = arith.muli %scan3A_118, %mul3A_207 : i32
      %add3A_209 = arith.constant 11 : i32
      %add3A_210 = arith.addi %mul3A_208, %add3A_209 : i32
      %mul3A_211 = arith.constant 16 : i32
      %mul3A_212 = arith.muli %add3A_210, %mul3A_211 : i32
      %swap3A_213 = arith.index_cast %mul3A_212 : i32 to index
      %swap3A_214 = tpu.vector_load %arg5[%swap3A_213] {strides = array<i32>} : memref<16384xf32, #tpu.memory_space<vmem>>, vector<16xf32>,
      tpu.vector_store %arg5[%swap3A_213], %broadcast_in_dim3A_5 {strides = array<i32>} : memref<16384xf32, #tpu.memory_space<vmem>>, vector<16xf32>,
      %mul3A_215 = arith.constant 16 : i32
      %mul3A_216 = arith.muli %scan3A_118, %mul3A_215 : i32
      %add3A_217 = arith.constant 12 : i32
      %add3A_218 = arith.addi %mul3A_216, %add3A_217 : i32
      %mul3A_219 = arith.constant 16 : i32
      %mul3A_220 = arith.muli %add3A_218, %mul3A_219 : i32
      %swap3A_221 = arith.index_cast %mul3A_220 : i32 to index
      %swap3A_222 = tpu.vector_load %arg5[%swap3A_221] {strides = array<i32>} : memref<16384xf32, #tpu.memory_space<vmem>>, vector<16xf32>,
      tpu.vector_store %arg5[%swap3A_221], %broadcast_in_dim3A_5 {strides = array<i32>} : memref<16384xf32, #tpu.memory_space<vmem>>, vector<16xf32>,
      %mul3A_223 = arith.constant 16 : i32
      %mul3A_224 = arith.muli %scan3A_118, %mul3A_223 : i32
      %add3A_225 = arith.constant 13 : i32
      %add3A_226 = arith.addi %mul3A_224, %add3A_225 : i32
      %mul3A_227 = arith.constant 16 : i32
      %mul3A_228 = arith.muli %add3A_226, %mul3A_227 : i32
      %swap3A_229 = arith.index_cast %mul3A_228 : i32 to index
      %swap3A_230 = tpu.vector_load %arg5[%swap3A_229] {strides = array<i32>} : memref<16384xf32, #tpu.memory_space<vmem>>, vector<16xf32>,
      tpu.vector_store %arg5[%swap3A_229], %broadcast_in_dim3A_5 {strides = array<i32>} : memref<16384xf32, #tpu.memory_space<vmem>>, vector<16xf32>,
      %mul3A_231 = arith.constant 16 : i32
      %mul3A_232 = arith.muli %scan3A_118, %mul3A_231 : i32
      %add3A_233 = arith.constant 14 : i32
      %add3A_234 = arith.addi %mul3A_232, %add3A_233 : i32
      %mul3A_235 = arith.constant 16 : i32
      %mul3A_236 = arith.muli %add3A_234, %mul3A_235 : i32
      %swap3A_237 = arith.index_cast %mul3A_236 : i32 to index
      %swap3A_238 = tpu.vector_load %arg5[%swap3A_237] {strides = array<i32>} : memref<16384xf32, #tpu.memory_space<vmem>>, vector<16xf32>,
      tpu.vector_store %arg5[%swap3A_237], %broadcast_in_dim3A_5 {strides = array<i32>} : memref<16384xf32, #tpu.memory_space<vmem>>, vector<16xf32>,
      %mul3A_239 = arith.constant 16 : i32
      %mul3A_240 = arith.muli %scan3A_118, %mul3A_239 : i32
      %add3A_241 = arith.constant 15 : i32
      %add3A_242 = arith.addi %mul3A_240, %add3A_241 : i32
      %mul3A_243 = arith.constant 16 : i32
      %mul3A_244 = arith.muli %add3A_242, %mul3A_243 : i32
      %swap3A_245 = arith.index_cast %mul3A_244 : i32 to index
      %swap3A_246 = tpu.vector_load %arg5[%swap3A_245] {strides = array<i32>} : memref<16384xf32, #tpu.memory_space<vmem>>, vector<16xf32>,
      tpu.vector_store %arg5[%swap3A_245], %broadcast_in_dim3A_5 {strides = array<i32>} : memref<16384xf32, #tpu.memory_space<vmem>>, vector<16xf32>,
      %scan3A_247 = arith.constant 0 : i32
      scf.yield %scan3A_247 : i32
    }
    %scan3A_22 = arith.constant 64 : i32
    %scan3A_23 = arith.constant 0 : i32
    %scan3A_24 = arith.constant 0 : i32
    %scan3A_25 = arith.constant 100 : i32
    %scan3A_26 = arith.addi %scan3A_24, %scan3A_25 : i32
    %scan3A_27 = arith.constant 1 : i32
    %scan3A_28 = scf.for %scan3A_118 = %scan3A_24 to %scan3A_26 step %scan3A_27 iter_args(%scan3A_119 = %scan3A_23) -> (i32)  : i32 {
      %get3A = arith.index_cast %scan3A_118 : i32 to index
      %get3A_120 = arith.constant 0 : index
      %get3A_121 = tpu.vector_load %arg4[%get3A, %get3A_120] {strides = array<i32>} : memref<100x64xi32, #tpu.memory_space<vmem>>, vector<16xi32>,
      %shift_right_arithmetic3A_122 = arith.constant 7 : i32
      %shift_right_arithmetic3A_123 = vector.broadcast %shift_right_arithmetic3A_122 : i32 to vector<16xi32>
      %shift_right_arithmetic3A_124 = arith.shrsi %get3A_121, %shift_right_arithmetic3A_123 : vector<16xi32>
      %mul3A_125 = arith.constant 896 : i32
      %mul3A_126 = vector.broadcast %mul3A_125 : i32 to vector<16xi32>
      %mul3A_127 = arith.muli %shift_right_arithmetic3A_124, %mul3A_126 : vector<16xi32>
      %add3A_128 = arith.addi %get3A_121, %mul3A_127 : vector<16xi32>
      %add3A_129 = arith.addi %add3A_16, %add3A_128 : vector<16xi32>
      tpu.vector_store_idx %arg5[%add3A_129], %broadcast_in_dim3A_3 {add = true} : memref<16384xf32, #tpu.memory_space<vmem>>[vector<16xi32>], vector<16xf32>,
      %scan3A_130 = arith.constant 0 : i32
      scf.yield %scan3A_130 : i32
    }
    %scan3A_29 = arith.constant 100 : i32
    %add3A_30 = arith.constant 0 : i32
    %add3A_31 = arith.addi %mul3A_2, %add3A_30 : i32
    %mul3A_32 = arith.constant 1024 : i32
    %mul3A_33 = arith.muli %add3A_31, %mul3A_32 : i32
    %dma_start3A = tpu.memref_slice %arg3[%mul3A_33] : memref<2097152xf32, #tpu.memory_space<hbm>> -> memref<16384xf32, #tpu.memory_space<hbm>>
    %dma_start3A_34 = tpu.memref_slice %arg3[%mul3A_33] : memref<2097152xf32, #tpu.memory_space<hbm>> -> memref<16384xf32, #tpu.memory_space<hbm>>
    tpu.enqueue_dma source(%arg5 : memref<16384xf32, #tpu.memory_space<vmem>>) target(%dma_start3A_34 : memref<16384xf32, #tpu.memory_space<hbm>>) target_semaphore(%arg7 : memref<!tpu.dma_semaphore, #tpu.memory_space<semaphore_mem>>)
    %scan3A_35 = arith.constant 0 : i32
    %scan3A_36 = arith.constant 0 : i32
    %scan3A_37 = arith.constant 64 : i32
    %scan3A_38 = arith.addi %scan3A_36, %scan3A_37 : i32
    %scan3A_39 = arith.constant 1 : i32
    %scan3A_40 = scf.for %scan3A_118 = %scan3A_36 to %scan3A_38 step %scan3A_39 iter_args(%scan3A_119 = %scan3A_35) -> (i32)  : i32 {
      %mul3A_120 = arith.constant 16 : i32
      %mul3A_121 = arith.muli %scan3A_118, %mul3A_120 : i32
      %add3A_122 = arith.constant 0 : i32
      %add3A_123 = arith.addi %mul3A_121, %add3A_122 : i32
      %mul3A_124 = arith.constant 16 : i32
      %mul3A_125 = arith.muli %add3A_123, %mul3A_124 : i32
      %swap3A = arith.index_cast %mul3A_125 : i32 to index
      %swap3A_126 = tpu.vector_load %arg6[%swap3A] {strides = array<i32>} : memref<16384xf32, #tpu.memory_space<vmem>>, vector<16xf32>,
      tpu.vector_store %arg6[%swap3A], %broadcast_in_dim3A_5 {strides = array<i32>} : memref<16384xf32, #tpu.memory_space<vmem>>, vector<16xf32>,
      %mul3A_127 = arith.constant 16 : i32
      %mul3A_128 = arith.muli %scan3A_118, %mul3A_127 : i32
      %add3A_129 = arith.constant 1 : i32
      %add3A_130 = arith.addi %mul3A_128, %add3A_129 : i32
      %mul3A_131 = arith.constant 16 : i32
      %mul3A_132 = arith.muli %add3A_130, %mul3A_131 : i32
      %swap3A_133 = arith.index_cast %mul3A_132 : i32 to index
      %swap3A_134 = tpu.vector_load %arg6[%swap3A_133] {strides = array<i32>} : memref<16384xf32, #tpu.memory_space<vmem>>, vector<16xf32>,
      tpu.vector_store %arg6[%swap3A_133], %broadcast_in_dim3A_5 {strides = array<i32>} : memref<16384xf32, #tpu.memory_space<vmem>>, vector<16xf32>,
      %mul3A_135 = arith.constant 16 : i32
      %mul3A_136 = arith.muli %scan3A_118, %mul3A_135 : i32
      %add3A_137 = arith.constant 2 : i32
      %add3A_138 = arith.addi %mul3A_136, %add3A_137 : i32
      %mul3A_139 = arith.constant 16 : i32
      %mul3A_140 = arith.muli %add3A_138, %mul3A_139 : i32
      %swap3A_141 = arith.index_cast %mul3A_140 : i32 to index
      %swap3A_142 = tpu.vector_load %arg6[%swap3A_141] {strides = array<i32>} : memref<16384xf32, #tpu.memory_space<vmem>>, vector<16xf32>,
      tpu.vector_store %arg6[%swap3A_141], %broadcast_in_dim3A_5 {strides = array<i32>} : memref<16384xf32, #tpu.memory_space<vmem>>, vector<16xf32>,
      %mul3A_143 = arith.constant 16 : i32
      %mul3A_144 = arith.muli %scan3A_118, %mul3A_143 : i32
      %add3A_145 = arith.constant 3 : i32
      %add3A_146 = arith.addi %mul3A_144, %add3A_145 : i32
      %mul3A_147 = arith.constant 16 : i32
      %mul3A_148 = arith.muli %add3A_146, %mul3A_147 : i32
      %swap3A_149 = arith.index_cast %mul3A_148 : i32 to index
      %swap3A_150 = tpu.vector_load %arg6[%swap3A_149] {strides = array<i32>} : memref<16384xf32, #tpu.memory_space<vmem>>, vector<16xf32>,
      tpu.vector_store %arg6[%swap3A_149], %broadcast_in_dim3A_5 {strides = array<i32>} : memref<16384xf32, #tpu.memory_space<vmem>>, vector<16xf32>,
      %mul3A_151 = arith.constant 16 : i32
      %mul3A_152 = arith.muli %scan3A_118, %mul3A_151 : i32
      %add3A_153 = arith.constant 4 : i32
      %add3A_154 = arith.addi %mul3A_152, %add3A_153 : i32
      %mul3A_155 = arith.constant 16 : i32
      %mul3A_156 = arith.muli %add3A_154, %mul3A_155 : i32
      %swap3A_157 = arith.index_cast %mul3A_156 : i32 to index
      %swap3A_158 = tpu.vector_load %arg6[%swap3A_157] {strides = array<i32>} : memref<16384xf32, #tpu.memory_space<vmem>>, vector<16xf32>,
      tpu.vector_store %arg6[%swap3A_157], %broadcast_in_dim3A_5 {strides = array<i32>} : memref<16384xf32, #tpu.memory_space<vmem>>, vector<16xf32>,
      %mul3A_159 = arith.constant 16 : i32
      %mul3A_160 = arith.muli %scan3A_118, %mul3A_159 : i32
      %add3A_161 = arith.constant 5 : i32
      %add3A_162 = arith.addi %mul3A_160, %add3A_161 : i32
      %mul3A_163 = arith.constant 16 : i32
      %mul3A_164 = arith.muli %add3A_162, %mul3A_163 : i32
      %swap3A_165 = arith.index_cast %mul3A_164 : i32 to index
      %swap3A_166 = tpu.vector_load %arg6[%swap3A_165] {strides = array<i32>} : memref<16384xf32, #tpu.memory_space<vmem>>, vector<16xf32>,
      tpu.vector_store %arg6[%swap3A_165], %broadcast_in_dim3A_5 {strides = array<i32>} : memref<16384xf32, #tpu.memory_space<vmem>>, vector<16xf32>,
      %mul3A_167 = arith.constant 16 : i32
      %mul3A_168 = arith.muli %scan3A_118, %mul3A_167 : i32
      %add3A_169 = arith.constant 6 : i32
      %add3A_170 = arith.addi %mul3A_168, %add3A_169 : i32
      %mul3A_171 = arith.constant 16 : i32
      %mul3A_172 = arith.muli %add3A_170, %mul3A_171 : i32
      %swap3A_173 = arith.index_cast %mul3A_172 : i32 to index
      %swap3A_174 = tpu.vector_load %arg6[%swap3A_173] {strides = array<i32>} : memref<16384xf32, #tpu.memory_space<vmem>>, vector<16xf32>,
      tpu.vector_store %arg6[%swap3A_173], %broadcast_in_dim3A_5 {strides = array<i32>} : memref<16384xf32, #tpu.memory_space<vmem>>, vector<16xf32>,
      %mul3A_175 = arith.constant 16 : i32
      %mul3A_176 = arith.muli %scan3A_118, %mul3A_175 : i32
      %add3A_177 = arith.constant 7 : i32
      %add3A_178 = arith.addi %mul3A_176, %add3A_177 : i32
      %mul3A_179 = arith.constant 16 : i32
      %mul3A_180 = arith.muli %add3A_178, %mul3A_179 : i32
      %swap3A_181 = arith.index_cast %mul3A_180 : i32 to index
      %swap3A_182 = tpu.vector_load %arg6[%swap3A_181] {strides = array<i32>} : memref<16384xf32, #tpu.memory_space<vmem>>, vector<16xf32>,
      tpu.vector_store %arg6[%swap3A_181], %broadcast_in_dim3A_5 {strides = array<i32>} : memref<16384xf32, #tpu.memory_space<vmem>>, vector<16xf32>,
      %mul3A_183 = arith.constant 16 : i32
      %mul3A_184 = arith.muli %scan3A_118, %mul3A_183 : i32
      %add3A_185 = arith.constant 8 : i32
      %add3A_186 = arith.addi %mul3A_184, %add3A_185 : i32
      %mul3A_187 = arith.constant 16 : i32
      %mul3A_188 = arith.muli %add3A_186, %mul3A_187 : i32
      %swap3A_189 = arith.index_cast %mul3A_188 : i32 to index
      %swap3A_190 = tpu.vector_load %arg6[%swap3A_189] {strides = array<i32>} : memref<16384xf32, #tpu.memory_space<vmem>>, vector<16xf32>,
      tpu.vector_store %arg6[%swap3A_189], %broadcast_in_dim3A_5 {strides = array<i32>} : memref<16384xf32, #tpu.memory_space<vmem>>, vector<16xf32>,
      %mul3A_191 = arith.constant 16 : i32
      %mul3A_192 = arith.muli %scan3A_118, %mul3A_191 : i32
      %add3A_193 = arith.constant 9 : i32
      %add3A_194 = arith.addi %mul3A_192, %add3A_193 : i32
      %mul3A_195 = arith.constant 16 : i32
      %mul3A_196 = arith.muli %add3A_194, %mul3A_195 : i32
      %swap3A_197 = arith.index_cast %mul3A_196 : i32 to index
      %swap3A_198 = tpu.vector_load %arg6[%swap3A_197] {strides = array<i32>} : memref<16384xf32, #tpu.memory_space<vmem>>, vector<16xf32>,
      tpu.vector_store %arg6[%swap3A_197], %broadcast_in_dim3A_5 {strides = array<i32>} : memref<16384xf32, #tpu.memory_space<vmem>>, vector<16xf32>,
      %mul3A_199 = arith.constant 16 : i32
      %mul3A_200 = arith.muli %scan3A_118, %mul3A_199 : i32
      %add3A_201 = arith.constant 10 : i32
      %add3A_202 = arith.addi %mul3A_200, %add3A_201 : i32
      %mul3A_203 = arith.constant 16 : i32
      %mul3A_204 = arith.muli %add3A_202, %mul3A_203 : i32
      %swap3A_205 = arith.index_cast %mul3A_204 : i32 to index
      %swap3A_206 = tpu.vector_load %arg6[%swap3A_205] {strides = array<i32>} : memref<16384xf32, #tpu.memory_space<vmem>>, vector<16xf32>,
      tpu.vector_store %arg6[%swap3A_205], %broadcast_in_dim3A_5 {strides = array<i32>} : memref<16384xf32, #tpu.memory_space<vmem>>, vector<16xf32>,
      %mul3A_207 = arith.constant 16 : i32
      %mul3A_208 = arith.muli %scan3A_118, %mul3A_207 : i32
      %add3A_209 = arith.constant 11 : i32
      %add3A_210 = arith.addi %mul3A_208, %add3A_209 : i32
      %mul3A_211 = arith.constant 16 : i32
      %mul3A_212 = arith.muli %add3A_210, %mul3A_211 : i32
      %swap3A_213 = arith.index_cast %mul3A_212 : i32 to index
      %swap3A_214 = tpu.vector_load %arg6[%swap3A_213] {strides = array<i32>} : memref<16384xf32, #tpu.memory_space<vmem>>, vector<16xf32>,
      tpu.vector_store %arg6[%swap3A_213], %broadcast_in_dim3A_5 {strides = array<i32>} : memref<16384xf32, #tpu.memory_space<vmem>>, vector<16xf32>,
      %mul3A_215 = arith.constant 16 : i32
      %mul3A_216 = arith.muli %scan3A_118, %mul3A_215 : i32
      %add3A_217 = arith.constant 12 : i32
      %add3A_218 = arith.addi %mul3A_216, %add3A_217 : i32
      %mul3A_219 = arith.constant 16 : i32
      %mul3A_220 = arith.muli %add3A_218, %mul3A_219 : i32
      %swap3A_221 = arith.index_cast %mul3A_220 : i32 to index
      %swap3A_222 = tpu.vector_load %arg6[%swap3A_221] {strides = array<i32>} : memref<16384xf32, #tpu.memory_space<vmem>>, vector<16xf32>,
      tpu.vector_store %arg6[%swap3A_221], %broadcast_in_dim3A_5 {strides = array<i32>} : memref<16384xf32, #tpu.memory_space<vmem>>, vector<16xf32>,
      %mul3A_223 = arith.constant 16 : i32
      %mul3A_224 = arith.muli %scan3A_118, %mul3A_223 : i32
      %add3A_225 = arith.constant 13 : i32
      %add3A_226 = arith.addi %mul3A_224, %add3A_225 : i32
      %mul3A_227 = arith.constant 16 : i32
      %mul3A_228 = arith.muli %add3A_226, %mul3A_227 : i32
      %swap3A_229 = arith.index_cast %mul3A_228 : i32 to index
      %swap3A_230 = tpu.vector_load %arg6[%swap3A_229] {strides = array<i32>} : memref<16384xf32, #tpu.memory_space<vmem>>, vector<16xf32>,
      tpu.vector_store %arg6[%swap3A_229], %broadcast_in_dim3A_5 {strides = array<i32>} : memref<16384xf32, #tpu.memory_space<vmem>>, vector<16xf32>,
      %mul3A_231 = arith.constant 16 : i32
      %mul3A_232 = arith.muli %scan3A_118, %mul3A_231 : i32
      %add3A_233 = arith.constant 14 : i32
      %add3A_234 = arith.addi %mul3A_232, %add3A_233 : i32
      %mul3A_235 = arith.constant 16 : i32
      %mul3A_236 = arith.muli %add3A_234, %mul3A_235 : i32
      %swap3A_237 = arith.index_cast %mul3A_236 : i32 to index
      %swap3A_238 = tpu.vector_load %arg6[%swap3A_237] {strides = array<i32>} : memref<16384xf32, #tpu.memory_space<vmem>>, vector<16xf32>,
      tpu.vector_store %arg6[%swap3A_237], %broadcast_in_dim3A_5 {strides = array<i32>} : memref<16384xf32, #tpu.memory_space<vmem>>, vector<16xf32>,
      %mul3A_239 = arith.constant 16 : i32
      %mul3A_240 = arith.muli %scan3A_118, %mul3A_239 : i32
      %add3A_241 = arith.constant 15 : i32
      %add3A_242 = arith.addi %mul3A_240, %add3A_241 : i32
      %mul3A_243 = arith.constant 16 : i32
      %mul3A_244 = arith.muli %add3A_242, %mul3A_243 : i32
      %swap3A_245 = arith.index_cast %mul3A_244 : i32 to index
      %swap3A_246 = tpu.vector_load %arg6[%swap3A_245] {strides = array<i32>} : memref<16384xf32, #tpu.memory_space<vmem>>, vector<16xf32>,
      tpu.vector_store %arg6[%swap3A_245], %broadcast_in_dim3A_5 {strides = array<i32>} : memref<16384xf32, #tpu.memory_space<vmem>>, vector<16xf32>,
      %scan3A_247 = arith.constant 0 : i32
      scf.yield %scan3A_247 : i32
    }
    %scan3A_41 = arith.constant 64 : i32
    %scan3A_42 = arith.constant 0 : i32
    %scan3A_43 = arith.constant 0 : i32
    %scan3A_44 = arith.constant 100 : i32
    %scan3A_45 = arith.addi %scan3A_43, %scan3A_44 : i32
    %scan3A_46 = arith.constant 1 : i32
    %scan3A_47 = scf.for %scan3A_118 = %scan3A_43 to %scan3A_45 step %scan3A_46 iter_args(%scan3A_119 = %scan3A_42) -> (i32)  : i32 {
      %get3A = arith.index_cast %scan3A_118 : i32 to index
      %get3A_120 = arith.constant 16 : index
      %get3A_121 = tpu.vector_load %arg4[%get3A, %get3A_120] {strides = array<i32>} : memref<100x64xi32, #tpu.memory_space<vmem>>, vector<16xi32>,
      %shift_right_arithmetic3A_122 = arith.constant 7 : i32
      %shift_right_arithmetic3A_123 = vector.broadcast %shift_right_arithmetic3A_122 : i32 to vector<16xi32>
      %shift_right_arithmetic3A_124 = arith.shrsi %get3A_121, %shift_right_arithmetic3A_123 : vector<16xi32>
      %mul3A_125 = arith.constant 896 : i32
      %mul3A_126 = vector.broadcast %mul3A_125 : i32 to vector<16xi32>
      %mul3A_127 = arith.muli %shift_right_arithmetic3A_124, %mul3A_126 : vector<16xi32>
      %add3A_128 = arith.addi %get3A_121, %mul3A_127 : vector<16xi32>
      %add3A_129 = arith.addi %add3A_16, %add3A_128 : vector<16xi32>
      tpu.vector_store_idx %arg6[%add3A_129], %broadcast_in_dim3A_3 {add = true} : memref<16384xf32, #tpu.memory_space<vmem>>[vector<16xi32>], vector<16xf32>,
      %scan3A_130 = arith.constant 0 : i32
      scf.yield %scan3A_130 : i32
    }
    %scan3A_48 = arith.constant 100 : i32
    %add3A_49 = arith.constant 16 : i32
    %add3A_50 = arith.addi %mul3A_2, %add3A_49 : i32
    %mul3A_51 = arith.constant 1024 : i32
    %mul3A_52 = arith.muli %add3A_50, %mul3A_51 : i32
    %dma_start3A_53 = tpu.memref_slice %arg3[%mul3A_52] : memref<2097152xf32, #tpu.memory_space<hbm>> -> memref<16384xf32, #tpu.memory_space<hbm>>
    %dma_start3A_54 = tpu.memref_slice %arg3[%mul3A_52] : memref<2097152xf32, #tpu.memory_space<hbm>> -> memref<16384xf32, #tpu.memory_space<hbm>>
    tpu.enqueue_dma source(%arg6 : memref<16384xf32, #tpu.memory_space<vmem>>) target(%dma_start3A_54 : memref<16384xf32, #tpu.memory_space<hbm>>) target_semaphore(%arg8 : memref<!tpu.dma_semaphore, #tpu.memory_space<semaphore_mem>>)
    %add3A_55 = arith.constant 0 : i32
    %add3A_56 = arith.addi %mul3A_2, %add3A_55 : i32
    %mul3A_57 = arith.constant 1024 : i32
    %mul3A_58 = arith.muli %add3A_56, %mul3A_57 : i32
    %dma_wait3A = tpu.memref_slice %arg3[%mul3A_58] : memref<2097152xf32, #tpu.memory_space<hbm>> -> memref<16384xf32, #tpu.memory_space<hbm>>
    %dma_wait3A_59 = tpu.memref_slice %arg3[%mul3A_58] : memref<2097152xf32, #tpu.memory_space<hbm>> -> memref<16384xf32, #tpu.memory_space<hbm>>
    tpu.wait_dma2 semaphore(%arg7 : memref<!tpu.dma_semaphore, #tpu.memory_space<semaphore_mem>>) src(%arg5 : memref<16384xf32, #tpu.memory_space<vmem>>) dst(%dma_wait3A_59 : memref<16384xf32, #tpu.memory_space<hbm>>)
    %scan3A_60 = arith.constant 0 : i32
    %scan3A_61 = arith.constant 0 : i32
    %scan3A_62 = arith.constant 64 : i32
    %scan3A_63 = arith.addi %scan3A_61, %scan3A_62 : i32
    %scan3A_64 = arith.constant 1 : i32
    %scan3A_65 = scf.for %scan3A_118 = %scan3A_61 to %scan3A_63 step %scan3A_64 iter_args(%scan3A_119 = %scan3A_60) -> (i32)  : i32 {
      %mul3A_120 = arith.constant 16 : i32
      %mul3A_121 = arith.muli %scan3A_118, %mul3A_120 : i32
      %add3A_122 = arith.constant 0 : i32
      %add3A_123 = arith.addi %mul3A_121, %add3A_122 : i32
      %mul3A_124 = arith.constant 16 : i32
      %mul3A_125 = arith.muli %add3A_123, %mul3A_124 : i32
      %swap3A = arith.index_cast %mul3A_125 : i32 to index
      %swap3A_126 = tpu.vector_load %arg5[%swap3A] {strides = array<i32>} : memref<16384xf32, #tpu.memory_space<vmem>>, vector<16xf32>,
      tpu.vector_store %arg5[%swap3A], %broadcast_in_dim3A_5 {strides = array<i32>} : memref<16384xf32, #tpu.memory_space<vmem>>, vector<16xf32>,
      %mul3A_127 = arith.constant 16 : i32
      %mul3A_128 = arith.muli %scan3A_118, %mul3A_127 : i32
      %add3A_129 = arith.constant 1 : i32
      %add3A_130 = arith.addi %mul3A_128, %add3A_129 : i32
      %mul3A_131 = arith.constant 16 : i32
      %mul3A_132 = arith.muli %add3A_130, %mul3A_131 : i32
      %swap3A_133 = arith.index_cast %mul3A_132 : i32 to index
      %swap3A_134 = tpu.vector_load %arg5[%swap3A_133] {strides = array<i32>} : memref<16384xf32, #tpu.memory_space<vmem>>, vector<16xf32>,
      tpu.vector_store %arg5[%swap3A_133], %broadcast_in_dim3A_5 {strides = array<i32>} : memref<16384xf32, #tpu.memory_space<vmem>>, vector<16xf32>,
      %mul3A_135 = arith.constant 16 : i32
      %mul3A_136 = arith.muli %scan3A_118, %mul3A_135 : i32
      %add3A_137 = arith.constant 2 : i32
      %add3A_138 = arith.addi %mul3A_136, %add3A_137 : i32
      %mul3A_139 = arith.constant 16 : i32
      %mul3A_140 = arith.muli %add3A_138, %mul3A_139 : i32
      %swap3A_141 = arith.index_cast %mul3A_140 : i32 to index
      %swap3A_142 = tpu.vector_load %arg5[%swap3A_141] {strides = array<i32>} : memref<16384xf32, #tpu.memory_space<vmem>>, vector<16xf32>,
      tpu.vector_store %arg5[%swap3A_141], %broadcast_in_dim3A_5 {strides = array<i32>} : memref<16384xf32, #tpu.memory_space<vmem>>, vector<16xf32>,
      %mul3A_143 = arith.constant 16 : i32
      %mul3A_144 = arith.muli %scan3A_118, %mul3A_143 : i32
      %add3A_145 = arith.constant 3 : i32
      %add3A_146 = arith.addi %mul3A_144, %add3A_145 : i32
      %mul3A_147 = arith.constant 16 : i32
      %mul3A_148 = arith.muli %add3A_146, %mul3A_147 : i32
      %swap3A_149 = arith.index_cast %mul3A_148 : i32 to index
      %swap3A_150 = tpu.vector_load %arg5[%swap3A_149] {strides = array<i32>} : memref<16384xf32, #tpu.memory_space<vmem>>, vector<16xf32>,
      tpu.vector_store %arg5[%swap3A_149], %broadcast_in_dim3A_5 {strides = array<i32>} : memref<16384xf32, #tpu.memory_space<vmem>>, vector<16xf32>,
      %mul3A_151 = arith.constant 16 : i32
      %mul3A_152 = arith.muli %scan3A_118, %mul3A_151 : i32
      %add3A_153 = arith.constant 4 : i32
      %add3A_154 = arith.addi %mul3A_152, %add3A_153 : i32
      %mul3A_155 = arith.constant 16 : i32
      %mul3A_156 = arith.muli %add3A_154, %mul3A_155 : i32
      %swap3A_157 = arith.index_cast %mul3A_156 : i32 to index
      %swap3A_158 = tpu.vector_load %arg5[%swap3A_157] {strides = array<i32>} : memref<16384xf32, #tpu.memory_space<vmem>>, vector<16xf32>,
      tpu.vector_store %arg5[%swap3A_157], %broadcast_in_dim3A_5 {strides = array<i32>} : memref<16384xf32, #tpu.memory_space<vmem>>, vector<16xf32>,
      %mul3A_159 = arith.constant 16 : i32
      %mul3A_160 = arith.muli %scan3A_118, %mul3A_159 : i32
      %add3A_161 = arith.constant 5 : i32
      %add3A_162 = arith.addi %mul3A_160, %add3A_161 : i32
      %mul3A_163 = arith.constant 16 : i32
      %mul3A_164 = arith.muli %add3A_162, %mul3A_163 : i32
      %swap3A_165 = arith.index_cast %mul3A_164 : i32 to index
      %swap3A_166 = tpu.vector_load %arg5[%swap3A_165] {strides = array<i32>} : memref<16384xf32, #tpu.memory_space<vmem>>, vector<16xf32>,
      tpu.vector_store %arg5[%swap3A_165], %broadcast_in_dim3A_5 {strides = array<i32>} : memref<16384xf32, #tpu.memory_space<vmem>>, vector<16xf32>,
      %mul3A_167 = arith.constant 16 : i32
      %mul3A_168 = arith.muli %scan3A_118, %mul3A_167 : i32
      %add3A_169 = arith.constant 6 : i32
      %add3A_170 = arith.addi %mul3A_168, %add3A_169 : i32
      %mul3A_171 = arith.constant 16 : i32
      %mul3A_172 = arith.muli %add3A_170, %mul3A_171 : i32
      %swap3A_173 = arith.index_cast %mul3A_172 : i32 to index
      %swap3A_174 = tpu.vector_load %arg5[%swap3A_173] {strides = array<i32>} : memref<16384xf32, #tpu.memory_space<vmem>>, vector<16xf32>,
      tpu.vector_store %arg5[%swap3A_173], %broadcast_in_dim3A_5 {strides = array<i32>} : memref<16384xf32, #tpu.memory_space<vmem>>, vector<16xf32>,
      %mul3A_175 = arith.constant 16 : i32
      %mul3A_176 = arith.muli %scan3A_118, %mul3A_175 : i32
      %add3A_177 = arith.constant 7 : i32
      %add3A_178 = arith.addi %mul3A_176, %add3A_177 : i32
      %mul3A_179 = arith.constant 16 : i32
      %mul3A_180 = arith.muli %add3A_178, %mul3A_179 : i32
      %swap3A_181 = arith.index_cast %mul3A_180 : i32 to index
      %swap3A_182 = tpu.vector_load %arg5[%swap3A_181] {strides = array<i32>} : memref<16384xf32, #tpu.memory_space<vmem>>, vector<16xf32>,
      tpu.vector_store %arg5[%swap3A_181], %broadcast_in_dim3A_5 {strides = array<i32>} : memref<16384xf32, #tpu.memory_space<vmem>>, vector<16xf32>,
      %mul3A_183 = arith.constant 16 : i32
      %mul3A_184 = arith.muli %scan3A_118, %mul3A_183 : i32
      %add3A_185 = arith.constant 8 : i32
      %add3A_186 = arith.addi %mul3A_184, %add3A_185 : i32
      %mul3A_187 = arith.constant 16 : i32
      %mul3A_188 = arith.muli %add3A_186, %mul3A_187 : i32
      %swap3A_189 = arith.index_cast %mul3A_188 : i32 to index
      %swap3A_190 = tpu.vector_load %arg5[%swap3A_189] {strides = array<i32>} : memref<16384xf32, #tpu.memory_space<vmem>>, vector<16xf32>,
      tpu.vector_store %arg5[%swap3A_189], %broadcast_in_dim3A_5 {strides = array<i32>} : memref<16384xf32, #tpu.memory_space<vmem>>, vector<16xf32>,
      %mul3A_191 = arith.constant 16 : i32
      %mul3A_192 = arith.muli %scan3A_118, %mul3A_191 : i32
      %add3A_193 = arith.constant 9 : i32
      %add3A_194 = arith.addi %mul3A_192, %add3A_193 : i32
      %mul3A_195 = arith.constant 16 : i32
      %mul3A_196 = arith.muli %add3A_194, %mul3A_195 : i32
      %swap3A_197 = arith.index_cast %mul3A_196 : i32 to index
      %swap3A_198 = tpu.vector_load %arg5[%swap3A_197] {strides = array<i32>} : memref<16384xf32, #tpu.memory_space<vmem>>, vector<16xf32>,
      tpu.vector_store %arg5[%swap3A_197], %broadcast_in_dim3A_5 {strides = array<i32>} : memref<16384xf32, #tpu.memory_space<vmem>>, vector<16xf32>,
      %mul3A_199 = arith.constant 16 : i32
      %mul3A_200 = arith.muli %scan3A_118, %mul3A_199 : i32
      %add3A_201 = arith.constant 10 : i32
      %add3A_202 = arith.addi %mul3A_200, %add3A_201 : i32
      %mul3A_203 = arith.constant 16 : i32
      %mul3A_204 = arith.muli %add3A_202, %mul3A_203 : i32
      %swap3A_205 = arith.index_cast %mul3A_204 : i32 to index
      %swap3A_206 = tpu.vector_load %arg5[%swap3A_205] {strides = array<i32>} : memref<16384xf32, #tpu.memory_space<vmem>>, vector<16xf32>,
      tpu.vector_store %arg5[%swap3A_205], %broadcast_in_dim3A_5 {strides = array<i32>} : memref<16384xf32, #tpu.memory_space<vmem>>, vector<16xf32>,
      %mul3A_207 = arith.constant 16 : i32
      %mul3A_208 = arith.muli %scan3A_118, %mul3A_207 : i32
      %add3A_209 = arith.constant 11 : i32
      %add3A_210 = arith.addi %mul3A_208, %add3A_209 : i32
      %mul3A_211 = arith.constant 16 : i32
      %mul3A_212 = arith.muli %add3A_210, %mul3A_211 : i32
      %swap3A_213 = arith.index_cast %mul3A_212 : i32 to index
      %swap3A_214 = tpu.vector_load %arg5[%swap3A_213] {strides = array<i32>} : memref<16384xf32, #tpu.memory_space<vmem>>, vector<16xf32>,
      tpu.vector_store %arg5[%swap3A_213], %broadcast_in_dim3A_5 {strides = array<i32>} : memref<16384xf32, #tpu.memory_space<vmem>>, vector<16xf32>,
      %mul3A_215 = arith.constant 16 : i32
      %mul3A_216 = arith.muli %scan3A_118, %mul3A_215 : i32
      %add3A_217 = arith.constant 12 : i32
      %add3A_218 = arith.addi %mul3A_216, %add3A_217 : i32
      %mul3A_219 = arith.constant 16 : i32
      %mul3A_220 = arith.muli %add3A_218, %mul3A_219 : i32
      %swap3A_221 = arith.index_cast %mul3A_220 : i32 to index
      %swap3A_222 = tpu.vector_load %arg5[%swap3A_221] {strides = array<i32>} : memref<16384xf32, #tpu.memory_space<vmem>>, vector<16xf32>,
      tpu.vector_store %arg5[%swap3A_221], %broadcast_in_dim3A_5 {strides = array<i32>} : memref<16384xf32, #tpu.memory_space<vmem>>, vector<16xf32>,
      %mul3A_223 = arith.constant 16 : i32
      %mul3A_224 = arith.muli %scan3A_118, %mul3A_223 : i32
      %add3A_225 = arith.constant 13 : i32
      %add3A_226 = arith.addi %mul3A_224, %add3A_225 : i32
      %mul3A_227 = arith.constant 16 : i32
      %mul3A_228 = arith.muli %add3A_226, %mul3A_227 : i32
      %swap3A_229 = arith.index_cast %mul3A_228 : i32 to index
      %swap3A_230 = tpu.vector_load %arg5[%swap3A_229] {strides = array<i32>} : memref<16384xf32, #tpu.memory_space<vmem>>, vector<16xf32>,
      tpu.vector_store %arg5[%swap3A_229], %broadcast_in_dim3A_5 {strides = array<i32>} : memref<16384xf32, #tpu.memory_space<vmem>>, vector<16xf32>,
      %mul3A_231 = arith.constant 16 : i32
      %mul3A_232 = arith.muli %scan3A_118, %mul3A_231 : i32
      %add3A_233 = arith.constant 14 : i32
      %add3A_234 = arith.addi %mul3A_232, %add3A_233 : i32
      %mul3A_235 = arith.constant 16 : i32
      %mul3A_236 = arith.muli %add3A_234, %mul3A_235 : i32
      %swap3A_237 = arith.index_cast %mul3A_236 : i32 to index
      %swap3A_238 = tpu.vector_load %arg5[%swap3A_237] {strides = array<i32>} : memref<16384xf32, #tpu.memory_space<vmem>>, vector<16xf32>,
      tpu.vector_store %arg5[%swap3A_237], %broadcast_in_dim3A_5 {strides = array<i32>} : memref<16384xf32, #tpu.memory_space<vmem>>, vector<16xf32>,
      %mul3A_239 = arith.constant 16 : i32
      %mul3A_240 = arith.muli %scan3A_118, %mul3A_239 : i32
      %add3A_241 = arith.constant 15 : i32
      %add3A_242 = arith.addi %mul3A_240, %add3A_241 : i32
      %mul3A_243 = arith.constant 16 : i32
      %mul3A_244 = arith.muli %add3A_242, %mul3A_243 : i32
      %swap3A_245 = arith.index_cast %mul3A_244 : i32 to index
      %swap3A_246 = tpu.vector_load %arg5[%swap3A_245] {strides = array<i32>} : memref<16384xf32, #tpu.memory_space<vmem>>, vector<16xf32>,
      tpu.vector_store %arg5[%swap3A_245], %broadcast_in_dim3A_5 {strides = array<i32>} : memref<16384xf32, #tpu.memory_space<vmem>>, vector<16xf32>,
      %scan3A_247 = arith.constant 0 : i32
      scf.yield %scan3A_247 : i32
    }
    %scan3A_66 = arith.constant 64 : i32
    %scan3A_67 = arith.constant 0 : i32
    %scan3A_68 = arith.constant 0 : i32
    %scan3A_69 = arith.constant 100 : i32
    %scan3A_70 = arith.addi %scan3A_68, %scan3A_69 : i32
    %scan3A_71 = arith.constant 1 : i32
    %scan3A_72 = scf.for %scan3A_118 = %scan3A_68 to %scan3A_70 step %scan3A_71 iter_args(%scan3A_119 = %scan3A_67) -> (i32)  : i32 {
      %get3A = arith.index_cast %scan3A_118 : i32 to index
      %get3A_120 = arith.constant 32 : index
      %get3A_121 = tpu.vector_load %arg4[%get3A, %get3A_120] {strides = array<i32>} : memref<100x64xi32, #tpu.memory_space<vmem>>, vector<16xi32>,
      %shift_right_arithmetic3A_122 = arith.constant 7 : i32
      %shift_right_arithmetic3A_123 = vector.broadcast %shift_right_arithmetic3A_122 : i32 to vector<16xi32>
      %shift_right_arithmetic3A_124 = arith.shrsi %get3A_121, %shift_right_arithmetic3A_123 : vector<16xi32>
      %mul3A_125 = arith.constant 896 : i32
      %mul3A_126 = vector.broadcast %mul3A_125 : i32 to vector<16xi32>
      %mul3A_127 = arith.muli %shift_right_arithmetic3A_124, %mul3A_126 : vector<16xi32>
      %add3A_128 = arith.addi %get3A_121, %mul3A_127 : vector<16xi32>
      %add3A_129 = arith.addi %add3A_16, %add3A_128 : vector<16xi32>
      tpu.vector_store_idx %arg5[%add3A_129], %broadcast_in_dim3A_3 {add = true} : memref<16384xf32, #tpu.memory_space<vmem>>[vector<16xi32>], vector<16xf32>,
      %scan3A_130 = arith.constant 0 : i32
      scf.yield %scan3A_130 : i32
    }
    %scan3A_73 = arith.constant 100 : i32
    %add3A_74 = arith.constant 32 : i32
    %add3A_75 = arith.addi %mul3A_2, %add3A_74 : i32
    %mul3A_76 = arith.constant 1024 : i32
    %mul3A_77 = arith.muli %add3A_75, %mul3A_76 : i32
    %dma_start3A_78 = tpu.memref_slice %arg3[%mul3A_77] : memref<2097152xf32, #tpu.memory_space<hbm>> -> memref<16384xf32, #tpu.memory_space<hbm>>
    %dma_start3A_79 = tpu.memref_slice %arg3[%mul3A_77] : memref<2097152xf32, #tpu.memory_space<hbm>> -> memref<16384xf32, #tpu.memory_space<hbm>>
    tpu.enqueue_dma source(%arg5 : memref<16384xf32, #tpu.memory_space<vmem>>) target(%dma_start3A_79 : memref<16384xf32, #tpu.memory_space<hbm>>) target_semaphore(%arg7 : memref<!tpu.dma_semaphore, #tpu.memory_space<semaphore_mem>>)
    %add3A_80 = arith.constant 16 : i32
    %add3A_81 = arith.addi %mul3A_2, %add3A_80 : i32
    %mul3A_82 = arith.constant 1024 : i32
    %mul3A_83 = arith.muli %add3A_81, %mul3A_82 : i32
    %dma_wait3A_84 = tpu.memref_slice %arg3[%mul3A_83] : memref<2097152xf32, #tpu.memory_space<hbm>> -> memref<16384xf32, #tpu.memory_space<hbm>>
    %dma_wait3A_85 = tpu.memref_slice %arg3[%mul3A_83] : memref<2097152xf32, #tpu.memory_space<hbm>> -> memref<16384xf32, #tpu.memory_space<hbm>>
    tpu.wait_dma2 semaphore(%arg8 : memref<!tpu.dma_semaphore, #tpu.memory_space<semaphore_mem>>) src(%arg6 : memref<16384xf32, #tpu.memory_space<vmem>>) dst(%dma_wait3A_85 : memref<16384xf32, #tpu.memory_space<hbm>>)
    %scan3A_86 = arith.constant 0 : i32
    %scan3A_87 = arith.constant 0 : i32
    %scan3A_88 = arith.constant 64 : i32
    %scan3A_89 = arith.addi %scan3A_87, %scan3A_88 : i32
    %scan3A_90 = arith.constant 1 : i32
    %scan3A_91 = scf.for %scan3A_118 = %scan3A_87 to %scan3A_89 step %scan3A_90 iter_args(%scan3A_119 = %scan3A_86) -> (i32)  : i32 {
      %mul3A_120 = arith.constant 16 : i32
      %mul3A_121 = arith.muli %scan3A_118, %mul3A_120 : i32
      %add3A_122 = arith.constant 0 : i32
      %add3A_123 = arith.addi %mul3A_121, %add3A_122 : i32
      %mul3A_124 = arith.constant 16 : i32
      %mul3A_125 = arith.muli %add3A_123, %mul3A_124 : i32
      %swap3A = arith.index_cast %mul3A_125 : i32 to index
      %swap3A_126 = tpu.vector_load %arg6[%swap3A] {strides = array<i32>} : memref<16384xf32, #tpu.memory_space<vmem>>, vector<16xf32>,
      tpu.vector_store %arg6[%swap3A], %broadcast_in_dim3A_5 {strides = array<i32>} : memref<16384xf32, #tpu.memory_space<vmem>>, vector<16xf32>,
      %mul3A_127 = arith.constant 16 : i32
      %mul3A_128 = arith.muli %scan3A_118, %mul3A_127 : i32
      %add3A_129 = arith.constant 1 : i32
      %add3A_130 = arith.addi %mul3A_128, %add3A_129 : i32
      %mul3A_131 = arith.constant 16 : i32
      %mul3A_132 = arith.muli %add3A_130, %mul3A_131 : i32
      %swap3A_133 = arith.index_cast %mul3A_132 : i32 to index
      %swap3A_134 = tpu.vector_load %arg6[%swap3A_133] {strides = array<i32>} : memref<16384xf32, #tpu.memory_space<vmem>>, vector<16xf32>,
      tpu.vector_store %arg6[%swap3A_133], %broadcast_in_dim3A_5 {strides = array<i32>} : memref<16384xf32, #tpu.memory_space<vmem>>, vector<16xf32>,
      %mul3A_135 = arith.constant 16 : i32
      %mul3A_136 = arith.muli %scan3A_118, %mul3A_135 : i32
      %add3A_137 = arith.constant 2 : i32
      %add3A_138 = arith.addi %mul3A_136, %add3A_137 : i32
      %mul3A_139 = arith.constant 16 : i32
      %mul3A_140 = arith.muli %add3A_138, %mul3A_139 : i32
      %swap3A_141 = arith.index_cast %mul3A_140 : i32 to index
      %swap3A_142 = tpu.vector_load %arg6[%swap3A_141] {strides = array<i32>} : memref<16384xf32, #tpu.memory_space<vmem>>, vector<16xf32>,
      tpu.vector_store %arg6[%swap3A_141], %broadcast_in_dim3A_5 {strides = array<i32>} : memref<16384xf32, #tpu.memory_space<vmem>>, vector<16xf32>,
      %mul3A_143 = arith.constant 16 : i32
      %mul3A_144 = arith.muli %scan3A_118, %mul3A_143 : i32
      %add3A_145 = arith.constant 3 : i32
      %add3A_146 = arith.addi %mul3A_144, %add3A_145 : i32
      %mul3A_147 = arith.constant 16 : i32
      %mul3A_148 = arith.muli %add3A_146, %mul3A_147 : i32
      %swap3A_149 = arith.index_cast %mul3A_148 : i32 to index
      %swap3A_150 = tpu.vector_load %arg6[%swap3A_149] {strides = array<i32>} : memref<16384xf32, #tpu.memory_space<vmem>>, vector<16xf32>,
      tpu.vector_store %arg6[%swap3A_149], %broadcast_in_dim3A_5 {strides = array<i32>} : memref<16384xf32, #tpu.memory_space<vmem>>, vector<16xf32>,
      %mul3A_151 = arith.constant 16 : i32
      %mul3A_152 = arith.muli %scan3A_118, %mul3A_151 : i32
      %add3A_153 = arith.constant 4 : i32
      %add3A_154 = arith.addi %mul3A_152, %add3A_153 : i32
      %mul3A_155 = arith.constant 16 : i32
      %mul3A_156 = arith.muli %add3A_154, %mul3A_155 : i32
      %swap3A_157 = arith.index_cast %mul3A_156 : i32 to index
      %swap3A_158 = tpu.vector_load %arg6[%swap3A_157] {strides = array<i32>} : memref<16384xf32, #tpu.memory_space<vmem>>, vector<16xf32>,
      tpu.vector_store %arg6[%swap3A_157], %broadcast_in_dim3A_5 {strides = array<i32>} : memref<16384xf32, #tpu.memory_space<vmem>>, vector<16xf32>,
      %mul3A_159 = arith.constant 16 : i32
      %mul3A_160 = arith.muli %scan3A_118, %mul3A_159 : i32
      %add3A_161 = arith.constant 5 : i32
      %add3A_162 = arith.addi %mul3A_160, %add3A_161 : i32
      %mul3A_163 = arith.constant 16 : i32
      %mul3A_164 = arith.muli %add3A_162, %mul3A_163 : i32
      %swap3A_165 = arith.index_cast %mul3A_164 : i32 to index
      %swap3A_166 = tpu.vector_load %arg6[%swap3A_165] {strides = array<i32>} : memref<16384xf32, #tpu.memory_space<vmem>>, vector<16xf32>,
      tpu.vector_store %arg6[%swap3A_165], %broadcast_in_dim3A_5 {strides = array<i32>} : memref<16384xf32, #tpu.memory_space<vmem>>, vector<16xf32>,
      %mul3A_167 = arith.constant 16 : i32
      %mul3A_168 = arith.muli %scan3A_118, %mul3A_167 : i32
      %add3A_169 = arith.constant 6 : i32
      %add3A_170 = arith.addi %mul3A_168, %add3A_169 : i32
      %mul3A_171 = arith.constant 16 : i32
      %mul3A_172 = arith.muli %add3A_170, %mul3A_171 : i32
      %swap3A_173 = arith.index_cast %mul3A_172 : i32 to index
      %swap3A_174 = tpu.vector_load %arg6[%swap3A_173] {strides = array<i32>} : memref<16384xf32, #tpu.memory_space<vmem>>, vector<16xf32>,
      tpu.vector_store %arg6[%swap3A_173], %broadcast_in_dim3A_5 {strides = array<i32>} : memref<16384xf32, #tpu.memory_space<vmem>>, vector<16xf32>,
      %mul3A_175 = arith.constant 16 : i32
      %mul3A_176 = arith.muli %scan3A_118, %mul3A_175 : i32
      %add3A_177 = arith.constant 7 : i32
      %add3A_178 = arith.addi %mul3A_176, %add3A_177 : i32
      %mul3A_179 = arith.constant 16 : i32
      %mul3A_180 = arith.muli %add3A_178, %mul3A_179 : i32
      %swap3A_181 = arith.index_cast %mul3A_180 : i32 to index
      %swap3A_182 = tpu.vector_load %arg6[%swap3A_181] {strides = array<i32>} : memref<16384xf32, #tpu.memory_space<vmem>>, vector<16xf32>,
      tpu.vector_store %arg6[%swap3A_181], %broadcast_in_dim3A_5 {strides = array<i32>} : memref<16384xf32, #tpu.memory_space<vmem>>, vector<16xf32>,
      %mul3A_183 = arith.constant 16 : i32
      %mul3A_184 = arith.muli %scan3A_118, %mul3A_183 : i32
      %add3A_185 = arith.constant 8 : i32
      %add3A_186 = arith.addi %mul3A_184, %add3A_185 : i32
      %mul3A_187 = arith.constant 16 : i32
      %mul3A_188 = arith.muli %add3A_186, %mul3A_187 : i32
      %swap3A_189 = arith.index_cast %mul3A_188 : i32 to index
      %swap3A_190 = tpu.vector_load %arg6[%swap3A_189] {strides = array<i32>} : memref<16384xf32, #tpu.memory_space<vmem>>, vector<16xf32>,
      tpu.vector_store %arg6[%swap3A_189], %broadcast_in_dim3A_5 {strides = array<i32>} : memref<16384xf32, #tpu.memory_space<vmem>>, vector<16xf32>,
      %mul3A_191 = arith.constant 16 : i32
      %mul3A_192 = arith.muli %scan3A_118, %mul3A_191 : i32
      %add3A_193 = arith.constant 9 : i32
      %add3A_194 = arith.addi %mul3A_192, %add3A_193 : i32
      %mul3A_195 = arith.constant 16 : i32
      %mul3A_196 = arith.muli %add3A_194, %mul3A_195 : i32
      %swap3A_197 = arith.index_cast %mul3A_196 : i32 to index
      %swap3A_198 = tpu.vector_load %arg6[%swap3A_197] {strides = array<i32>} : memref<16384xf32, #tpu.memory_space<vmem>>, vector<16xf32>,
      tpu.vector_store %arg6[%swap3A_197], %broadcast_in_dim3A_5 {strides = array<i32>} : memref<16384xf32, #tpu.memory_space<vmem>>, vector<16xf32>,
      %mul3A_199 = arith.constant 16 : i32
      %mul3A_200 = arith.muli %scan3A_118, %mul3A_199 : i32
      %add3A_201 = arith.constant 10 : i32
      %add3A_202 = arith.addi %mul3A_200, %add3A_201 : i32
      %mul3A_203 = arith.constant 16 : i32
      %mul3A_204 = arith.muli %add3A_202, %mul3A_203 : i32
      %swap3A_205 = arith.index_cast %mul3A_204 : i32 to index
      %swap3A_206 = tpu.vector_load %arg6[%swap3A_205] {strides = array<i32>} : memref<16384xf32, #tpu.memory_space<vmem>>, vector<16xf32>,
      tpu.vector_store %arg6[%swap3A_205], %broadcast_in_dim3A_5 {strides = array<i32>} : memref<16384xf32, #tpu.memory_space<vmem>>, vector<16xf32>,
      %mul3A_207 = arith.constant 16 : i32
      %mul3A_208 = arith.muli %scan3A_118, %mul3A_207 : i32
      %add3A_209 = arith.constant 11 : i32
      %add3A_210 = arith.addi %mul3A_208, %add3A_209 : i32
      %mul3A_211 = arith.constant 16 : i32
      %mul3A_212 = arith.muli %add3A_210, %mul3A_211 : i32
      %swap3A_213 = arith.index_cast %mul3A_212 : i32 to index
      %swap3A_214 = tpu.vector_load %arg6[%swap3A_213] {strides = array<i32>} : memref<16384xf32, #tpu.memory_space<vmem>>, vector<16xf32>,
      tpu.vector_store %arg6[%swap3A_213], %broadcast_in_dim3A_5 {strides = array<i32>} : memref<16384xf32, #tpu.memory_space<vmem>>, vector<16xf32>,
      %mul3A_215 = arith.constant 16 : i32
      %mul3A_216 = arith.muli %scan3A_118, %mul3A_215 : i32
      %add3A_217 = arith.constant 12 : i32
      %add3A_218 = arith.addi %mul3A_216, %add3A_217 : i32
      %mul3A_219 = arith.constant 16 : i32
      %mul3A_220 = arith.muli %add3A_218, %mul3A_219 : i32
      %swap3A_221 = arith.index_cast %mul3A_220 : i32 to index
      %swap3A_222 = tpu.vector_load %arg6[%swap3A_221] {strides = array<i32>} : memref<16384xf32, #tpu.memory_space<vmem>>, vector<16xf32>,
      tpu.vector_store %arg6[%swap3A_221], %broadcast_in_dim3A_5 {strides = array<i32>} : memref<16384xf32, #tpu.memory_space<vmem>>, vector<16xf32>,
      %mul3A_223 = arith.constant 16 : i32
      %mul3A_224 = arith.muli %scan3A_118, %mul3A_223 : i32
      %add3A_225 = arith.constant 13 : i32
      %add3A_226 = arith.addi %mul3A_224, %add3A_225 : i32
      %mul3A_227 = arith.constant 16 : i32
      %mul3A_228 = arith.muli %add3A_226, %mul3A_227 : i32
      %swap3A_229 = arith.index_cast %mul3A_228 : i32 to index
      %swap3A_230 = tpu.vector_load %arg6[%swap3A_229] {strides = array<i32>} : memref<16384xf32, #tpu.memory_space<vmem>>, vector<16xf32>,
      tpu.vector_store %arg6[%swap3A_229], %broadcast_in_dim3A_5 {strides = array<i32>} : memref<16384xf32, #tpu.memory_space<vmem>>, vector<16xf32>,
      %mul3A_231 = arith.constant 16 : i32
      %mul3A_232 = arith.muli %scan3A_118, %mul3A_231 : i32
      %add3A_233 = arith.constant 14 : i32
      %add3A_234 = arith.addi %mul3A_232, %add3A_233 : i32
      %mul3A_235 = arith.constant 16 : i32
      %mul3A_236 = arith.muli %add3A_234, %mul3A_235 : i32
      %swap3A_237 = arith.index_cast %mul3A_236 : i32 to index
      %swap3A_238 = tpu.vector_load %arg6[%swap3A_237] {strides = array<i32>} : memref<16384xf32, #tpu.memory_space<vmem>>, vector<16xf32>,
      tpu.vector_store %arg6[%swap3A_237], %broadcast_in_dim3A_5 {strides = array<i32>} : memref<16384xf32, #tpu.memory_space<vmem>>, vector<16xf32>,
      %mul3A_239 = arith.constant 16 : i32
      %mul3A_240 = arith.muli %scan3A_118, %mul3A_239 : i32
      %add3A_241 = arith.constant 15 : i32
      %add3A_242 = arith.addi %mul3A_240, %add3A_241 : i32
      %mul3A_243 = arith.constant 16 : i32
      %mul3A_244 = arith.muli %add3A_242, %mul3A_243 : i32
      %swap3A_245 = arith.index_cast %mul3A_244 : i32 to index
      %swap3A_246 = tpu.vector_load %arg6[%swap3A_245] {strides = array<i32>} : memref<16384xf32, #tpu.memory_space<vmem>>, vector<16xf32>,
      tpu.vector_store %arg6[%swap3A_245], %broadcast_in_dim3A_5 {strides = array<i32>} : memref<16384xf32, #tpu.memory_space<vmem>>, vector<16xf32>,
      %scan3A_247 = arith.constant 0 : i32
      scf.yield %scan3A_247 : i32
    }
    %scan3A_92 = arith.constant 64 : i32
    %scan3A_93 = arith.constant 0 : i32
    %scan3A_94 = arith.constant 0 : i32
    %scan3A_95 = arith.constant 100 : i32
    %scan3A_96 = arith.addi %scan3A_94, %scan3A_95 : i32
    %scan3A_97 = arith.constant 1 : i32
    %scan3A_98 = scf.for %scan3A_118 = %scan3A_94 to %scan3A_96 step %scan3A_97 iter_args(%scan3A_119 = %scan3A_93) -> (i32)  : i32 {
      %get3A = arith.index_cast %scan3A_118 : i32 to index
      %get3A_120 = arith.constant 48 : index
      %get3A_121 = tpu.vector_load %arg4[%get3A, %get3A_120] {strides = array<i32>} : memref<100x64xi32, #tpu.memory_space<vmem>>, vector<16xi32>,
      %shift_right_arithmetic3A_122 = arith.constant 7 : i32
      %shift_right_arithmetic3A_123 = vector.broadcast %shift_right_arithmetic3A_122 : i32 to vector<16xi32>
      %shift_right_arithmetic3A_124 = arith.shrsi %get3A_121, %shift_right_arithmetic3A_123 : vector<16xi32>
      %mul3A_125 = arith.constant 896 : i32
      %mul3A_126 = vector.broadcast %mul3A_125 : i32 to vector<16xi32>
      %mul3A_127 = arith.muli %shift_right_arithmetic3A_124, %mul3A_126 : vector<16xi32>
      %add3A_128 = arith.addi %get3A_121, %mul3A_127 : vector<16xi32>
      %add3A_129 = arith.addi %add3A_16, %add3A_128 : vector<16xi32>
      tpu.vector_store_idx %arg6[%add3A_129], %broadcast_in_dim3A_3 {add = true} : memref<16384xf32, #tpu.memory_space<vmem>>[vector<16xi32>], vector<16xf32>,
      %scan3A_130 = arith.constant 0 : i32
      scf.yield %scan3A_130 : i32
    }
    %scan3A_99 = arith.constant 100 : i32
    %add3A_100 = arith.constant 48 : i32
    %add3A_101 = arith.addi %mul3A_2, %add3A_100 : i32
    %mul3A_102 = arith.constant 1024 : i32
    %mul3A_103 = arith.muli %add3A_101, %mul3A_102 : i32
    %dma_start3A_104 = tpu.memref_slice %arg3[%mul3A_103] : memref<2097152xf32, #tpu.memory_space<hbm>> -> memref<16384xf32, #tpu.memory_space<hbm>>
    %dma_start3A_105 = tpu.memref_slice %arg3[%mul3A_103] : memref<2097152xf32, #tpu.memory_space<hbm>> -> memref<16384xf32, #tpu.memory_space<hbm>>
    tpu.enqueue_dma source(%arg6 : memref<16384xf32, #tpu.memory_space<vmem>>) target(%dma_start3A_105 : memref<16384xf32, #tpu.memory_space<hbm>>) target_semaphore(%arg8 : memref<!tpu.dma_semaphore, #tpu.memory_space<semaphore_mem>>)
    %add3A_106 = arith.constant 32 : i32
    %add3A_107 = arith.addi %mul3A_2, %add3A_106 : i32
    %mul3A_108 = arith.constant 1024 : i32
    %mul3A_109 = arith.muli %add3A_107, %mul3A_108 : i32
    %dma_wait3A_110 = tpu.memref_slice %arg3[%mul3A_109] : memref<2097152xf32, #tpu.memory_space<hbm>> -> memref<16384xf32, #tpu.memory_space<hbm>>
    %dma_wait3A_111 = tpu.memref_slice %arg3[%mul3A_109] : memref<2097152xf32, #tpu.memory_space<hbm>> -> memref<16384xf32, #tpu.memory_space<hbm>>
    tpu.wait_dma2 semaphore(%arg7 : memref<!tpu.dma_semaphore, #tpu.memory_space<semaphore_mem>>) src(%arg5 : memref<16384xf32, #tpu.memory_space<vmem>>) dst(%dma_wait3A_111 : memref<16384xf32, #tpu.memory_space<hbm>>)
    %add3A_112 = arith.constant 48 : i32
    %add3A_113 = arith.addi %mul3A_2, %add3A_112 : i32
    %mul3A_114 = arith.constant 1024 : i32
    %mul3A_115 = arith.muli %add3A_113, %mul3A_114 : i32
    %dma_wait3A_116 = tpu.memref_slice %arg3[%mul3A_115] : memref<2097152xf32, #tpu.memory_space<hbm>> -> memref<16384xf32, #tpu.memory_space<hbm>>
    %dma_wait3A_117 = tpu.memref_slice %arg3[%mul3A_115] : memref<2097152xf32, #tpu.memory_space<hbm>> -> memref<16384xf32, #tpu.memory_space<hbm>>
    tpu.wait_dma2 semaphore(%arg8 : memref<!tpu.dma_semaphore, #tpu.memory_space<semaphore_mem>>) src(%arg6 : memref<16384xf32, #tpu.memory_space<vmem>>) dst(%dma_wait3A_117 : memref<16384xf32, #tpu.memory_space<hbm>>)
    return
  }
}

module attributes {stable_mosaic.version = 14 : i64} {
  func.func @_mlp_body_alias(%arg0: i32, %arg1: memref<128x8x8x128xf32, #tpu.memory_space<vmem>>, %arg2: memref<1024x128xf32, #tpu.memory_space<vmem>>, %arg3: memref<128x128xf32, #tpu.memory_space<vmem>>, %arg4: memref<128x1xf32, #tpu.memory_space<vmem>>, %arg5: memref<1000x128xf32, #tpu.memory_space<vmem>>, %arg6: memref<1000x1xf32, #tpu.memory_space<vmem>>, %arg7: memref<1000x4096xf32, #tpu.memory_space<any>>, %arg8: memref<1000x1024xf32, #tpu.memory_space<vmem>>) attributes {dimension_semantics = [#tpu.dimension_semantics<arbitrary>], iteration_bounds = array<i64: 2>, scalar_prefetch = 0 : i64, scratch_operands = 0 : i64, tpu.core_type = #tpu.core_type<tc>, window_params = [{transform_indices = @transform_0, window_bounds = array<i64: 128, 8, 8, 128>}, {pipeline_mode = #tpu.pipeline_mode<synchronous>, transform_indices = @transform_1, window_bounds = array<i64: 1024, 128>}, {pipeline_mode = #tpu.pipeline_mode<synchronous>, transform_indices = @transform_2, window_bounds = array<i64: 128, 128>}, {pipeline_mode = #tpu.pipeline_mode<synchronous>, transform_indices = @transform_3, window_bounds = array<i64: 128, 1>}, {pipeline_mode = #tpu.pipeline_mode<synchronous>, transform_indices = @transform_4, window_bounds = array<i64: 1000, 128>}, {pipeline_mode = #tpu.pipeline_mode<synchronous>, transform_indices = @transform_5, window_bounds = array<i64: 1000, 1>}, {}, {transform_indices = @transform_7, window_bounds = array<i64: 1000, 1024>}]} {
    %broadcast_in_dim3A = arith.constant 0.000000e+00 : f32
    %broadcast_in_dim3A_0 = vector.broadcast %broadcast_in_dim3A : f32 to vector<1024x128xf32>
    %get3A = arith.constant 0 : index
    %get3A_1 = arith.constant 0 : index
    %get3A_2 = arith.constant 0 : index
    %get3A_3 = arith.constant 0 : index
    %get3A_4 = vector.load %arg1[%get3A, %get3A_1, %get3A_2, %get3A_3] : memref<128x8x8x128xf32, #tpu.memory_space<vmem>>, vector<128x1x8x128xf32>
    %get3A_5 = vector.shape_cast %get3A_4 : vector<128x1x8x128xf32> to vector<128x8x128xf32>
    %reshape3A = vector.shape_cast %get3A_5 : vector<128x8x128xf32> to vector<1024x128xf32>
    %get3A_6 = arith.constant 0 : index
    %get3A_7 = arith.constant 0 : index
    %get3A_8 = vector.load %arg2[%get3A_6, %get3A_7] : memref<1024x128xf32, #tpu.memory_space<vmem>>, vector<128x128xf32>
    %dot_general3A = arith.constant dense<0.000000e+00> : vector<1024x128xf32>
    %dot_general3A_9 = tpu.matmul %reshape3A, %get3A_8, %dot_general3A {dimension_numbers = #tpu.dot_dimension_numbers<[1], [0], [0], [1], [0, 0, 1, 1], [], []>, transpose_lhs_hint = false} : vector<1024x128xf32>, vector<128x128xf32>, vector<1024x128xf32> -> vector<1024x128xf32>
    %add3A = arith.addf %broadcast_in_dim3A_0, %dot_general3A_9 : vector<1024x128xf32>
    %get3A_10 = arith.constant 0 : index
    %get3A_11 = arith.constant 1 : index
    %get3A_12 = arith.constant 0 : index
    %get3A_13 = arith.constant 0 : index
    %get3A_14 = vector.load %arg1[%get3A_10, %get3A_11, %get3A_12, %get3A_13] : memref<128x8x8x128xf32, #tpu.memory_space<vmem>>, vector<128x1x8x128xf32>
    %get3A_15 = vector.shape_cast %get3A_14 : vector<128x1x8x128xf32> to vector<128x8x128xf32>
    %reshape3A_16 = vector.shape_cast %get3A_15 : vector<128x8x128xf32> to vector<1024x128xf32>
    %get3A_17 = arith.constant 128 : index
    %get3A_18 = arith.constant 0 : index
    %get3A_19 = vector.load %arg2[%get3A_17, %get3A_18] : memref<1024x128xf32, #tpu.memory_space<vmem>>, vector<128x128xf32>
    %dot_general3A_20 = arith.constant dense<0.000000e+00> : vector<1024x128xf32>
    %dot_general3A_21 = tpu.matmul %reshape3A_16, %get3A_19, %dot_general3A_20 {dimension_numbers = #tpu.dot_dimension_numbers<[1], [0], [0], [1], [0, 0, 1, 1], [], []>, transpose_lhs_hint = false} : vector<1024x128xf32>, vector<128x128xf32>, vector<1024x128xf32> -> vector<1024x128xf32>
    %add3A_22 = arith.addf %add3A, %dot_general3A_21 : vector<1024x128xf32>
    %get3A_23 = arith.constant 0 : index
    %get3A_24 = arith.constant 2 : index
    %get3A_25 = arith.constant 0 : index
    %get3A_26 = arith.constant 0 : index
    %get3A_27 = vector.load %arg1[%get3A_23, %get3A_24, %get3A_25, %get3A_26] : memref<128x8x8x128xf32, #tpu.memory_space<vmem>>, vector<128x1x8x128xf32>
    %get3A_28 = vector.shape_cast %get3A_27 : vector<128x1x8x128xf32> to vector<128x8x128xf32>
    %reshape3A_29 = vector.shape_cast %get3A_28 : vector<128x8x128xf32> to vector<1024x128xf32>
    %get3A_30 = arith.constant 256 : index
    %get3A_31 = arith.constant 0 : index
    %get3A_32 = vector.load %arg2[%get3A_30, %get3A_31] : memref<1024x128xf32, #tpu.memory_space<vmem>>, vector<128x128xf32>
    %dot_general3A_33 = arith.constant dense<0.000000e+00> : vector<1024x128xf32>
    %dot_general3A_34 = tpu.matmul %reshape3A_29, %get3A_32, %dot_general3A_33 {dimension_numbers = #tpu.dot_dimension_numbers<[1], [0], [0], [1], [0, 0, 1, 1], [], []>, transpose_lhs_hint = false} : vector<1024x128xf32>, vector<128x128xf32>, vector<1024x128xf32> -> vector<1024x128xf32>
    %add3A_35 = arith.addf %add3A_22, %dot_general3A_34 : vector<1024x128xf32>
    %get3A_36 = arith.constant 0 : index
    %get3A_37 = arith.constant 3 : index
    %get3A_38 = arith.constant 0 : index
    %get3A_39 = arith.constant 0 : index
    %get3A_40 = vector.load %arg1[%get3A_36, %get3A_37, %get3A_38, %get3A_39] : memref<128x8x8x128xf32, #tpu.memory_space<vmem>>, vector<128x1x8x128xf32>
    %get3A_41 = vector.shape_cast %get3A_40 : vector<128x1x8x128xf32> to vector<128x8x128xf32>
    %reshape3A_42 = vector.shape_cast %get3A_41 : vector<128x8x128xf32> to vector<1024x128xf32>
    %get3A_43 = arith.constant 384 : index
    %get3A_44 = arith.constant 0 : index
    %get3A_45 = vector.load %arg2[%get3A_43, %get3A_44] : memref<1024x128xf32, #tpu.memory_space<vmem>>, vector<128x128xf32>
    %dot_general3A_46 = arith.constant dense<0.000000e+00> : vector<1024x128xf32>
    %dot_general3A_47 = tpu.matmul %reshape3A_42, %get3A_45, %dot_general3A_46 {dimension_numbers = #tpu.dot_dimension_numbers<[1], [0], [0], [1], [0, 0, 1, 1], [], []>, transpose_lhs_hint = false} : vector<1024x128xf32>, vector<128x128xf32>, vector<1024x128xf32> -> vector<1024x128xf32>
    %add3A_48 = arith.addf %add3A_35, %dot_general3A_47 : vector<1024x128xf32>
    %get3A_49 = arith.constant 0 : index
    %get3A_50 = arith.constant 4 : index
    %get3A_51 = arith.constant 0 : index
    %get3A_52 = arith.constant 0 : index
    %get3A_53 = vector.load %arg1[%get3A_49, %get3A_50, %get3A_51, %get3A_52] : memref<128x8x8x128xf32, #tpu.memory_space<vmem>>, vector<128x1x8x128xf32>
    %get3A_54 = vector.shape_cast %get3A_53 : vector<128x1x8x128xf32> to vector<128x8x128xf32>
    %reshape3A_55 = vector.shape_cast %get3A_54 : vector<128x8x128xf32> to vector<1024x128xf32>
    %get3A_56 = arith.constant 512 : index
    %get3A_57 = arith.constant 0 : index
    %get3A_58 = vector.load %arg2[%get3A_56, %get3A_57] : memref<1024x128xf32, #tpu.memory_space<vmem>>, vector<128x128xf32>
    %dot_general3A_59 = arith.constant dense<0.000000e+00> : vector<1024x128xf32>
    %dot_general3A_60 = tpu.matmul %reshape3A_55, %get3A_58, %dot_general3A_59 {dimension_numbers = #tpu.dot_dimension_numbers<[1], [0], [0], [1], [0, 0, 1, 1], [], []>, transpose_lhs_hint = false} : vector<1024x128xf32>, vector<128x128xf32>, vector<1024x128xf32> -> vector<1024x128xf32>
    %add3A_61 = arith.addf %add3A_48, %dot_general3A_60 : vector<1024x128xf32>
    %get3A_62 = arith.constant 0 : index
    %get3A_63 = arith.constant 5 : index
    %get3A_64 = arith.constant 0 : index
    %get3A_65 = arith.constant 0 : index
    %get3A_66 = vector.load %arg1[%get3A_62, %get3A_63, %get3A_64, %get3A_65] : memref<128x8x8x128xf32, #tpu.memory_space<vmem>>, vector<128x1x8x128xf32>
    %get3A_67 = vector.shape_cast %get3A_66 : vector<128x1x8x128xf32> to vector<128x8x128xf32>
    %reshape3A_68 = vector.shape_cast %get3A_67 : vector<128x8x128xf32> to vector<1024x128xf32>
    %get3A_69 = arith.constant 640 : index
    %get3A_70 = arith.constant 0 : index
    %get3A_71 = vector.load %arg2[%get3A_69, %get3A_70] : memref<1024x128xf32, #tpu.memory_space<vmem>>, vector<128x128xf32>
    %dot_general3A_72 = arith.constant dense<0.000000e+00> : vector<1024x128xf32>
    %dot_general3A_73 = tpu.matmul %reshape3A_68, %get3A_71, %dot_general3A_72 {dimension_numbers = #tpu.dot_dimension_numbers<[1], [0], [0], [1], [0, 0, 1, 1], [], []>, transpose_lhs_hint = false} : vector<1024x128xf32>, vector<128x128xf32>, vector<1024x128xf32> -> vector<1024x128xf32>
    %add3A_74 = arith.addf %add3A_61, %dot_general3A_73 : vector<1024x128xf32>
    %get3A_75 = arith.constant 0 : index
    %get3A_76 = arith.constant 6 : index
    %get3A_77 = arith.constant 0 : index
    %get3A_78 = arith.constant 0 : index
    %get3A_79 = vector.load %arg1[%get3A_75, %get3A_76, %get3A_77, %get3A_78] : memref<128x8x8x128xf32, #tpu.memory_space<vmem>>, vector<128x1x8x128xf32>
    %get3A_80 = vector.shape_cast %get3A_79 : vector<128x1x8x128xf32> to vector<128x8x128xf32>
    %reshape3A_81 = vector.shape_cast %get3A_80 : vector<128x8x128xf32> to vector<1024x128xf32>
    %get3A_82 = arith.constant 768 : index
    %get3A_83 = arith.constant 0 : index
    %get3A_84 = vector.load %arg2[%get3A_82, %get3A_83] : memref<1024x128xf32, #tpu.memory_space<vmem>>, vector<128x128xf32>
    %dot_general3A_85 = arith.constant dense<0.000000e+00> : vector<1024x128xf32>
    %dot_general3A_86 = tpu.matmul %reshape3A_81, %get3A_84, %dot_general3A_85 {dimension_numbers = #tpu.dot_dimension_numbers<[1], [0], [0], [1], [0, 0, 1, 1], [], []>, transpose_lhs_hint = false} : vector<1024x128xf32>, vector<128x128xf32>, vector<1024x128xf32> -> vector<1024x128xf32>
    %add3A_87 = arith.addf %add3A_74, %dot_general3A_86 : vector<1024x128xf32>
    %get3A_88 = arith.constant 0 : index
    %get3A_89 = arith.constant 7 : index
    %get3A_90 = arith.constant 0 : index
    %get3A_91 = arith.constant 0 : index
    %get3A_92 = vector.load %arg1[%get3A_88, %get3A_89, %get3A_90, %get3A_91] : memref<128x8x8x128xf32, #tpu.memory_space<vmem>>, vector<128x1x8x128xf32>
    %get3A_93 = vector.shape_cast %get3A_92 : vector<128x1x8x128xf32> to vector<128x8x128xf32>
    %reshape3A_94 = vector.shape_cast %get3A_93 : vector<128x8x128xf32> to vector<1024x128xf32>
    %get3A_95 = arith.constant 896 : index
    %get3A_96 = arith.constant 0 : index
    %get3A_97 = vector.load %arg2[%get3A_95, %get3A_96] : memref<1024x128xf32, #tpu.memory_space<vmem>>, vector<128x128xf32>
    %dot_general3A_98 = arith.constant dense<0.000000e+00> : vector<1024x128xf32>
    %dot_general3A_99 = tpu.matmul %reshape3A_94, %get3A_97, %dot_general3A_98 {dimension_numbers = #tpu.dot_dimension_numbers<[1], [0], [0], [1], [0, 0, 1, 1], [], []>, transpose_lhs_hint = false} : vector<1024x128xf32>, vector<128x128xf32>, vector<1024x128xf32> -> vector<1024x128xf32>
    %add3A_100 = arith.addf %add3A_87, %dot_general3A_99 : vector<1024x128xf32>
    %mul3A = arith.constant 0.00999999977 : f32
    %mul3A_101 = vector.broadcast %mul3A : f32 to vector<1024x128xf32>
    %mul3A_102 = arith.mulf %add3A_100, %mul3A_101 : vector<1024x128xf32>
    %transpose3A = tpu.transpose %mul3A_102, [1, 0] : vector<1024x128xf32> -> vector<128x1024xf32>
    %get3A_103 = arith.constant 0 : index
    %get3A_104 = arith.constant 0 : index
    %get3A_105 = vector.load %arg3[%get3A_103, %get3A_104] : memref<128x128xf32, #tpu.memory_space<vmem>>, vector<128x128xf32>
    %dot_general3A_106 = arith.constant dense<0.000000e+00> : vector<128x1024xf32>
    %dot_general3A_107 = tpu.matmul %get3A_105, %transpose3A, %dot_general3A_106 {dimension_numbers = #tpu.dot_dimension_numbers<[1], [0], [0], [1], [0, 0, 1, 1], [], []>, transpose_lhs_hint = false} : vector<128x128xf32>, vector<128x1024xf32>, vector<128x1024xf32> -> vector<128x1024xf32>
    %get3A_108 = arith.constant 0 : index
    %get3A_109 = arith.constant 0 : index
    %get3A_110 = vector.load %arg4[%get3A_108, %get3A_109] : memref<128x1xf32, #tpu.memory_space<vmem>>, vector<128x1xf32>
    %add3A_111 = vector.broadcast %get3A_110 : vector<128x1xf32> to vector<128x1024xf32>
    %add3A_112 = arith.addf %dot_general3A_107, %add3A_111 : vector<128x1024xf32>
    %max3A = arith.constant 0.000000e+00 : f32
    %max3A_113 = vector.broadcast %max3A : f32 to vector<128x1024xf32>
    %max3A_114 = arith.maximumf %add3A_112, %max3A_113 : vector<128x1024xf32>
    %get3A_115 = arith.constant 0 : index
    %get3A_116 = arith.constant 0 : index
    %get3A_117 = vector.load %arg5[%get3A_115, %get3A_116] : memref<1000x128xf32, #tpu.memory_space<vmem>>, vector<1000x128xf32>
    %dot_general3A_118 = arith.constant dense<0.000000e+00> : vector<1000x1024xf32>
    %dot_general3A_119 = tpu.matmul %get3A_117, %max3A_114, %dot_general3A_118 {dimension_numbers = #tpu.dot_dimension_numbers<[1], [0], [0], [1], [0, 0, 1, 1], [], []>, transpose_lhs_hint = false} : vector<1000x128xf32>, vector<128x1024xf32>, vector<1000x1024xf32> -> vector<1000x1024xf32>
    %get3A_120 = arith.constant 0 : index
    %get3A_121 = arith.constant 0 : index
    %get3A_122 = vector.load %arg6[%get3A_120, %get3A_121] : memref<1000x1xf32, #tpu.memory_space<vmem>>, vector<1000x1xf32>
    %add3A_123 = vector.broadcast %get3A_122 : vector<1000x1xf32> to vector<1000x1024xf32>
    %add3A_124 = arith.addf %dot_general3A_119, %add3A_123 : vector<1000x1024xf32>
    %reduce_max3A = arith.constant dense<0xFF800000> : vector<1024xf32>
    %reduce_max3A_125 = vector.multi_reduction <maximumf>, %add3A_124, %reduce_max3A [0] : vector<1000x1024xf32> to vector<1024xf32>
    %broadcast_in_dim3A_126 = vector.shape_cast %reduce_max3A_125 : vector<1024xf32> to vector<1x1024xf32>
    %sub3A = vector.broadcast %broadcast_in_dim3A_126 : vector<1x1024xf32> to vector<1000x1024xf32>
    %sub3A_127 = arith.subf %add3A_124, %sub3A : vector<1000x1024xf32>
    %exp3A = math.exp %sub3A_127 : vector<1000x1024xf32>
    %reduce_sum3A = arith.constant dense<0.000000e+00> : vector<1024xf32>
    %reduce_sum3A_128 = vector.multi_reduction <add>, %exp3A, %reduce_sum3A [0] : vector<1000x1024xf32> to vector<1024xf32>
    %broadcast_in_dim3A_129 = vector.shape_cast %reduce_sum3A_128 : vector<1024xf32> to vector<1x1024xf32>
    %div3A = vector.broadcast %broadcast_in_dim3A_129 : vector<1x1024xf32> to vector<1000x1024xf32>
    %div3A_130 = arith.divf %exp3A, %div3A : vector<1000x1024xf32>
    %swap3A = arith.constant 0 : index
    %swap3A_131 = arith.constant 0 : index
    %swap3A_132 = vector.load %arg8[%swap3A, %swap3A_131] : memref<1000x1024xf32, #tpu.memory_space<vmem>>, vector<1000x1024xf32>
    tpu.vector_store %arg8[%swap3A, %swap3A_131], %div3A_130 {strides = array<i32>} : memref<1000x1024xf32, #tpu.memory_space<vmem>>, vector<1000x1024xf32>,
    return
  }
  func.func @transform_0(%arg0: i32) -> (i32, i32, i32, i32) {
    %c0_i32 = arith.constant 0 : i32
    %c0_i32_0 = arith.constant 0 : i32
    %c0_i32_1 = arith.constant 0 : i32
    %c0_i32_2 = arith.constant 0 : i32
    return %arg0, %c0_i32, %c0_i32_0, %c0_i32_1 : i32, i32, i32, i32
  }
  func.func @transform_1(%arg0: i32) -> (i32, i32) {
    %c0_i32 = arith.constant 0 : i32
    %c0_i32_0 = arith.constant 0 : i32
    %c0_i32_1 = arith.constant 0 : i32
    return %c0_i32, %c0_i32_0 : i32, i32
  }
  func.func @transform_2(%arg0: i32) -> (i32, i32) {
    %c0_i32 = arith.constant 0 : i32
    %c0_i32_0 = arith.constant 0 : i32
    %c0_i32_1 = arith.constant 0 : i32
    return %c0_i32, %c0_i32_0 : i32, i32
  }
  func.func @transform_3(%arg0: i32) -> (i32, i32) {
    %c0_i32 = arith.constant 0 : i32
    %c0_i32_0 = arith.constant 0 : i32
    %c0_i32_1 = arith.constant 0 : i32
    return %c0_i32, %c0_i32_0 : i32, i32
  }
  func.func @transform_4(%arg0: i32) -> (i32, i32) {
    %c0_i32 = arith.constant 0 : i32
    %c0_i32_0 = arith.constant 0 : i32
    %c0_i32_1 = arith.constant 0 : i32
    return %c0_i32, %c0_i32_0 : i32, i32
  }
  func.func @transform_5(%arg0: i32) -> (i32, i32) {
    %c0_i32 = arith.constant 0 : i32
    %c0_i32_0 = arith.constant 0 : i32
    %c0_i32_1 = arith.constant 0 : i32
    return %c0_i32, %c0_i32_0 : i32, i32
  }
  func.func @transform_7(%arg0: i32) -> (i32, i32) {
    %add3A = arith.constant 2 : i32
    %add3A_0 = arith.addi %add3A, %arg0 : i32
    %c0_i32 = arith.constant 0 : i32
    %c0_i32_1 = arith.constant 0 : i32
    return %c0_i32, %add3A_0 : i32, i32
  }
}

module attributes {stable_mosaic.version = 14 : i64} {
  func.func @_mlp_body(%arg0: i32, %arg1: memref<128x8x8x128xf32, #tpu.memory_space<vmem>>, %arg2: memref<1024x128xf32, #tpu.memory_space<vmem>>, %arg3: memref<128x128xf32, #tpu.memory_space<vmem>>, %arg4: memref<128x1xf32, #tpu.memory_space<vmem>>, %arg5: memref<1000x128xf32, #tpu.memory_space<vmem>>, %arg6: memref<1000x1xf32, #tpu.memory_space<vmem>>, %arg7: memref<1000x1024xf32, #tpu.memory_space<vmem>>) attributes {dimension_semantics = [#tpu.dimension_semantics<arbitrary>], iteration_bounds = array<i64: 2>, scalar_prefetch = 0 : i64, scratch_operands = 0 : i64, tpu.core_type = #tpu.core_type<tc>, window_params = [{transform_indices = @transform_0, window_bounds = array<i64: 128, 8, 8, 128>}, {pipeline_mode = #tpu.pipeline_mode<synchronous>, transform_indices = @transform_1, window_bounds = array<i64: 1024, 128>}, {pipeline_mode = #tpu.pipeline_mode<synchronous>, transform_indices = @transform_2, window_bounds = array<i64: 128, 128>}, {pipeline_mode = #tpu.pipeline_mode<synchronous>, transform_indices = @transform_3, window_bounds = array<i64: 128, 1>}, {pipeline_mode = #tpu.pipeline_mode<synchronous>, transform_indices = @transform_4, window_bounds = array<i64: 1000, 128>}, {pipeline_mode = #tpu.pipeline_mode<synchronous>, transform_indices = @transform_5, window_bounds = array<i64: 1000, 1>}, {transform_indices = @transform_6, window_bounds = array<i64: 1000, 1024>}]} {
    %broadcast_in_dim3A = arith.constant 0.000000e+00 : f32
    %broadcast_in_dim3A_0 = vector.broadcast %broadcast_in_dim3A : f32 to vector<1024x128xf32>
    %get3A = arith.constant 0 : index
    %get3A_1 = arith.constant 0 : index
    %get3A_2 = arith.constant 0 : index
    %get3A_3 = arith.constant 0 : index
    %get3A_4 = vector.load %arg1[%get3A, %get3A_1, %get3A_2, %get3A_3] : memref<128x8x8x128xf32, #tpu.memory_space<vmem>>, vector<128x1x8x128xf32>
    %get3A_5 = vector.shape_cast %get3A_4 : vector<128x1x8x128xf32> to vector<128x8x128xf32>
    %reshape3A = vector.shape_cast %get3A_5 : vector<128x8x128xf32> to vector<1024x128xf32>
    %get3A_6 = arith.constant 0 : index
    %get3A_7 = arith.constant 0 : index
    %get3A_8 = vector.load %arg2[%get3A_6, %get3A_7] : memref<1024x128xf32, #tpu.memory_space<vmem>>, vector<128x128xf32>
    %dot_general3A = arith.constant dense<0.000000e+00> : vector<1024x128xf32>
    %dot_general3A_9 = tpu.matmul %reshape3A, %get3A_8, %dot_general3A {dimension_numbers = #tpu.dot_dimension_numbers<[1], [0], [0], [1], [0, 0, 1, 1], [], []>, transpose_lhs_hint = false} : vector<1024x128xf32>, vector<128x128xf32>, vector<1024x128xf32> -> vector<1024x128xf32>
    %add3A = arith.addf %broadcast_in_dim3A_0, %dot_general3A_9 : vector<1024x128xf32>
    %get3A_10 = arith.constant 0 : index
    %get3A_11 = arith.constant 1 : index
    %get3A_12 = arith.constant 0 : index
    %get3A_13 = arith.constant 0 : index
    %get3A_14 = vector.load %arg1[%get3A_10, %get3A_11, %get3A_12, %get3A_13] : memref<128x8x8x128xf32, #tpu.memory_space<vmem>>, vector<128x1x8x128xf32>
    %get3A_15 = vector.shape_cast %get3A_14 : vector<128x1x8x128xf32> to vector<128x8x128xf32>
    %reshape3A_16 = vector.shape_cast %get3A_15 : vector<128x8x128xf32> to vector<1024x128xf32>
    %get3A_17 = arith.constant 128 : index
    %get3A_18 = arith.constant 0 : index
    %get3A_19 = vector.load %arg2[%get3A_17, %get3A_18] : memref<1024x128xf32, #tpu.memory_space<vmem>>, vector<128x128xf32>
    %dot_general3A_20 = arith.constant dense<0.000000e+00> : vector<1024x128xf32>
    %dot_general3A_21 = tpu.matmul %reshape3A_16, %get3A_19, %dot_general3A_20 {dimension_numbers = #tpu.dot_dimension_numbers<[1], [0], [0], [1], [0, 0, 1, 1], [], []>, transpose_lhs_hint = false} : vector<1024x128xf32>, vector<128x128xf32>, vector<1024x128xf32> -> vector<1024x128xf32>
    %add3A_22 = arith.addf %add3A, %dot_general3A_21 : vector<1024x128xf32>
    %get3A_23 = arith.constant 0 : index
    %get3A_24 = arith.constant 2 : index
    %get3A_25 = arith.constant 0 : index
    %get3A_26 = arith.constant 0 : index
    %get3A_27 = vector.load %arg1[%get3A_23, %get3A_24, %get3A_25, %get3A_26] : memref<128x8x8x128xf32, #tpu.memory_space<vmem>>, vector<128x1x8x128xf32>
    %get3A_28 = vector.shape_cast %get3A_27 : vector<128x1x8x128xf32> to vector<128x8x128xf32>
    %reshape3A_29 = vector.shape_cast %get3A_28 : vector<128x8x128xf32> to vector<1024x128xf32>
    %get3A_30 = arith.constant 256 : index
    %get3A_31 = arith.constant 0 : index
    %get3A_32 = vector.load %arg2[%get3A_30, %get3A_31] : memref<1024x128xf32, #tpu.memory_space<vmem>>, vector<128x128xf32>
    %dot_general3A_33 = arith.constant dense<0.000000e+00> : vector<1024x128xf32>
    %dot_general3A_34 = tpu.matmul %reshape3A_29, %get3A_32, %dot_general3A_33 {dimension_numbers = #tpu.dot_dimension_numbers<[1], [0], [0], [1], [0, 0, 1, 1], [], []>, transpose_lhs_hint = false} : vector<1024x128xf32>, vector<128x128xf32>, vector<1024x128xf32> -> vector<1024x128xf32>
    %add3A_35 = arith.addf %add3A_22, %dot_general3A_34 : vector<1024x128xf32>
    %get3A_36 = arith.constant 0 : index
    %get3A_37 = arith.constant 3 : index
    %get3A_38 = arith.constant 0 : index
    %get3A_39 = arith.constant 0 : index
    %get3A_40 = vector.load %arg1[%get3A_36, %get3A_37, %get3A_38, %get3A_39] : memref<128x8x8x128xf32, #tpu.memory_space<vmem>>, vector<128x1x8x128xf32>
    %get3A_41 = vector.shape_cast %get3A_40 : vector<128x1x8x128xf32> to vector<128x8x128xf32>
    %reshape3A_42 = vector.shape_cast %get3A_41 : vector<128x8x128xf32> to vector<1024x128xf32>
    %get3A_43 = arith.constant 384 : index
    %get3A_44 = arith.constant 0 : index
    %get3A_45 = vector.load %arg2[%get3A_43, %get3A_44] : memref<1024x128xf32, #tpu.memory_space<vmem>>, vector<128x128xf32>
    %dot_general3A_46 = arith.constant dense<0.000000e+00> : vector<1024x128xf32>
    %dot_general3A_47 = tpu.matmul %reshape3A_42, %get3A_45, %dot_general3A_46 {dimension_numbers = #tpu.dot_dimension_numbers<[1], [0], [0], [1], [0, 0, 1, 1], [], []>, transpose_lhs_hint = false} : vector<1024x128xf32>, vector<128x128xf32>, vector<1024x128xf32> -> vector<1024x128xf32>
    %add3A_48 = arith.addf %add3A_35, %dot_general3A_47 : vector<1024x128xf32>
    %get3A_49 = arith.constant 0 : index
    %get3A_50 = arith.constant 4 : index
    %get3A_51 = arith.constant 0 : index
    %get3A_52 = arith.constant 0 : index
    %get3A_53 = vector.load %arg1[%get3A_49, %get3A_50, %get3A_51, %get3A_52] : memref<128x8x8x128xf32, #tpu.memory_space<vmem>>, vector<128x1x8x128xf32>
    %get3A_54 = vector.shape_cast %get3A_53 : vector<128x1x8x128xf32> to vector<128x8x128xf32>
    %reshape3A_55 = vector.shape_cast %get3A_54 : vector<128x8x128xf32> to vector<1024x128xf32>
    %get3A_56 = arith.constant 512 : index
    %get3A_57 = arith.constant 0 : index
    %get3A_58 = vector.load %arg2[%get3A_56, %get3A_57] : memref<1024x128xf32, #tpu.memory_space<vmem>>, vector<128x128xf32>
    %dot_general3A_59 = arith.constant dense<0.000000e+00> : vector<1024x128xf32>
    %dot_general3A_60 = tpu.matmul %reshape3A_55, %get3A_58, %dot_general3A_59 {dimension_numbers = #tpu.dot_dimension_numbers<[1], [0], [0], [1], [0, 0, 1, 1], [], []>, transpose_lhs_hint = false} : vector<1024x128xf32>, vector<128x128xf32>, vector<1024x128xf32> -> vector<1024x128xf32>
    %add3A_61 = arith.addf %add3A_48, %dot_general3A_60 : vector<1024x128xf32>
    %get3A_62 = arith.constant 0 : index
    %get3A_63 = arith.constant 5 : index
    %get3A_64 = arith.constant 0 : index
    %get3A_65 = arith.constant 0 : index
    %get3A_66 = vector.load %arg1[%get3A_62, %get3A_63, %get3A_64, %get3A_65] : memref<128x8x8x128xf32, #tpu.memory_space<vmem>>, vector<128x1x8x128xf32>
    %get3A_67 = vector.shape_cast %get3A_66 : vector<128x1x8x128xf32> to vector<128x8x128xf32>
    %reshape3A_68 = vector.shape_cast %get3A_67 : vector<128x8x128xf32> to vector<1024x128xf32>
    %get3A_69 = arith.constant 640 : index
    %get3A_70 = arith.constant 0 : index
    %get3A_71 = vector.load %arg2[%get3A_69, %get3A_70] : memref<1024x128xf32, #tpu.memory_space<vmem>>, vector<128x128xf32>
    %dot_general3A_72 = arith.constant dense<0.000000e+00> : vector<1024x128xf32>
    %dot_general3A_73 = tpu.matmul %reshape3A_68, %get3A_71, %dot_general3A_72 {dimension_numbers = #tpu.dot_dimension_numbers<[1], [0], [0], [1], [0, 0, 1, 1], [], []>, transpose_lhs_hint = false} : vector<1024x128xf32>, vector<128x128xf32>, vector<1024x128xf32> -> vector<1024x128xf32>
    %add3A_74 = arith.addf %add3A_61, %dot_general3A_73 : vector<1024x128xf32>
    %get3A_75 = arith.constant 0 : index
    %get3A_76 = arith.constant 6 : index
    %get3A_77 = arith.constant 0 : index
    %get3A_78 = arith.constant 0 : index
    %get3A_79 = vector.load %arg1[%get3A_75, %get3A_76, %get3A_77, %get3A_78] : memref<128x8x8x128xf32, #tpu.memory_space<vmem>>, vector<128x1x8x128xf32>
    %get3A_80 = vector.shape_cast %get3A_79 : vector<128x1x8x128xf32> to vector<128x8x128xf32>
    %reshape3A_81 = vector.shape_cast %get3A_80 : vector<128x8x128xf32> to vector<1024x128xf32>
    %get3A_82 = arith.constant 768 : index
    %get3A_83 = arith.constant 0 : index
    %get3A_84 = vector.load %arg2[%get3A_82, %get3A_83] : memref<1024x128xf32, #tpu.memory_space<vmem>>, vector<128x128xf32>
    %dot_general3A_85 = arith.constant dense<0.000000e+00> : vector<1024x128xf32>
    %dot_general3A_86 = tpu.matmul %reshape3A_81, %get3A_84, %dot_general3A_85 {dimension_numbers = #tpu.dot_dimension_numbers<[1], [0], [0], [1], [0, 0, 1, 1], [], []>, transpose_lhs_hint = false} : vector<1024x128xf32>, vector<128x128xf32>, vector<1024x128xf32> -> vector<1024x128xf32>
    %add3A_87 = arith.addf %add3A_74, %dot_general3A_86 : vector<1024x128xf32>
    %get3A_88 = arith.constant 0 : index
    %get3A_89 = arith.constant 7 : index
    %get3A_90 = arith.constant 0 : index
    %get3A_91 = arith.constant 0 : index
    %get3A_92 = vector.load %arg1[%get3A_88, %get3A_89, %get3A_90, %get3A_91] : memref<128x8x8x128xf32, #tpu.memory_space<vmem>>, vector<128x1x8x128xf32>
    %get3A_93 = vector.shape_cast %get3A_92 : vector<128x1x8x128xf32> to vector<128x8x128xf32>
    %reshape3A_94 = vector.shape_cast %get3A_93 : vector<128x8x128xf32> to vector<1024x128xf32>
    %get3A_95 = arith.constant 896 : index
    %get3A_96 = arith.constant 0 : index
    %get3A_97 = vector.load %arg2[%get3A_95, %get3A_96] : memref<1024x128xf32, #tpu.memory_space<vmem>>, vector<128x128xf32>
    %dot_general3A_98 = arith.constant dense<0.000000e+00> : vector<1024x128xf32>
    %dot_general3A_99 = tpu.matmul %reshape3A_94, %get3A_97, %dot_general3A_98 {dimension_numbers = #tpu.dot_dimension_numbers<[1], [0], [0], [1], [0, 0, 1, 1], [], []>, transpose_lhs_hint = false} : vector<1024x128xf32>, vector<128x128xf32>, vector<1024x128xf32> -> vector<1024x128xf32>
    %add3A_100 = arith.addf %add3A_87, %dot_general3A_99 : vector<1024x128xf32>
    %mul3A = arith.constant 0.00999999977 : f32
    %mul3A_101 = vector.broadcast %mul3A : f32 to vector<1024x128xf32>
    %mul3A_102 = arith.mulf %add3A_100, %mul3A_101 : vector<1024x128xf32>
    %transpose3A = tpu.transpose %mul3A_102, [1, 0] : vector<1024x128xf32> -> vector<128x1024xf32>
    %get3A_103 = arith.constant 0 : index
    %get3A_104 = arith.constant 0 : index
    %get3A_105 = vector.load %arg3[%get3A_103, %get3A_104] : memref<128x128xf32, #tpu.memory_space<vmem>>, vector<128x128xf32>
    %dot_general3A_106 = arith.constant dense<0.000000e+00> : vector<128x1024xf32>
    %dot_general3A_107 = tpu.matmul %get3A_105, %transpose3A, %dot_general3A_106 {dimension_numbers = #tpu.dot_dimension_numbers<[1], [0], [0], [1], [0, 0, 1, 1], [], []>, transpose_lhs_hint = false} : vector<128x128xf32>, vector<128x1024xf32>, vector<128x1024xf32> -> vector<128x1024xf32>
    %get3A_108 = arith.constant 0 : index
    %get3A_109 = arith.constant 0 : index
    %get3A_110 = vector.load %arg4[%get3A_108, %get3A_109] : memref<128x1xf32, #tpu.memory_space<vmem>>, vector<128x1xf32>
    %add3A_111 = vector.broadcast %get3A_110 : vector<128x1xf32> to vector<128x1024xf32>
    %add3A_112 = arith.addf %dot_general3A_107, %add3A_111 : vector<128x1024xf32>
    %max3A = arith.constant 0.000000e+00 : f32
    %max3A_113 = vector.broadcast %max3A : f32 to vector<128x1024xf32>
    %max3A_114 = arith.maximumf %add3A_112, %max3A_113 : vector<128x1024xf32>
    %get3A_115 = arith.constant 0 : index
    %get3A_116 = arith.constant 0 : index
    %get3A_117 = vector.load %arg5[%get3A_115, %get3A_116] : memref<1000x128xf32, #tpu.memory_space<vmem>>, vector<1000x128xf32>
    %dot_general3A_118 = arith.constant dense<0.000000e+00> : vector<1000x1024xf32>
    %dot_general3A_119 = tpu.matmul %get3A_117, %max3A_114, %dot_general3A_118 {dimension_numbers = #tpu.dot_dimension_numbers<[1], [0], [0], [1], [0, 0, 1, 1], [], []>, transpose_lhs_hint = false} : vector<1000x128xf32>, vector<128x1024xf32>, vector<1000x1024xf32> -> vector<1000x1024xf32>
    %get3A_120 = arith.constant 0 : index
    %get3A_121 = arith.constant 0 : index
    %get3A_122 = vector.load %arg6[%get3A_120, %get3A_121] : memref<1000x1xf32, #tpu.memory_space<vmem>>, vector<1000x1xf32>
    %add3A_123 = vector.broadcast %get3A_122 : vector<1000x1xf32> to vector<1000x1024xf32>
    %add3A_124 = arith.addf %dot_general3A_119, %add3A_123 : vector<1000x1024xf32>
    %reduce_max3A = arith.constant dense<0xFF800000> : vector<1024xf32>
    %reduce_max3A_125 = vector.multi_reduction <maximumf>, %add3A_124, %reduce_max3A [0] : vector<1000x1024xf32> to vector<1024xf32>
    %broadcast_in_dim3A_126 = vector.shape_cast %reduce_max3A_125 : vector<1024xf32> to vector<1x1024xf32>
    %sub3A = vector.broadcast %broadcast_in_dim3A_126 : vector<1x1024xf32> to vector<1000x1024xf32>
    %sub3A_127 = arith.subf %add3A_124, %sub3A : vector<1000x1024xf32>
    %exp3A = math.exp %sub3A_127 : vector<1000x1024xf32>
    %reduce_sum3A = arith.constant dense<0.000000e+00> : vector<1024xf32>
    %reduce_sum3A_128 = vector.multi_reduction <add>, %exp3A, %reduce_sum3A [0] : vector<1000x1024xf32> to vector<1024xf32>
    %broadcast_in_dim3A_129 = vector.shape_cast %reduce_sum3A_128 : vector<1024xf32> to vector<1x1024xf32>
    %div3A = vector.broadcast %broadcast_in_dim3A_129 : vector<1x1024xf32> to vector<1000x1024xf32>
    %div3A_130 = arith.divf %exp3A, %div3A : vector<1000x1024xf32>
    %swap3A = arith.constant 0 : index
    %swap3A_131 = arith.constant 0 : index
    %swap3A_132 = vector.load %arg7[%swap3A, %swap3A_131] : memref<1000x1024xf32, #tpu.memory_space<vmem>>, vector<1000x1024xf32>
    tpu.vector_store %arg7[%swap3A, %swap3A_131], %div3A_130 {strides = array<i32>} : memref<1000x1024xf32, #tpu.memory_space<vmem>>, vector<1000x1024xf32>,
    return
  }
  func.func @transform_0(%arg0: i32) -> (i32, i32, i32, i32) {
    %c0_i32 = arith.constant 0 : i32
    %c0_i32_0 = arith.constant 0 : i32
    %c0_i32_1 = arith.constant 0 : i32
    %c0_i32_2 = arith.constant 0 : i32
    return %arg0, %c0_i32, %c0_i32_0, %c0_i32_1 : i32, i32, i32, i32
  }
  func.func @transform_1(%arg0: i32) -> (i32, i32) {
    %c0_i32 = arith.constant 0 : i32
    %c0_i32_0 = arith.constant 0 : i32
    %c0_i32_1 = arith.constant 0 : i32
    return %c0_i32, %c0_i32_0 : i32, i32
  }
  func.func @transform_2(%arg0: i32) -> (i32, i32) {
    %c0_i32 = arith.constant 0 : i32
    %c0_i32_0 = arith.constant 0 : i32
    %c0_i32_1 = arith.constant 0 : i32
    return %c0_i32, %c0_i32_0 : i32, i32
  }
  func.func @transform_3(%arg0: i32) -> (i32, i32) {
    %c0_i32 = arith.constant 0 : i32
    %c0_i32_0 = arith.constant 0 : i32
    %c0_i32_1 = arith.constant 0 : i32
    return %c0_i32, %c0_i32_0 : i32, i32
  }
  func.func @transform_4(%arg0: i32) -> (i32, i32) {
    %c0_i32 = arith.constant 0 : i32
    %c0_i32_0 = arith.constant 0 : i32
    %c0_i32_1 = arith.constant 0 : i32
    return %c0_i32, %c0_i32_0 : i32, i32
  }
  func.func @transform_5(%arg0: i32) -> (i32, i32) {
    %c0_i32 = arith.constant 0 : i32
    %c0_i32_0 = arith.constant 0 : i32
    %c0_i32_1 = arith.constant 0 : i32
    return %c0_i32, %c0_i32_0 : i32, i32
  }
  func.func @transform_6(%arg0: i32) -> (i32, i32) {
    %add3A = arith.constant 0 : i32
    %add3A_0 = arith.addi %add3A, %arg0 : i32
    %c0_i32 = arith.constant 0 : i32
    %c0_i32_1 = arith.constant 0 : i32
    return %c0_i32, %add3A_0 : i32, i32
  }
}

</mosaic_0001>

<sc_bundles>
// kernel: kernel.6.cloned.1.call-start
scs
__scs_entry_jumppad:
0x0: {  	(pc) =	sbr.rel $0x88, $3  }
0x1: {  	(tag) =	ssettag $0x0;
	lr =	simm.s32 $0x1  }
0x2: {  	[smem:$0x3F9B] =	sst lr;
	_ =	strace $0xD0000000  }
0x3: {  	_ = 	snop  }
0x4: {  	_ = 	snop  }
0x5: {  	_ = 	snop  }
0x6: {  	_ = 	snop  }
0x7: {  	_ = 	snop  }
__scs_overlays_trampoline_lowered:
0x8: {  	[smem:$0x3FAA] =	sst s0  }
0x9: {  	[smem:$0x3FAB] =	sst s1  }
0xa: {  	[smem:$0x3FAC] =	sst s2  }
0xb: {  	[smem:$0x3FAD] =	sst s3  }
0xc: {  	[smem:$0x3FAE] =	sst s4  }
0xd: {  	[smem:$0x3FAF] =	sst s5  }
0xe: {  	[smem:$0x3FB0] =	sst s6  }
0xf: {  	[smem:$0x3FB1] =	sst s7  }
0x10: {  	[smem:$0x3FB2] =	sst s8  }
0x11: {  	[smem:$0x3FB3] =	sst s9;
	s0 =	simm.s32 @!p0 $0x0  }
0x12: {  	s1 =	sld [smem:$0x3F99];
	s0 =	simm.s32 @p0 $0x1  }
0x13: {  	[smem:$0x3FB4] =	sst s0;
	s0 =	simm.s32 @!p1 $0x0  }
0x14: {  	s2 =	sld [smem:$0x3F98];
	s0 =	simm.s32 @p1 $0x1  }
0x15: {  	[smem:$0x3FB5] =	sst s0;
	s0 =	simm.s32 @!p2 $0x0  }
0x16: {  	s3 =	sld [smem:$0x3FDB];
	s0 =	simm.s32 @p2 $0x1  }
0x17: {  	s4 =	simm.s32 $0x1BF5;
	[smem:$0x3FB7] =	sst s0  }
0x18: {  	s0 =	sld [smem:$0x3F9A];
	_ =	swait.ge [sflag:s4], $0x0  }
0x19: {  	s7 =	sld [smem:$0x3F9B]  }
0x1a: {  	s8 =	sadd.s32 $0xFFFFE003, lr  }
0x1b: {  	s9 =	sadd.s32 $0xFFFFFEF7, lr;
	s5 =	simm.s32 $0xFFFFFFFF;
	p2 =	slt.u32 s8, $0xFFFFF086  }
0x1c: {  	p1 =	slt.u32 s9, $0xF7A;
	s5 =	simm.s32 @!p2 $0x0  }
0x1d: {  	s5 =	simm.s32 @p1 $0x1;
	p0 =	seq.s32 s7, s2  }
0x1e: {  	s7 =	smul.u32 @!p0 $0xF7A, s2;
	p2 =	seq.s32 @!p0 s5, $0x0  }
0x1f: {  	s9 =	smul.u32 $0xF7A, s1;
	s8 =	simm.s32 @!p0 $0x1BF5;
	p2 =	por !p2, p0  }
0x20: {  	[sflag:s8] =	ssyncset.s32 @!p0 $0xFFFFF086;
	s6 =	sadd.s32 @!p0 s3, s7;
	s7 =	simm.s32 @!p0 $0x108  }
0x21: {  	s3 =	sadd.s32 s3, s9;
	s6 =	sadd.s32 @!p0 $0x88, s6;
	s7 =	simm.s32 @p2 $0x1082  }
0x22: {  	[simem:s7], [sflag:s8] =	dma.local @!p0 [hbm:s6], $0xF7A  }
0x23: {  	s9 =	sor.u32 $0xD0000000, s2;
	s6 =	simm.s32 $0x108;
	_ =	swait.ge @!p0 [sflag:s8], $0x0  }
0x24: {  	s3 =	sadd.s32 $0x88, s3;
	s6 =	simm.s32 @!p1 $0x1082;
	[sflag:s4] =	ssyncset.s32 $0xFFFFF086  }
0x25: {  	[simem:s6], [sflag:s4] =	dma.local [hbm:s3], $0xF7A  }
0x26: {  	[smem:$0x3F9B] =	sst s1;
	(tag) =	ssettag s2;
	_ =	strace s9  }
0x27: {  	s1 =	sld [smem:$0x3FAB]  }
0x28: {  	s2 =	sld [smem:$0x3FAC]  }
0x29: {  	s4 =	sld [smem:$0x3FAE]  }
0x2a: {  	p0 =	seq.s32 s5, $0x0;
	s5 =	sld [smem:$0x3FAF]  }
0x2b: {  	s6 =	sld [smem:$0x3FB0]  }
0x2c: {  	s7 =	sld [smem:$0x3FB1]  }
0x2d: {  	s3 =	simm.s32 $0x108;
	s8 =	sld [smem:$0x3FB2]  }
0x2e: {  	s3 =	simm.s32 @!p0 $0x1082;
	s9 =	sld [smem:$0x3FB3]  }
0x2f: {  	lr =	sadd.s32 s0, s3;
	s0 =	sld [smem:$0x3FAA]  }
0x30: {  	s3 =	sld [smem:$0x3FAD]  }
0x31: {  	[smem:$0x3FB6] =	sst s10  }
0x32: {  	s10 =	sld [smem:$0x3FB4];
	_ =	sdelay $0x3  }
0x33: {  	p0 =	seq.s32 s10, $0x1;
	s10 =	sld [smem:$0x3FB6];
	_ =	sdelay $0x3  }
0x34: {  	[smem:$0x3FB6] =	sst s10  }
0x35: {  	s10 =	sld [smem:$0x3FB5];
	_ =	sdelay $0x3  }
0x36: {  	p1 =	seq.s32 s10, $0x1;
	s10 =	sld [smem:$0x3FB6];
	_ =	sdelay $0x3  }
0x37: {  	[smem:$0x3FB6] =	sst s10  }
0x38: {  	s10 =	sld [smem:$0x3FB7]  }
0x39: {  	_ = 	snop;
	(pc) =	sbr.ind lr, $3  }
0x3a: {  	_ = 	snop  }
0x3b: {  	_ = 	snop  }
0x3c: {  	p2 =	seq.s32 s10, $0x1;
	s10 =	sld [smem:$0x3FB6]  }
0x3d: {  	_ =	shalt  }
0x3e: {  	_ =	shalt  }
0x3f: {  	_ =	shalt  }
0x40: {  	_ =	shalt  }
0x41: {  	_ =	shalt  }
0x42: {  	_ =	shalt  }
0x43: {  	_ =	shalt  }
0x44: {  	_ =	shalt  }
0x45: {  	_ =	shalt  }
0x46: {  	_ =	shalt  }
0x47: {  	_ =	shalt  }
0x48: {  	_ =	shalt  }
0x49: {  	_ =	shalt  }
0x4a: {  	_ =	shalt  }
0x4b: {  	_ =	shalt  }
0x4c: {  	_ =	shalt  }
0x4d: {  	_ =	shalt  }
0x4e: {  	_ =	shalt  }
0x4f: {  	_ =	shalt  }
0x50: {  	_ =	shalt  }
0x51: {  	_ =	shalt  }
0x52: {  	_ =	shalt  }
0x53: {  	_ =	shalt  }
0x54: {  	_ =	shalt  }
0x55: {  	_ =	shalt  }
0x56: {  	_ =	shalt  }
0x57: {  	_ =	shalt  }
0x58: {  	_ =	shalt  }
0x59: {  	_ =	shalt  }
0x5a: {  	_ =	shalt  }
0x5b: {  	_ =	shalt  }
0x5c: {  	_ =	shalt  }
0x5d: {  	_ =	shalt  }
0x5e: {  	_ =	shalt  }
0x5f: {  	_ =	shalt  }
0x60: {  	_ =	shalt  }
0x61: {  	_ =	shalt  }
0x62: {  	_ =	shalt  }
0x63: {  	_ =	shalt  }
0x64: {  	_ =	shalt  }
0x65: {  	_ =	shalt  }
0x66: {  	_ =	shalt  }
0x67: {  	_ =	shalt  }
0x68: {  	_ =	shalt  }
0x69: {  	_ =	shalt  }
0x6a: {  	_ =	shalt  }
0x6b: {  	_ =	shalt  }
0x6c: {  	_ =	shalt  }
0x6d: {  	_ =	shalt  }
0x6e: {  	_ =	shalt  }
0x6f: {  	_ =	shalt  }
0x70: {  	_ =	shalt  }
0x71: {  	_ =	shalt  }
0x72: {  	_ =	shalt  }
0x73: {  	_ =	shalt  }
0x74: {  	_ =	shalt  }
0x75: {  	_ =	shalt  }
0x76: {  	_ =	shalt  }
0x77: {  	_ =	shalt  }
0x78: {  	_ =	shalt  }
0x79: {  	_ =	shalt  }
0x7a: {  	_ =	shalt  }
0x7b: {  	_ =	shalt  }
0x7c: {  	_ =	shalt  }
0x7d: {  	_ =	shalt  }
0x7e: {  	_ =	shalt  }
0x7f: {  	_ =	shalt  }
0x80: {  	_ =	shalt  }
0x81: {  	_ =	shalt  }
0x82: {  	_ =	shalt  }
0x83: {  	_ =	shalt  }
0x84: {  	_ =	shalt  }
0x85: {  	_ =	shalt  }
0x86: {  	_ =	shalt  }
0x87: {  	_ =	shalt  }
.Lfunc_end0:
.L_simem_size_0:
called_computation_lowered:
.L_overlay_start_0:
0x88: {  	s2 =	sld [smem:$0x3FD9]  }
0x89: {  	s3 =	sld [smem:$0x3FFE];
	_ =	sdelay $0x1  }
0x8a: {  	s1 =	srdreg.scid  }
0x8b: {  	s0 =	sand.u32 $0x1, s1  }
0x8c: {  	s17 =	sshll.u32 s0, $0xA;
	s2 =	sadd.s32 s3, s2  }
0x8d: {  	s2 =	sadd.s32 s2, s17  }
0x8e: {  	[smem:$0x3FC2] =	sst s2  }
0x8f: {  	_ = 	snop  }
0x90: {  	s2 =	sld [smem:$0x3FD0];
	(tm) =	ssettm $0x1  }
0x91: {  	s18 =	sld [smem:$0x3FFB];
	_ =	sdelay $0x3  }
0x92: {  	_ =	strace s18  }
0x93: {  	s3 =	sld [smem:$0x3FFC];
	_ =	sdelay $0x3  }
0x94: {  	_ =	strace s3  }
0x95: {  	s3 =	sld [smem:$0x3FFD];
	_ =	sdelay $0x3  }
0x96: {  	_ =	strace s3  }
0x97: {  	_ =	strace $0x8FFFFFFF  }
0x98: {  	s19 =	sld [smem:$0x3FDB];
	_ =	sdelay $0x1  }
0x99: {  	s4 =	simm.s32 $_scs_section_size  }
0x9a: {  	s5 =	simm.s32 $_size__tile_overlayer_lowered;
	s6 =	simm.s32 $_tile_overlayer_lowered  }
0x9b: {  	s22 =	simm.s32 $0x1BFF;
	s21 =	sshll.u32 s6, $0x1;
	s3 =	sadd.s32 s4, s19  }
0x9c: {  	s7 =	simm.s32 $0x0;
	s20 =	sshll.u32 s5, $0x1;
	s5 =	sadd.s32 s21, s3  }
0x9d: {  	[timem:s7], [sflag:s22] =	dma.local [hbm:s5], s20  }
0x9e: {  	_ =	swait.ge [sflag:s22], s20  }
0x9f: {  	s4 =	ssub.s32 $0x0, s20;
	[sflag:s22] =	ssyncset.done $0x0  }
0xa0: {  	[sflag:s22] =	ssyncadd.s32 s4;
	_ =	sdelay $0x1  }
0xa1: {  	s23 =	simm.s32 $0x1B8B  }
0xa2: {  	_ =	swait.ge [sflag:s23], $0x1  }
0xa3: {  	[sflag:s23] =	ssyncset.done $0x0  }
0xa4: {  	s25 =	simm.s32 $0x1B8E;
	s24 =	sld [smem:$0x3FFE];
	[sflag:s23] =	ssyncadd.s32 $0xFFFFFFFF  }
0xa5: {  	s26 =	simm.s32 $execute0_lowered;
	[smem:$0x3FD2] =	sst s25  }
0xa6: {  	s5 =	sshll.u32 s26, $0x1;
	_ =	strace $0x80000046;
	[dreg:$0x1] =	wrdreg $0xFFFFFFFF  }
0xa7: {  	s28 =	simm.s32 $_size_execute0_lowered;
	s3 =	sadd.s32 s3, s5;
	[dreg:$0x0] =	wrdreg $0x0  }
0xa8: {  	s5 =	sshll.u32 s28, $0x1;
	[dreg:$0x2] =	wrdreg s3  }
0xa9: {  	[dreg:$0x3] =	wrdreg s5  }
0xaa: {  	[dreg:$0x4] =	wrdreg $0xC0  }
0xab: {  	_ =	task [dreg:s7], $0x5FFFF  }
0xac: {  	[dreg:$0x1] =	wrdreg $0xFFFFFFFF  }
0xad: {  	[dreg:$0x0] =	wrdreg $0x60  }
0xae: {  	[dreg:$0x2] =	wrdreg s24  }
0xaf: {  	[dreg:$0x3] =	wrdreg s2  }
0xb0: {  	[dreg:$0x4] =	wrdreg $0x9  }
0xb1: {  	_ =	task.clear_ibuf [dreg:s7], $0x5FFFF;
	_ =	strace $0x90000046  }
0xb2: {  	s29 =	simm.s32 $0x9;
	_ =	strace $0x80000048  }
0xb3: {  	_ =	swait.ge [sflag:s29], $0x1  }
0xb4: {  	[sflag:s29] =	ssyncadd.s32 $0xFFFFFFFF  }
0xb5: {  	_ =	strace $0x90000048  }
0xb6: {  	_ =	sfence  }
0xb7: {  	s30 =	sld [smem:$0x0];
	_ =	sdelay $0x2  }
0xb8: {  	s31 =	sshll.u32 s1, $0xD;
	s1 =	sshrl.u32 s1, $0x2  }
0xb9: {  	s3 =	sand.u32 $0x4000, s31;
	s1 =	sadd.s32 s1, s30  }
0xba: {  	s0 =	sor.u32 s3, s0;
	s1 =	sshll.u32 s1, $0x11  }
0xbb: {  	s0 =	sor.u32 s1, s0  }
0xbc: {  	s0 =	sadd.s32 $0x8F2B, s0  }
0xbd: {  	[sflag:s0] =	ssyncadd.remote.s32 $0x1  }
0xbe: {  	_ =	sfence.sel $0xFFFF  }
0xbf: {  	[dreg:$0x0] =	wrdreg $0xFFFFFFFF;
	(pc) =	sbr.abs _section_cstart, $3  }
0xc0: {  	[dreg:$0x1] =	wrdreg $0xFFFFFFFF  }
0xc1: {  	_ =	task.clear_ibuf [dreg:s7], $0x2FFFF;
	_ =	strace $0x9FFFFFFF  }
0xc2: {  	(tm) =	ssettm $0x7FFFFFFF  }
0xc3: {  	_ =	shalt  }
tec
execute0_lowered:
.L_overlay_start_1:
0x0: {  	(tag) =	ssettag $0x1  }
0x1: {  	v0 =	vimm.s32 $0x2380;
	vm0 =	vcmask $0x300  }
0x2: {  	vm14 =	vcmask $0x704;
	v0 =	vsel vm0, $0x0, v0  }
0x3: {  	vm15 =	vcmask $0xB08;
	v0 =	vsel vm14, $0x80, v0  }
0x4: {  	vm4 =	vcmask $0xF0C;
	v0 =	vsel vm15, $0x100, v0  }
0x5: {  	s3 =	rddreg [dreg:$0x0];
	vm5 =	vcmask $0x1310;
	v0 =	vsel vm4, $0x180, v0  }
0x6: {  	s4 =	rddreg [dreg:$0x1];
	vm6 =	vcmask $0x1714;
	v0 =	vsel vm5, $0x200, v0  }
0x7: {  	s0 =	rddreg [dreg:$0x2];
	s5 =	srdreg.scid;
	vm7 =	vcmask $0x1B18;
	v0 =	vsel vm6, $0x280, v0  }
0x8: {  	s1 =	stileid.u32;
	s2 =	simm.s32 $0x0;
	vm8 =	vcmask $0x1F1C;
	s9 =	simm.s32 $0x40;
	v0 =	vsel vm7, $0x300, v0  }
0x9: {  	vm9 =	vcmask $0x2320;
	s10 =	simm.s32 $0x800;
	s11 =	simm.s32 $0x3;
	s12 =	simm.s32 $0x1900;
	v0 =	vsel vm8, $0x380, v0  }
0xa: {  	vm10 =	vcmask $0x2724;
	s13 =	simm.s32 $0x5900;
	s14 =	simm.s32 $0x1;
	s15 =	simm.s32 $0x2;
	v0 =	vsel vm9, $0x2000, v0  }
0xb: {  	vm11 =	vcmask $0x2B28;
	s5 =	sand.u32 $0x1, s5;
	s6 =	sshll.u32 s1, $0x1;
	[smem:$0x7FF] =	sst s2;
	v0 =	vsel vm10, $0x2080, v0  }
0xc: {  	vm12 =	vcmask $0x2F2C;
	s16 =	simm.s32 $0x0;
	s6 =	sor.u32 s5, s6;
	_ =	strace $0x80000047;
	v0 =	vsel vm11, $0x2100, v0  }
0xd: {  	vm13 =	vcmask $0x3330;
	s5 =	ssub.s32 $0x2, s5;
	s7 =	sshll.u32 s6, $0x3;
	s6 =	sshll.u32 s6, $0xD;
	v0 =	vsel vm12, $0x2180, v0  }
0xe: {  	vm14 =	vcmask $0x3734;
	s31 =	sshrl.u32 s5, $0x1;
	s3 =	sadd.s32 s7, s3;
	s4 =	sadd.s32 s4, s6;
	v0 =	vsel vm13, $0x2200, v0  }
0xf: {  	vm15 =	vcmask $0x3B38;
	s8 =	ssub.s32 s5, s31;
	s3 =	sadd.s32 $0x1800, s3;
	s5 =	sadd.s32 $0x800, s4;
	v1 =	vsel vm14, $0x2280, v0  }
0x10: {  	v2 =	vimm.f32 $1.000000000e+00;
	s6 =	sadd.s32 $0x1000, s4;
	s7 =	sadd.s32 $0x1800, s4;
	s8 =	smax.u32 s8, $0x1;
	v0 =	vimm.f32 $0.0e+00;
	v1 =	vsel vm15, $0x2300, v1  }
.LBB2_1:
0x11: {  	[tilespmem:s2], [sflag:$0x3] =	stream.strided.gather [hbm4b:s3+s9], $0x1900, s10, s9, $0x38;
	[tilespmem:$0x9900] =	vst v63  }
0x12: {  	_ =	swait.ge [sflag:s11], $0x1900  }
0x13: {  	[sflag:s11] =	ssyncset.done $0x0  }
0x14: {  	s17 =	simm.s32 $0x0;
	s18 =	simm.s32 $0x400;
	[sflag:s11] =	ssyncadd.s32 $0xFFFFE700  }
.LBB2_2:
0x15: {  	p0 =	sne.s32 s18, $0xFC00;
	[tilespmem:s17+$0x19F0] =	vst v0  }
0x16: {  	[tilespmem:s17+$0x1900] =	vst v0  }
0x17: {  	[tilespmem:s17+$0x1910] =	vst v0  }
0x18: {  	[tilespmem:s17+$0x1920] =	vst v0  }
0x19: {  	[tilespmem:s17+$0x1930] =	vst v0  }
0x1a: {  	[tilespmem:s17+$0x1940] =	vst v0  }
0x1b: {  	[tilespmem:s17+$0x1950] =	vst v0  }
0x1c: {  	[tilespmem:s17+$0x1960] =	vst v0  }
0x1d: {  	[tilespmem:s17+$0x1970] =	vst v0  }
0x1e: {  	[tilespmem:s17+$0x1980] =	vst v0  }
0x1f: {  	[tilespmem:s17+$0x1990] =	vst v0  }
.Ltmp0:
0x20: {  	[tilespmem:s17+$0x19A0] =	vst v0;
	(pc) =	sbr.rel @p0 .LBB2_2-.Ltmp0, $4  }
0x21: {  	[tilespmem:s17+$0x19B0] =	vst v0  }
0x22: {  	[tilespmem:s17+$0x19C0] =	vst v0  }
0x23: {  	[tilespmem:s17+$0x19D0] =	vst v0  }
0x24: {  	[tilespmem:s17+$0x19E0] =	vst v0;
	s17 =	sshra.s32 s18, $0x2;
	s18 =	sadd.s32 $0x400, s18  }
0x25: {  	[tilespmem:s17+$0x19F0] =	vst v0  }
0x26: {  	[tilespmem:s17+$0x1900] =	vst v0  }
0x27: {  	[tilespmem:s17+$0x1910] =	vst v0  }
0x28: {  	[tilespmem:s17+$0x1920] =	vst v0  }
0x29: {  	[tilespmem:s17+$0x1930] =	vst v0  }
0x2a: {  	[tilespmem:s17+$0x1940] =	vst v0  }
0x2b: {  	[tilespmem:s17+$0x1950] =	vst v0  }
0x2c: {  	[tilespmem:s17+$0x1960] =	vst v0  }
0x2d: {  	[tilespmem:s17+$0x1970] =	vst v0  }
0x2e: {  	[tilespmem:s17+$0x1980] =	vst v0  }
0x2f: {  	[tilespmem:s17+$0x1990] =	vst v0  }
0x30: {  	[tilespmem:s17+$0x19A0] =	vst v0  }
0x31: {  	[tilespmem:s17+$0x19B0] =	vst v0  }
0x32: {  	[tilespmem:s17+$0x19C0] =	vst v0  }
0x33: {  	[tilespmem:s17+$0x19D0] =	vst v0  }
0x34: {  	[tilespmem:s17+$0x19E0] =	vst v0;
	s18 =	simm.s32 $0x0;
	s17 =	simm.s32 $0x100  }
.LBB2_4:
0x35: {  	p0 =	sne.s32 s17, $0x6300;
	v3 =	vld [tilespmem:s18+$0x0];
	_ =	sdelay $0x4  }
0x36: {  	v4 =	vshrl.u32 v3, $0x7  }
0x37: {  	v4 =	vmul.u32 $0x380, v4;
	_ =	sdelay $0x1  }
0x38: {  	v4 =	vadd.s32 v4, v3  }
0x39: {  	v4 =	vadd.s32 v1, v4  }
0x3a: {  	v3 =	vand.u32 $0x7, v3;
	v4 =	vand.u32 $0xFFFFFFF8, v4  }
0x3b: {  	v3 =	vor.u32 v3, v4  }
.Ltmp1:
0x3c: {  	(pc) =	sbr.rel @p0 .LBB2_4-.Ltmp1, $2  }
0x3d: {  	_ =	sdelay $0x2  }
0x3e: {  	s18 =	sshra.s32 s17, $0x2;
	s17 =	sadd.s32 $0x100, s17;
	[tilespmem:v3+s12+$0x0] =	vst.idx.add.f32.msk $0xffff, v2  }
0x3f: {  	v3 =	vld [tilespmem:s18+$0x0];
	_ =	sdelay $0x4  }
0x40: {  	v4 =	vshrl.u32 v3, $0x7  }
0x41: {  	v4 =	vmul.u32 $0x380, v4;
	_ =	sdelay $0x1  }
0x42: {  	v4 =	vadd.s32 v4, v3  }
0x43: {  	v4 =	vadd.s32 v1, v4  }
0x44: {  	v3 =	vand.u32 $0x7, v3;
	v4 =	vand.u32 $0xFFFFFFF8, v4  }
0x45: {  	v3 =	vor.u32 v3, v4;
	_ =	sdelay $0x4  }
0x46: {  	s17 =	simm.s32 $0x0;
	[tilespmem:v3+s12+$0x0] =	vst.idx.add.f32.msk $0xffff, v2  }
0x47: {  	[hbm4b:s4+s17] =	stream.linear.scatter [tilespmem:s12], [sflag:$0x1], $0x4000, $0x38;
	[tilespmem:$0x9900] =	vst v63  }
0x48: {  	s18 =	simm.s32 $0x400;
	s17 =	simm.s32 $0x0  }
.LBB2_6:
0x49: {  	p0 =	sne.s32 s18, $0xFC00;
	[tilespmem:s17+$0x59F0] =	vst v0  }
0x4a: {  	[tilespmem:s17+$0x5900] =	vst v0  }
0x4b: {  	[tilespmem:s17+$0x5910] =	vst v0  }
0x4c: {  	[tilespmem:s17+$0x5920] =	vst v0  }
0x4d: {  	[tilespmem:s17+$0x5930] =	vst v0  }
0x4e: {  	[tilespmem:s17+$0x5940] =	vst v0  }
0x4f: {  	[tilespmem:s17+$0x5950] =	vst v0  }
0x50: {  	[tilespmem:s17+$0x5960] =	vst v0  }
0x51: {  	[tilespmem:s17+$0x5970] =	vst v0  }
0x52: {  	[tilespmem:s17+$0x5980] =	vst v0  }
0x53: {  	[tilespmem:s17+$0x5990] =	vst v0  }
.Ltmp2:
0x54: {  	[tilespmem:s17+$0x59A0] =	vst v0;
	(pc) =	sbr.rel @p0 .LBB2_6-.Ltmp2, $4  }
0x55: {  	[tilespmem:s17+$0x59B0] =	vst v0  }
0x56: {  	[tilespmem:s17+$0x59C0] =	vst v0  }
0x57: {  	[tilespmem:s17+$0x59D0] =	vst v0  }
0x58: {  	[tilespmem:s17+$0x59E0] =	vst v0;
	s17 =	sshra.s32 s18, $0x2;
	s18 =	sadd.s32 $0x400, s18  }
0x59: {  	[tilespmem:s17+$0x59F0] =	vst v0  }
0x5a: {  	[tilespmem:s17+$0x5900] =	vst v0  }
0x5b: {  	[tilespmem:s17+$0x5910] =	vst v0  }
0x5c: {  	[tilespmem:s17+$0x5920] =	vst v0  }
0x5d: {  	[tilespmem:s17+$0x5930] =	vst v0  }
0x5e: {  	[tilespmem:s17+$0x5940] =	vst v0  }
0x5f: {  	[tilespmem:s17+$0x5950] =	vst v0  }
0x60: {  	[tilespmem:s17+$0x5960] =	vst v0  }
0x61: {  	[tilespmem:s17+$0x5970] =	vst v0  }
0x62: {  	[tilespmem:s17+$0x5980] =	vst v0  }
0x63: {  	[tilespmem:s17+$0x5990] =	vst v0  }
0x64: {  	[tilespmem:s17+$0x59A0] =	vst v0  }
0x65: {  	[tilespmem:s17+$0x59B0] =	vst v0  }
0x66: {  	[tilespmem:s17+$0x59C0] =	vst v0  }
0x67: {  	[tilespmem:s17+$0x59D0] =	vst v0  }
0x68: {  	[tilespmem:s17+$0x59E0] =	vst v0;
	s18 =	simm.s32 $0x10;
	s17 =	simm.s32 $0x140  }
.LBB2_8:
0x69: {  	p0 =	sne.s32 s17, $0x6340;
	v3 =	vld [tilespmem:s18+$0x0];
	_ =	sdelay $0x4  }
0x6a: {  	v4 =	vshrl.u32 v3, $0x7  }
0x6b: {  	v4 =	vmul.u32 $0x380, v4;
	_ =	sdelay $0x1  }
0x6c: {  	v4 =	vadd.s32 v4, v3  }
0x6d: {  	v4 =	vadd.s32 v1, v4  }
0x6e: {  	v3 =	vand.u32 $0x7, v3;
	v4 =	vand.u32 $0xFFFFFFF8, v4  }
0x6f: {  	v3 =	vor.u32 v3, v4  }
.Ltmp3:
0x70: {  	(pc) =	sbr.rel @p0 .LBB2_8-.Ltmp3, $2  }
0x71: {  	_ =	sdelay $0x2  }
0x72: {  	s18 =	sshra.s32 s17, $0x2;
	s17 =	sadd.s32 $0x100, s17;
	[tilespmem:v3+s13+$0x0] =	vst.idx.add.f32.msk $0xffff, v2  }
0x73: {  	v3 =	vld [tilespmem:s18+$0x0];
	_ =	sdelay $0x4  }
0x74: {  	v4 =	vshrl.u32 v3, $0x7  }
0x75: {  	v4 =	vmul.u32 $0x380, v4;
	_ =	sdelay $0x1  }
0x76: {  	v4 =	vadd.s32 v4, v3  }
0x77: {  	v4 =	vadd.s32 v1, v4  }
0x78: {  	v3 =	vand.u32 $0x7, v3;
	v4 =	vand.u32 $0xFFFFFFF8, v4  }
0x79: {  	v3 =	vor.u32 v3, v4;
	_ =	sdelay $0x4  }
0x7a: {  	s17 =	simm.s32 $0x0;
	[tilespmem:v3+s13+$0x0] =	vst.idx.add.f32.msk $0xffff, v2  }
0x7b: {  	[hbm4b:s5+s17] =	stream.linear.scatter [tilespmem:s13], [sflag:$0x2], $0x4000, $0x38;
	[tilespmem:$0x9900] =	vst v63  }
0x7c: {  	_ =	swait.ge [sflag:s14], $0x4000  }
0x7d: {  	[sflag:s14] =	ssyncset.done $0x0  }
0x7e: {  	s18 =	simm.s32 $0x400;
	s17 =	simm.s32 $0x0;
	[sflag:s14] =	ssyncadd.s32 $0xFFFFC000  }
.LBB2_10:
0x7f: {  	p0 =	sne.s32 s18, $0xFC00;
	[tilespmem:s17+$0x19F0] =	vst v0  }
0x80: {  	[tilespmem:s17+$0x1900] =	vst v0  }
0x81: {  	[tilespmem:s17+$0x1910] =	vst v0  }
0x82: {  	[tilespmem:s17+$0x1920] =	vst v0  }
0x83: {  	[tilespmem:s17+$0x1930] =	vst v0  }
0x84: {  	[tilespmem:s17+$0x1940] =	vst v0  }
0x85: {  	[tilespmem:s17+$0x1950] =	vst v0  }
0x86: {  	[tilespmem:s17+$0x1960] =	vst v0  }
0x87: {  	[tilespmem:s17+$0x1970] =	vst v0  }
0x88: {  	[tilespmem:s17+$0x1980] =	vst v0  }
0x89: {  	[tilespmem:s17+$0x1990] =	vst v0  }
.Ltmp4:
0x8a: {  	[tilespmem:s17+$0x19A0] =	vst v0;
	(pc) =	sbr.rel @p0 .LBB2_10-.Ltmp4, $4  }
0x8b: {  	[tilespmem:s17+$0x19B0] =	vst v0  }
0x8c: {  	[tilespmem:s17+$0x19C0] =	vst v0  }
0x8d: {  	[tilespmem:s17+$0x19D0] =	vst v0  }
0x8e: {  	[tilespmem:s17+$0x19E0] =	vst v0;
	s17 =	sshra.s32 s18, $0x2;
	s18 =	sadd.s32 $0x400, s18  }
0x8f: {  	[tilespmem:s17+$0x19F0] =	vst v0  }
0x90: {  	[tilespmem:s17+$0x1900] =	vst v0  }
0x91: {  	[tilespmem:s17+$0x1910] =	vst v0  }
0x92: {  	[tilespmem:s17+$0x1920] =	vst v0  }
0x93: {  	[tilespmem:s17+$0x1930] =	vst v0  }
0x94: {  	[tilespmem:s17+$0x1940] =	vst v0  }
0x95: {  	[tilespmem:s17+$0x1950] =	vst v0  }
0x96: {  	[tilespmem:s17+$0x1960] =	vst v0  }
0x97: {  	[tilespmem:s17+$0x1970] =	vst v0  }
0x98: {  	[tilespmem:s17+$0x1980] =	vst v0  }
0x99: {  	[tilespmem:s17+$0x1990] =	vst v0  }
0x9a: {  	[tilespmem:s17+$0x19A0] =	vst v0  }
0x9b: {  	[tilespmem:s17+$0x19B0] =	vst v0  }
0x9c: {  	[tilespmem:s17+$0x19C0] =	vst v0  }
0x9d: {  	[tilespmem:s17+$0x19D0] =	vst v0  }
0x9e: {  	[tilespmem:s17+$0x19E0] =	vst v0;
	s18 =	simm.s32 $0x20;
	s17 =	simm.s32 $0x180  }
.LBB2_12:
0x9f: {  	p0 =	sne.s32 s17, $0x6380;
	v3 =	vld [tilespmem:s18+$0x0];
	_ =	sdelay $0x4  }
0xa0: {  	v4 =	vshrl.u32 v3, $0x7  }
0xa1: {  	v4 =	vmul.u32 $0x380, v4;
	_ =	sdelay $0x1  }
0xa2: {  	v4 =	vadd.s32 v4, v3  }
0xa3: {  	v4 =	vadd.s32 v1, v4  }
0xa4: {  	v3 =	vand.u32 $0x7, v3;
	v4 =	vand.u32 $0xFFFFFFF8, v4  }
0xa5: {  	v3 =	vor.u32 v3, v4  }
.Ltmp5:
0xa6: {  	(pc) =	sbr.rel @p0 .LBB2_12-.Ltmp5, $2  }
0xa7: {  	_ =	sdelay $0x2  }
0xa8: {  	s18 =	sshra.s32 s17, $0x2;
	s17 =	sadd.s32 $0x100, s17;
	[tilespmem:v3+s12+$0x0] =	vst.idx.add.f32.msk $0xffff, v2  }
0xa9: {  	v3 =	vld [tilespmem:s18+$0x0];
	_ =	sdelay $0x4  }
0xaa: {  	v4 =	vshrl.u32 v3, $0x7  }
0xab: {  	v4 =	vmul.u32 $0x380, v4;
	_ =	sdelay $0x1  }
0xac: {  	v4 =	vadd.s32 v4, v3  }
0xad: {  	v4 =	vadd.s32 v1, v4  }
0xae: {  	v3 =	vand.u32 $0x7, v3;
	v4 =	vand.u32 $0xFFFFFFF8, v4  }
0xaf: {  	v3 =	vor.u32 v3, v4;
	_ =	sdelay $0x4  }
0xb0: {  	s17 =	simm.s32 $0x0;
	[tilespmem:v3+s12+$0x0] =	vst.idx.add.f32.msk $0xffff, v2  }
0xb1: {  	[hbm4b:s6+s17] =	stream.linear.scatter [tilespmem:s12], [sflag:$0x1], $0x4000, $0x38;
	[tilespmem:$0x9900] =	vst v63  }
0xb2: {  	_ =	swait.ge [sflag:s15], $0x4000  }
0xb3: {  	[sflag:s15] =	ssyncset.done $0x0  }
0xb4: {  	s18 =	simm.s32 $0x400;
	s17 =	simm.s32 $0x0;
	[sflag:s15] =	ssyncadd.s32 $0xFFFFC000  }
.LBB2_14:
0xb5: {  	p0 =	sne.s32 s18, $0xFC00;
	[tilespmem:s17+$0x59F0] =	vst v0  }
0xb6: {  	[tilespmem:s17+$0x5900] =	vst v0  }
0xb7: {  	[tilespmem:s17+$0x5910] =	vst v0  }
0xb8: {  	[tilespmem:s17+$0x5920] =	vst v0  }
0xb9: {  	[tilespmem:s17+$0x5930] =	vst v0  }
0xba: {  	[tilespmem:s17+$0x5940] =	vst v0  }
0xbb: {  	[tilespmem:s17+$0x5950] =	vst v0  }
0xbc: {  	[tilespmem:s17+$0x5960] =	vst v0  }
0xbd: {  	[tilespmem:s17+$0x5970] =	vst v0  }
0xbe: {  	[tilespmem:s17+$0x5980] =	vst v0  }
0xbf: {  	[tilespmem:s17+$0x5990] =	vst v0  }
.Ltmp6:
0xc0: {  	[tilespmem:s17+$0x59A0] =	vst v0;
	(pc) =	sbr.rel @p0 .LBB2_14-.Ltmp6, $4  }
0xc1: {  	[tilespmem:s17+$0x59B0] =	vst v0  }
0xc2: {  	[tilespmem:s17+$0x59C0] =	vst v0  }
0xc3: {  	[tilespmem:s17+$0x59D0] =	vst v0  }
0xc4: {  	[tilespmem:s17+$0x59E0] =	vst v0;
	s17 =	sshra.s32 s18, $0x2;
	s18 =	sadd.s32 $0x400, s18  }
0xc5: {  	[tilespmem:s17+$0x59F0] =	vst v0  }
0xc6: {  	[tilespmem:s17+$0x5900] =	vst v0  }
0xc7: {  	[tilespmem:s17+$0x5910] =	vst v0  }
0xc8: {  	[tilespmem:s17+$0x5920] =	vst v0  }
0xc9: {  	[tilespmem:s17+$0x5930] =	vst v0  }
0xca: {  	[tilespmem:s17+$0x5940] =	vst v0  }
0xcb: {  	[tilespmem:s17+$0x5950] =	vst v0  }
0xcc: {  	[tilespmem:s17+$0x5960] =	vst v0  }
0xcd: {  	[tilespmem:s17+$0x5970] =	vst v0  }
0xce: {  	[tilespmem:s17+$0x5980] =	vst v0  }
0xcf: {  	[tilespmem:s17+$0x5990] =	vst v0  }
0xd0: {  	[tilespmem:s17+$0x59A0] =	vst v0  }
0xd1: {  	[tilespmem:s17+$0x59B0] =	vst v0  }
0xd2: {  	[tilespmem:s17+$0x59C0] =	vst v0  }
0xd3: {  	[tilespmem:s17+$0x59D0] =	vst v0  }
0xd4: {  	[tilespmem:s17+$0x59E0] =	vst v0;
	s18 =	simm.s32 $0x30;
	s17 =	simm.s32 $0x1C0  }
.LBB2_16:
0xd5: {  	p0 =	sne.s32 s17, $0x63C0;
	v3 =	vld [tilespmem:s18+$0x0];
	_ =	sdelay $0x4  }
0xd6: {  	v4 =	vshrl.u32 v3, $0x7  }
0xd7: {  	v4 =	vmul.u32 $0x380, v4;
	_ =	sdelay $0x1  }
0xd8: {  	v4 =	vadd.s32 v4, v3  }
0xd9: {  	v4 =	vadd.s32 v1, v4  }
0xda: {  	v3 =	vand.u32 $0x7, v3;
	v4 =	vand.u32 $0xFFFFFFF8, v4  }
0xdb: {  	v3 =	vor.u32 v3, v4  }
.Ltmp7:
0xdc: {  	(pc) =	sbr.rel @p0 .LBB2_16-.Ltmp7, $2  }
0xdd: {  	_ =	sdelay $0x2  }
0xde: {  	s18 =	sshra.s32 s17, $0x2;
	s17 =	sadd.s32 $0x100, s17;
	[tilespmem:v3+s13+$0x0] =	vst.idx.add.f32.msk $0xffff, v2  }
0xdf: {  	v3 =	vld [tilespmem:s18+$0x0];
	_ =	sdelay $0x4  }
0xe0: {  	v4 =	vshrl.u32 v3, $0x7  }
0xe1: {  	v4 =	vmul.u32 $0x380, v4;
	_ =	sdelay $0x1  }
0xe2: {  	v4 =	vadd.s32 v4, v3  }
0xe3: {  	v4 =	vadd.s32 v1, v4  }
0xe4: {  	v3 =	vand.u32 $0x7, v3;
	v4 =	vand.u32 $0xFFFFFFF8, v4  }
0xe5: {  	v3 =	vor.u32 v3, v4;
	_ =	sdelay $0x4  }
0xe6: {  	s16 =	sadd.s32 $0x1, s16;
	[tilespmem:v3+s13+$0x0] =	vst.idx.add.f32.msk $0xffff, v2  }
0xe7: {  	[hbm4b:s7+s2] =	stream.linear.scatter [tilespmem:s13], [sflag:$0x2], $0x4000, $0x38;
	[tilespmem:$0x9900] =	vst v63  }
0xe8: {  	p0 =	sne.s32 s16, s8;
	_ =	swait.ge [sflag:s14], $0x4000  }
.Ltmp8:
0xe9: {  	[sflag:s14] =	ssyncset.done $0x0;
	(pc) =	sbr.rel @p0 .LBB2_1-.Ltmp8, $4  }
0xea: {  	[sflag:s14] =	ssyncadd.s32 $0xFFFFC000  }
0xeb: {  	_ =	swait.ge [sflag:s15], $0x4000  }
0xec: {  	[sflag:s15] =	ssyncset.done $0x0  }
0xed: {  	[sflag:s15] =	ssyncadd.s32 $0xFFFFC000  }
0xee: {  	_ =	sfence.sel $0x180000  }
0xef: {  	[bflag:$0x0] =	sbarrier.arrive $0xFFFF  }
0xf0: {  	p0 =	sne.s32 s1, $0x0;
	_ =	strace $0x90000047  }
0xf1: {  	s0 =	sadd.s32 @!p0 $0x100000, s0;
	[bflag:$0x2] =	sbarrier.arrive $0xFFFF  }
0xf2: {  	[sflag:s0] =	ssyncadd.tile.s32 @!p0 $0x1;
	_ =	shalt  }
.Lfunc_end2:
_tile_overlayer_lowered:
.L_overlay_start_2:
0xf3: {  	(tag) =	ssettag $0x2  }
0xf4: {  	s0 =	rddreg [dreg:$0x0];
	s2 =	stileid.u32  }
0xf5: {  	s1 =	rddreg [dreg:$0x1];
	p0 =	sne.s32 s2, $0x0  }
0xf6: {  	s3 =	rddreg [dreg:$0x2];
	[bflag:$0x3] =	sbarrier.arrive $0xFFFF;
	s2 =	simm.s32 @!p0 $0x1C03  }
0xf7: {  	[timem:s3], [sflag:s2] =	dma.local @!p0 [hbm:s0], s1  }
0xf8: {  	s0 =	simm.s32 @!p0 $0x3  }
0xf9: {  	_ =	swait.ge @!p0 [sflag:s0], s1  }
0xfa: {  	s1 =	ssub.s32 @!p0 $0x0, s1;
	[sflag:s0] =	ssyncset.done @!p0 $0x0  }
0xfb: {  	[sflag:s0] =	ssyncadd.s32 @!p0 s1  }
0xfc: {  	[bflag:$0x3] =	sbarrier.arrive $0xFFFF  }
0xfd: {  	_ =	shalt  }

// kernel: kernel.9.cloned.1.call-start
scs
__scs_entry_jumppad:
0x0: {  	(pc) =	sbr.rel $0x88, $3  }
0x1: {  	(tag) =	ssettag $0x0;
	lr =	simm.s32 $0x1  }
0x2: {  	[smem:$0x3F9B] =	sst lr;
	_ =	strace $0xD0000000  }
0x3: {  	_ = 	snop  }
0x4: {  	_ = 	snop  }
0x5: {  	_ = 	snop  }
0x6: {  	_ = 	snop  }
0x7: {  	_ = 	snop  }
__scs_overlays_trampoline_lowered:
0x8: {  	[smem:$0x3FAA] =	sst s0  }
0x9: {  	[smem:$0x3FAB] =	sst s1  }
0xa: {  	[smem:$0x3FAC] =	sst s2  }
0xb: {  	[smem:$0x3FAD] =	sst s3  }
0xc: {  	[smem:$0x3FAE] =	sst s4  }
0xd: {  	[smem:$0x3FAF] =	sst s5  }
0xe: {  	[smem:$0x3FB0] =	sst s6  }
0xf: {  	[smem:$0x3FB1] =	sst s7  }
0x10: {  	[smem:$0x3FB2] =	sst s8  }
0x11: {  	[smem:$0x3FB3] =	sst s9;
	s0 =	simm.s32 @!p0 $0x0  }
0x12: {  	s1 =	sld [smem:$0x3F99];
	s0 =	simm.s32 @p0 $0x1  }
0x13: {  	[smem:$0x3FB4] =	sst s0;
	s0 =	simm.s32 @!p1 $0x0  }
0x14: {  	s2 =	sld [smem:$0x3F98];
	s0 =	simm.s32 @p1 $0x1  }
0x15: {  	[smem:$0x3FB5] =	sst s0;
	s0 =	simm.s32 @!p2 $0x0  }
0x16: {  	s3 =	sld [smem:$0x3FDB];
	s0 =	simm.s32 @p2 $0x1  }
0x17: {  	s4 =	simm.s32 $0x1BF5;
	[smem:$0x3FB7] =	sst s0  }
0x18: {  	s0 =	sld [smem:$0x3F9A];
	_ =	swait.ge [sflag:s4], $0x0  }
0x19: {  	s7 =	sld [smem:$0x3F9B]  }
0x1a: {  	s8 =	sadd.s32 $0xFFFFE003, lr  }
0x1b: {  	s9 =	sadd.s32 $0xFFFFFEF7, lr;
	s5 =	simm.s32 $0xFFFFFFFF;
	p2 =	slt.u32 s8, $0xFFFFF086  }
0x1c: {  	p1 =	slt.u32 s9, $0xF7A;
	s5 =	simm.s32 @!p2 $0x0  }
0x1d: {  	s5 =	simm.s32 @p1 $0x1;
	p0 =	seq.s32 s7, s2  }
0x1e: {  	s7 =	smul.u32 @!p0 $0xF7A, s2;
	p2 =	seq.s32 @!p0 s5, $0x0  }
0x1f: {  	s9 =	smul.u32 $0xF7A, s1;
	s8 =	simm.s32 @!p0 $0x1BF5;
	p2 =	por !p2, p0  }
0x20: {  	[sflag:s8] =	ssyncset.s32 @!p0 $0xFFFFF086;
	s6 =	sadd.s32 @!p0 s3, s7;
	s7 =	simm.s32 @!p0 $0x108  }
0x21: {  	s3 =	sadd.s32 s3, s9;
	s6 =	sadd.s32 @!p0 $0x88, s6;
	s7 =	simm.s32 @p2 $0x1082  }
0x22: {  	[simem:s7], [sflag:s8] =	dma.local @!p0 [hbm:s6], $0xF7A  }
0x23: {  	s9 =	sor.u32 $0xD0000000, s2;
	s6 =	simm.s32 $0x108;
	_ =	swait.ge @!p0 [sflag:s8], $0x0  }
0x24: {  	s3 =	sadd.s32 $0x88, s3;
	s6 =	simm.s32 @!p1 $0x1082;
	[sflag:s4] =	ssyncset.s32 $0xFFFFF086  }
0x25: {  	[simem:s6], [sflag:s4] =	dma.local [hbm:s3], $0xF7A  }
0x26: {  	[smem:$0x3F9B] =	sst s1;
	(tag) =	ssettag s2;
	_ =	strace s9  }
0x27: {  	s1 =	sld [smem:$0x3FAB]  }
0x28: {  	s2 =	sld [smem:$0x3FAC]  }
0x29: {  	s4 =	sld [smem:$0x3FAE]  }
0x2a: {  	p0 =	seq.s32 s5, $0x0;
	s5 =	sld [smem:$0x3FAF]  }
0x2b: {  	s6 =	sld [smem:$0x3FB0]  }
0x2c: {  	s7 =	sld [smem:$0x3FB1]  }
0x2d: {  	s3 =	simm.s32 $0x108;
	s8 =	sld [smem:$0x3FB2]  }
0x2e: {  	s3 =	simm.s32 @!p0 $0x1082;
	s9 =	sld [smem:$0x3FB3]  }
0x2f: {  	lr =	sadd.s32 s0, s3;
	s0 =	sld [smem:$0x3FAA]  }
0x30: {  	s3 =	sld [smem:$0x3FAD]  }
0x31: {  	[smem:$0x3FB6] =	sst s10  }
0x32: {  	s10 =	sld [smem:$0x3FB4];
	_ =	sdelay $0x3  }
0x33: {  	p0 =	seq.s32 s10, $0x1;
	s10 =	sld [smem:$0x3FB6];
	_ =	sdelay $0x3  }
0x34: {  	[smem:$0x3FB6] =	sst s10  }
0x35: {  	s10 =	sld [smem:$0x3FB5];
	_ =	sdelay $0x3  }
0x36: {  	p1 =	seq.s32 s10, $0x1;
	s10 =	sld [smem:$0x3FB6];
	_ =	sdelay $0x3  }
0x37: {  	[smem:$0x3FB6] =	sst s10  }
0x38: {  	s10 =	sld [smem:$0x3FB7]  }
0x39: {  	_ = 	snop;
	(pc) =	sbr.ind lr, $3  }
0x3a: {  	_ = 	snop  }
0x3b: {  	_ = 	snop  }
0x3c: {  	p2 =	seq.s32 s10, $0x1;
	s10 =	sld [smem:$0x3FB6]  }
0x3d: {  	_ =	shalt  }
0x3e: {  	_ =	shalt  }
0x3f: {  	_ =	shalt  }
0x40: {  	_ =	shalt  }
0x41: {  	_ =	shalt  }
0x42: {  	_ =	shalt  }
0x43: {  	_ =	shalt  }
0x44: {  	_ =	shalt  }
0x45: {  	_ =	shalt  }
0x46: {  	_ =	shalt  }
0x47: {  	_ =	shalt  }
0x48: {  	_ =	shalt  }
0x49: {  	_ =	shalt  }
0x4a: {  	_ =	shalt  }
0x4b: {  	_ =	shalt  }
0x4c: {  	_ =	shalt  }
0x4d: {  	_ =	shalt  }
0x4e: {  	_ =	shalt  }
0x4f: {  	_ =	shalt  }
0x50: {  	_ =	shalt  }
0x51: {  	_ =	shalt  }
0x52: {  	_ =	shalt  }
0x53: {  	_ =	shalt  }
0x54: {  	_ =	shalt  }
0x55: {  	_ =	shalt  }
0x56: {  	_ =	shalt  }
0x57: {  	_ =	shalt  }
0x58: {  	_ =	shalt  }
0x59: {  	_ =	shalt  }
0x5a: {  	_ =	shalt  }
0x5b: {  	_ =	shalt  }
0x5c: {  	_ =	shalt  }
0x5d: {  	_ =	shalt  }
0x5e: {  	_ =	shalt  }
0x5f: {  	_ =	shalt  }
0x60: {  	_ =	shalt  }
0x61: {  	_ =	shalt  }
0x62: {  	_ =	shalt  }
0x63: {  	_ =	shalt  }
0x64: {  	_ =	shalt  }
0x65: {  	_ =	shalt  }
0x66: {  	_ =	shalt  }
0x67: {  	_ =	shalt  }
0x68: {  	_ =	shalt  }
0x69: {  	_ =	shalt  }
0x6a: {  	_ =	shalt  }
0x6b: {  	_ =	shalt  }
0x6c: {  	_ =	shalt  }
0x6d: {  	_ =	shalt  }
0x6e: {  	_ =	shalt  }
0x6f: {  	_ =	shalt  }
0x70: {  	_ =	shalt  }
0x71: {  	_ =	shalt  }
0x72: {  	_ =	shalt  }
0x73: {  	_ =	shalt  }
0x74: {  	_ =	shalt  }
0x75: {  	_ =	shalt  }
0x76: {  	_ =	shalt  }
0x77: {  	_ =	shalt  }
0x78: {  	_ =	shalt  }
0x79: {  	_ =	shalt  }
0x7a: {  	_ =	shalt  }
0x7b: {  	_ =	shalt  }
0x7c: {  	_ =	shalt  }
0x7d: {  	_ =	shalt  }
0x7e: {  	_ =	shalt  }
0x7f: {  	_ =	shalt  }
0x80: {  	_ =	shalt  }
0x81: {  	_ =	shalt  }
0x82: {  	_ =	shalt  }
0x83: {  	_ =	shalt  }
0x84: {  	_ =	shalt  }
0x85: {  	_ =	shalt  }
0x86: {  	_ =	shalt  }
0x87: {  	_ =	shalt  }
.Lfunc_end0:
.L_simem_size_0:
called_computation.1_lowered:
.L_overlay_start_0:
0x88: {  	s2 =	sld [smem:$0x3FD9]  }
0x89: {  	s3 =	sld [smem:$0x3FFE];
	_ =	sdelay $0x1  }
0x8a: {  	s1 =	srdreg.scid  }
0x8b: {  	s0 =	sand.u32 $0x1, s1  }
0x8c: {  	s17 =	sshll.u32 s0, $0xA;
	s2 =	sadd.s32 s3, s2  }
0x8d: {  	s2 =	sadd.s32 s2, s17  }
0x8e: {  	[smem:$0x3FC2] =	sst s2  }
0x8f: {  	_ = 	snop  }
0x90: {  	(tm) =	ssettm $0x1  }
0x91: {  	s18 =	sld [smem:$0x3FFB];
	_ =	sdelay $0x3  }
0x92: {  	_ =	strace s18  }
0x93: {  	s2 =	sld [smem:$0x3FFC];
	_ =	sdelay $0x3  }
0x94: {  	_ =	strace s2  }
0x95: {  	s2 =	sld [smem:$0x3FFD];
	_ =	sdelay $0x3  }
0x96: {  	_ =	strace s2  }
0x97: {  	_ =	strace $0x8FFFFFFF  }
0x98: {  	s19 =	sld [smem:$0x3FDB];
	_ =	sdelay $0x1  }
0x99: {  	s20 =	simm.s32 $_scs_section_size  }
0x9a: {  	s4 =	simm.s32 $_size__tile_overlayer_lowered;
	s5 =	simm.s32 $_tile_overlayer_lowered  }
0x9b: {  	s6 =	simm.s32 $0x1BFF;
	s21 =	sshll.u32 s5, $0x1;
	s3 =	sadd.s32 s20, s19  }
0x9c: {  	s22 =	simm.s32 $0x0;
	s4 =	sshll.u32 s4, $0x1;
	s5 =	sadd.s32 s21, s3  }
0x9d: {  	[timem:s22], [sflag:s6] =	dma.local [hbm:s5], s4  }
0x9e: {  	_ =	swait.ge [sflag:s6], s4  }
0x9f: {  	s4 =	ssub.s32 $0x0, s4;
	[sflag:s6] =	ssyncset.done $0x0  }
0xa0: {  	[sflag:s6] =	ssyncadd.s32 s4;
	_ =	sdelay $0x1  }
0xa1: {  	s23 =	simm.s32 $0x1B8B  }
0xa2: {  	_ =	swait.ge [sflag:s23], $0x1  }
0xa3: {  	[sflag:s23] =	ssyncset.done $0x0  }
0xa4: {  	[sflag:s23] =	ssyncadd.s32 $0xFFFFFFFF  }
0xa5: {  	s4 =	sld [smem:$0x0]  }
0xa6: {  	s5 =	sand.u32 $0xFFFFFFFE, s1  }
0xa7: {  	p0 =	sne.s32 s1, s5  }
0xa8: {  	s5 =	sshll.u32 @p0 s5, $0xE  }
0xa9: {  	s5 =	sadd.s32 @p0 $0x11B8D, s5;
	s6 =	sshll.u32 @p0 s4, $0x11  }
0xaa: {  	s5 =	sor.u32 @p0 s6, s5  }
0xab: {  	[sflag:s5] =	ssyncadd.remote.s32 @p0 $0x1;
	_ =	sdelay $0x1  }
0xac: {  	s5 =	simm.s32 @p0 $0x1B8D  }
0xad: {  	_ =	swait.eq @p0 [sflag:s5], $0x1  }
0xae: {  	[sflag:s5] =	ssyncadd.s32 @p0 $0xFFFFFFFF  }
0xaf: {  	s6 =	sshll.u32 @!p0 s1, $0xE  }
0xb0: {  	s6 =	sor.u32 @!p0 $0x4000, s6;
	s5 =	simm.s32 @!p0 $0x1B8D  }
0xb1: {  	s4 =	sshll.u32 @!p0 s4, $0x11;
	s6 =	sadd.s32 @!p0 $0x11B8D, s6;
	_ =	swait.eq @!p0 [sflag:s5], $0x1  }
0xb2: {  	s4 =	sor.u32 @!p0 s4, s6;
	[sflag:s5] =	ssyncadd.s32 @!p0 $0xFFFFFFFF  }
0xb3: {  	s25 =	simm.s32 $0x1B8E;
	s24 =	sld [smem:$0x3FFE];
	[sflag:s4] =	ssyncadd.remote.s32 @!p0 $0x1  }
0xb4: {  	s26 =	simm.s32 $execute0_lowered;
	[smem:$0x3FD2] =	sst s25  }
0xb5: {  	s5 =	sshll.u32 s26, $0x1;
	_ =	strace $0x80000049;
	[dreg:$0x1] =	wrdreg $0xFFFFFFFF  }
0xb6: {  	s28 =	simm.s32 $_size_execute0_lowered;
	s3 =	sadd.s32 s3, s5;
	[dreg:$0x0] =	wrdreg $0x0  }
0xb7: {  	s5 =	sshll.u32 s28, $0x1;
	[dreg:$0x2] =	wrdreg s3  }
0xb8: {  	[dreg:$0x3] =	wrdreg s5  }
0xb9: {  	[dreg:$0x4] =	wrdreg $0xC0  }
0xba: {  	_ =	task [dreg:s22], $0x5FFFF  }
0xbb: {  	[dreg:$0x1] =	wrdreg $0xFFFFFFFF  }
0xbc: {  	[dreg:$0x0] =	wrdreg $0x60  }
0xbd: {  	[dreg:$0x2] =	wrdreg s24  }
0xbe: {  	[dreg:$0x3] =	wrdreg $0xA  }
0xbf: {  	_ =	task.clear_ibuf [dreg:s22], $0x4FFFF;
	_ =	strace $0x90000049  }
0xc0: {  	s29 =	simm.s32 $0xA;
	_ =	strace $0x8000004B  }
0xc1: {  	_ =	swait.ge [sflag:s29], $0x1  }
0xc2: {  	[sflag:s29] =	ssyncadd.s32 $0xFFFFFFFF  }
0xc3: {  	_ =	strace $0x9000004B  }
0xc4: {  	_ =	sfence  }
0xc5: {  	s30 =	sld [smem:$0x0];
	_ =	sdelay $0x2  }
0xc6: {  	s31 =	sshll.u32 s1, $0xD;
	s1 =	sshrl.u32 s1, $0x2  }
0xc7: {  	s4 =	sand.u32 $0x4000, s31;
	s1 =	sadd.s32 s1, s30  }
0xc8: {  	s0 =	sor.u32 s4, s0;
	s1 =	sshll.u32 s1, $0x11  }
0xc9: {  	s0 =	sor.u32 s1, s0  }
0xca: {  	s0 =	sadd.s32 $0x8F2B, s0  }
0xcb: {  	[sflag:s0] =	ssyncadd.remote.s32 $0x1  }
0xcc: {  	_ =	sfence.sel $0xFFFF  }
0xcd: {  	[dreg:$0x0] =	wrdreg $0xFFFFFFFF;
	(pc) =	sbr.abs _section_cstart, $3  }
0xce: {  	[dreg:$0x1] =	wrdreg $0xFFFFFFFF  }
0xcf: {  	_ =	task.clear_ibuf [dreg:s22], $0x2FFFF;
	_ =	strace $0x9FFFFFFF  }
0xd0: {  	(tm) =	ssettm $0x7FFFFFFF  }
0xd1: {  	_ =	shalt  }
tec
execute0_lowered:
.L_overlay_start_1:
0x0: {  	(tag) =	ssettag $0x1  }
0x1: {  	v0 =	vimm.s32 $0x2380;
	vm0 =	vcmask $0x300  }
0x2: {  	vm14 =	vcmask $0x704;
	v0 =	vsel vm0, $0x0, v0  }
0x3: {  	vm15 =	vcmask $0xB08;
	v0 =	vsel vm14, $0x80, v0  }
0x4: {  	vm4 =	vcmask $0xF0C;
	v0 =	vsel vm15, $0x100, v0  }
0x5: {  	vm5 =	vcmask $0x1310;
	v0 =	vsel vm4, $0x180, v0  }
0x6: {  	s3 =	rddreg [dreg:$0x0];
	vm6 =	vcmask $0x1714;
	v0 =	vsel vm5, $0x200, v0  }
0x7: {  	s0 =	rddreg [dreg:$0x1];
	s2 =	simm.s32 $0x0;
	s4 =	srdreg.scid;
	vm7 =	vcmask $0x1B18;
	v0 =	vsel vm6, $0x280, v0  }
0x8: {  	s1 =	stileid.u32;
	vm8 =	vcmask $0x1F1C;
	s9 =	simm.s32 $0x40;
	s10 =	simm.s32 $0x800;
	v0 =	vsel vm7, $0x300, v0  }
0x9: {  	vm9 =	vcmask $0x2320;
	s11 =	simm.s32 $0x3;
	s12 =	simm.s32 $0x1900;
	s13 =	simm.s32 $0x5900;
	v0 =	vsel vm8, $0x380, v0  }
0xa: {  	vm10 =	vcmask $0x2724;
	s14 =	simm.s32 $0x1;
	s15 =	simm.s32 $0x2;
	s16 =	simm.s32 $0x0;
	v0 =	vsel vm9, $0x2000, v0  }
0xb: {  	vm11 =	vcmask $0x2B28;
	[smem:$0x7FF] =	sst s2;
	s4 =	sand.u32 $0x1, s4;
	s5 =	sshll.u32 s1, $0x1;
	v0 =	vsel vm10, $0x2080, v0  }
0xc: {  	vm12 =	vcmask $0x2F2C;
	_ =	strace $0x8000004A;
	s5 =	sor.u32 s4, s5;
	s4 =	ssub.s32 $0x2, s4;
	v0 =	vsel vm11, $0x2100, v0  }
0xd: {  	vm13 =	vcmask $0x3330;
	s6 =	sshll.u32 s5, $0x3;
	s5 =	sshll.u32 s5, $0xD;
	s31 =	sshrl.u32 s4, $0x1;
	v0 =	vsel vm12, $0x2180, v0  }
0xe: {  	vm14 =	vcmask $0x3734;
	s6 =	sadd.s32 s6, s3;
	s7 =	sadd.s32 s5, s3;
	s8 =	ssub.s32 s4, s31;
	v0 =	vsel vm13, $0x2200, v0  }
0xf: {  	vm15 =	vcmask $0x3B38;
	s3 =	sadd.s32 $0x7C00, s6;
	s4 =	sadd.s32 $0xE000, s7;
	s5 =	sadd.s32 $0xE800, s7;
	v1 =	vsel vm14, $0x2280, v0  }
0x10: {  	v2 =	vimm.f32 $1.000000000e+00;
	s6 =	sadd.s32 $0xF000, s7;
	s7 =	sadd.s32 $0xF800, s7;
	s8 =	smax.u32 s8, $0x1;
	v0 =	vimm.f32 $0.0e+00;
	v1 =	vsel vm15, $0x2300, v1  }
.LBB2_1:
0x11: {  	[tilespmem:s2], [sflag:$0x3] =	stream.strided.gather [hbm4b:s3+s9], $0x1900, s10, s9, $0x38;
	[tilespmem:$0x9900] =	vst v63  }
0x12: {  	_ =	swait.ge [sflag:s11], $0x1900  }
0x13: {  	[sflag:s11] =	ssyncset.done $0x0  }
0x14: {  	s17 =	simm.s32 $0x0;
	s18 =	simm.s32 $0x400;
	[sflag:s11] =	ssyncadd.s32 $0xFFFFE700  }
.LBB2_2:
0x15: {  	p0 =	sne.s32 s18, $0xFC00;
	[tilespmem:s17+$0x19F0] =	vst v0  }
0x16: {  	[tilespmem:s17+$0x1900] =	vst v0  }
0x17: {  	[tilespmem:s17+$0x1910] =	vst v0  }
0x18: {  	[tilespmem:s17+$0x1920] =	vst v0  }
0x19: {  	[tilespmem:s17+$0x1930] =	vst v0  }
0x1a: {  	[tilespmem:s17+$0x1940] =	vst v0  }
0x1b: {  	[tilespmem:s17+$0x1950] =	vst v0  }
0x1c: {  	[tilespmem:s17+$0x1960] =	vst v0  }
0x1d: {  	[tilespmem:s17+$0x1970] =	vst v0  }
0x1e: {  	[tilespmem:s17+$0x1980] =	vst v0  }
0x1f: {  	[tilespmem:s17+$0x1990] =	vst v0  }
.Ltmp0:
0x20: {  	[tilespmem:s17+$0x19A0] =	vst v0;
	(pc) =	sbr.rel @p0 .LBB2_2-.Ltmp0, $4  }
0x21: {  	[tilespmem:s17+$0x19B0] =	vst v0  }
0x22: {  	[tilespmem:s17+$0x19C0] =	vst v0  }
0x23: {  	[tilespmem:s17+$0x19D0] =	vst v0  }
0x24: {  	[tilespmem:s17+$0x19E0] =	vst v0;
	s17 =	sshra.s32 s18, $0x2;
	s18 =	sadd.s32 $0x400, s18  }
0x25: {  	[tilespmem:s17+$0x19F0] =	vst v0  }
0x26: {  	[tilespmem:s17+$0x1900] =	vst v0  }
0x27: {  	[tilespmem:s17+$0x1910] =	vst v0  }
0x28: {  	[tilespmem:s17+$0x1920] =	vst v0  }
0x29: {  	[tilespmem:s17+$0x1930] =	vst v0  }
0x2a: {  	[tilespmem:s17+$0x1940] =	vst v0  }
0x2b: {  	[tilespmem:s17+$0x1950] =	vst v0  }
0x2c: {  	[tilespmem:s17+$0x1960] =	vst v0  }
0x2d: {  	[tilespmem:s17+$0x1970] =	vst v0  }
0x2e: {  	[tilespmem:s17+$0x1980] =	vst v0  }
0x2f: {  	[tilespmem:s17+$0x1990] =	vst v0  }
0x30: {  	[tilespmem:s17+$0x19A0] =	vst v0  }
0x31: {  	[tilespmem:s17+$0x19B0] =	vst v0  }
0x32: {  	[tilespmem:s17+$0x19C0] =	vst v0  }
0x33: {  	[tilespmem:s17+$0x19D0] =	vst v0  }
0x34: {  	[tilespmem:s17+$0x19E0] =	vst v0;
	s18 =	simm.s32 $0x0;
	s17 =	simm.s32 $0x100  }
.LBB2_4:
0x35: {  	p0 =	sne.s32 s17, $0x6300;
	v3 =	vld [tilespmem:s18+$0x0];
	_ =	sdelay $0x4  }
0x36: {  	v4 =	vshrl.u32 v3, $0x7  }
0x37: {  	v4 =	vmul.u32 $0x380, v4;
	_ =	sdelay $0x1  }
0x38: {  	v4 =	vadd.s32 v4, v3  }
0x39: {  	v4 =	vadd.s32 v1, v4  }
0x3a: {  	v3 =	vand.u32 $0x7, v3;
	v4 =	vand.u32 $0xFFFFFFF8, v4  }
0x3b: {  	v3 =	vor.u32 v3, v4  }
.Ltmp1:
0x3c: {  	(pc) =	sbr.rel @p0 .LBB2_4-.Ltmp1, $2  }
0x3d: {  	_ =	sdelay $0x2  }
0x3e: {  	s18 =	sshra.s32 s17, $0x2;
	s17 =	sadd.s32 $0x100, s17;
	[tilespmem:v3+s12+$0x0] =	vst.idx.add.f32.msk $0xffff, v2  }
0x3f: {  	v3 =	vld [tilespmem:s18+$0x0];
	_ =	sdelay $0x4  }
0x40: {  	v4 =	vshrl.u32 v3, $0x7  }
0x41: {  	v4 =	vmul.u32 $0x380, v4;
	_ =	sdelay $0x1  }
0x42: {  	v4 =	vadd.s32 v4, v3  }
0x43: {  	v4 =	vadd.s32 v1, v4  }
0x44: {  	v3 =	vand.u32 $0x7, v3;
	v4 =	vand.u32 $0xFFFFFFF8, v4  }
0x45: {  	v3 =	vor.u32 v3, v4;
	_ =	sdelay $0x4  }
0x46: {  	s17 =	simm.s32 $0x0;
	[tilespmem:v3+s12+$0x0] =	vst.idx.add.f32.msk $0xffff, v2  }
0x47: {  	[hbm4b:s4+s17] =	stream.linear.scatter [tilespmem:s12], [sflag:$0x1], $0x4000, $0x38;
	[tilespmem:$0x9900] =	vst v63  }
0x48: {  	s18 =	simm.s32 $0x400;
	s17 =	simm.s32 $0x0  }
.LBB2_6:
0x49: {  	p0 =	sne.s32 s18, $0xFC00;
	[tilespmem:s17+$0x59F0] =	vst v0  }
0x4a: {  	[tilespmem:s17+$0x5900] =	vst v0  }
0x4b: {  	[tilespmem:s17+$0x5910] =	vst v0  }
0x4c: {  	[tilespmem:s17+$0x5920] =	vst v0  }
0x4d: {  	[tilespmem:s17+$0x5930] =	vst v0  }
0x4e: {  	[tilespmem:s17+$0x5940] =	vst v0  }
0x4f: {  	[tilespmem:s17+$0x5950] =	vst v0  }
0x50: {  	[tilespmem:s17+$0x5960] =	vst v0  }
0x51: {  	[tilespmem:s17+$0x5970] =	vst v0  }
0x52: {  	[tilespmem:s17+$0x5980] =	vst v0  }
0x53: {  	[tilespmem:s17+$0x5990] =	vst v0  }
.Ltmp2:
0x54: {  	[tilespmem:s17+$0x59A0] =	vst v0;
	(pc) =	sbr.rel @p0 .LBB2_6-.Ltmp2, $4  }
0x55: {  	[tilespmem:s17+$0x59B0] =	vst v0  }
0x56: {  	[tilespmem:s17+$0x59C0] =	vst v0  }
0x57: {  	[tilespmem:s17+$0x59D0] =	vst v0  }
0x58: {  	[tilespmem:s17+$0x59E0] =	vst v0;
	s17 =	sshra.s32 s18, $0x2;
	s18 =	sadd.s32 $0x400, s18  }
0x59: {  	[tilespmem:s17+$0x59F0] =	vst v0  }
0x5a: {  	[tilespmem:s17+$0x5900] =	vst v0  }
0x5b: {  	[tilespmem:s17+$0x5910] =	vst v0  }
0x5c: {  	[tilespmem:s17+$0x5920] =	vst v0  }
0x5d: {  	[tilespmem:s17+$0x5930] =	vst v0  }
0x5e: {  	[tilespmem:s17+$0x5940] =	vst v0  }
0x5f: {  	[tilespmem:s17+$0x5950] =	vst v0  }
0x60: {  	[tilespmem:s17+$0x5960] =	vst v0  }
0x61: {  	[tilespmem:s17+$0x5970] =	vst v0  }
0x62: {  	[tilespmem:s17+$0x5980] =	vst v0  }
0x63: {  	[tilespmem:s17+$0x5990] =	vst v0  }
0x64: {  	[tilespmem:s17+$0x59A0] =	vst v0  }
0x65: {  	[tilespmem:s17+$0x59B0] =	vst v0  }
0x66: {  	[tilespmem:s17+$0x59C0] =	vst v0  }
0x67: {  	[tilespmem:s17+$0x59D0] =	vst v0  }
0x68: {  	[tilespmem:s17+$0x59E0] =	vst v0;
	s18 =	simm.s32 $0x10;
	s17 =	simm.s32 $0x140  }
.LBB2_8:
0x69: {  	p0 =	sne.s32 s17, $0x6340;
	v3 =	vld [tilespmem:s18+$0x0];
	_ =	sdelay $0x4  }
0x6a: {  	v4 =	vshrl.u32 v3, $0x7  }
0x6b: {  	v4 =	vmul.u32 $0x380, v4;
	_ =	sdelay $0x1  }
0x6c: {  	v4 =	vadd.s32 v4, v3  }
0x6d: {  	v4 =	vadd.s32 v1, v4  }
0x6e: {  	v3 =	vand.u32 $0x7, v3;
	v4 =	vand.u32 $0xFFFFFFF8, v4  }
0x6f: {  	v3 =	vor.u32 v3, v4  }
.Ltmp3:
0x70: {  	(pc) =	sbr.rel @p0 .LBB2_8-.Ltmp3, $2  }
0x71: {  	_ =	sdelay $0x2  }
0x72: {  	s18 =	sshra.s32 s17, $0x2;
	s17 =	sadd.s32 $0x100, s17;
	[tilespmem:v3+s13+$0x0] =	vst.idx.add.f32.msk $0xffff, v2  }
0x73: {  	v3 =	vld [tilespmem:s18+$0x0];
	_ =	sdelay $0x4  }
0x74: {  	v4 =	vshrl.u32 v3, $0x7  }
0x75: {  	v4 =	vmul.u32 $0x380, v4;
	_ =	sdelay $0x1  }
0x76: {  	v4 =	vadd.s32 v4, v3  }
0x77: {  	v4 =	vadd.s32 v1, v4  }
0x78: {  	v3 =	vand.u32 $0x7, v3;
	v4 =	vand.u32 $0xFFFFFFF8, v4  }
0x79: {  	v3 =	vor.u32 v3, v4;
	_ =	sdelay $0x4  }
0x7a: {  	s17 =	simm.s32 $0x0;
	[tilespmem:v3+s13+$0x0] =	vst.idx.add.f32.msk $0xffff, v2  }
0x7b: {  	[hbm4b:s5+s17] =	stream.linear.scatter [tilespmem:s13], [sflag:$0x2], $0x4000, $0x38;
	[tilespmem:$0x9900] =	vst v63  }
0x7c: {  	_ =	swait.ge [sflag:s14], $0x4000  }
0x7d: {  	[sflag:s14] =	ssyncset.done $0x0  }
0x7e: {  	s18 =	simm.s32 $0x400;
	s17 =	simm.s32 $0x0;
	[sflag:s14] =	ssyncadd.s32 $0xFFFFC000  }
.LBB2_10:
0x7f: {  	p0 =	sne.s32 s18, $0xFC00;
	[tilespmem:s17+$0x19F0] =	vst v0  }
0x80: {  	[tilespmem:s17+$0x1900] =	vst v0  }
0x81: {  	[tilespmem:s17+$0x1910] =	vst v0  }
0x82: {  	[tilespmem:s17+$0x1920] =	vst v0  }
0x83: {  	[tilespmem:s17+$0x1930] =	vst v0  }
0x84: {  	[tilespmem:s17+$0x1940] =	vst v0  }
0x85: {  	[tilespmem:s17+$0x1950] =	vst v0  }
0x86: {  	[tilespmem:s17+$0x1960] =	vst v0  }
0x87: {  	[tilespmem:s17+$0x1970] =	vst v0  }
0x88: {  	[tilespmem:s17+$0x1980] =	vst v0  }
0x89: {  	[tilespmem:s17+$0x1990] =	vst v0  }
.Ltmp4:
0x8a: {  	[tilespmem:s17+$0x19A0] =	vst v0;
	(pc) =	sbr.rel @p0 .LBB2_10-.Ltmp4, $4  }
0x8b: {  	[tilespmem:s17+$0x19B0] =	vst v0  }
0x8c: {  	[tilespmem:s17+$0x19C0] =	vst v0  }
0x8d: {  	[tilespmem:s17+$0x19D0] =	vst v0  }
0x8e: {  	[tilespmem:s17+$0x19E0] =	vst v0;
	s17 =	sshra.s32 s18, $0x2;
	s18 =	sadd.s32 $0x400, s18  }
0x8f: {  	[tilespmem:s17+$0x19F0] =	vst v0  }
0x90: {  	[tilespmem:s17+$0x1900] =	vst v0  }
0x91: {  	[tilespmem:s17+$0x1910] =	vst v0  }
0x92: {  	[tilespmem:s17+$0x1920] =	vst v0  }
0x93: {  	[tilespmem:s17+$0x1930] =	vst v0  }
0x94: {  	[tilespmem:s17+$0x1940] =	vst v0  }
0x95: {  	[tilespmem:s17+$0x1950] =	vst v0  }
0x96: {  	[tilespmem:s17+$0x1960] =	vst v0  }
0x97: {  	[tilespmem:s17+$0x1970] =	vst v0  }
0x98: {  	[tilespmem:s17+$0x1980] =	vst v0  }
0x99: {  	[tilespmem:s17+$0x1990] =	vst v0  }
0x9a: {  	[tilespmem:s17+$0x19A0] =	vst v0  }
0x9b: {  	[tilespmem:s17+$0x19B0] =	vst v0  }
0x9c: {  	[tilespmem:s17+$0x19C0] =	vst v0  }
0x9d: {  	[tilespmem:s17+$0x19D0] =	vst v0  }
0x9e: {  	[tilespmem:s17+$0x19E0] =	vst v0;
	s18 =	simm.s32 $0x20;
	s17 =	simm.s32 $0x180  }
.LBB2_12:
0x9f: {  	p0 =	sne.s32 s17, $0x6380;
	v3 =	vld [tilespmem:s18+$0x0];
	_ =	sdelay $0x4  }
0xa0: {  	v4 =	vshrl.u32 v3, $0x7  }
0xa1: {  	v4 =	vmul.u32 $0x380, v4;
	_ =	sdelay $0x1  }
0xa2: {  	v4 =	vadd.s32 v4, v3  }
0xa3: {  	v4 =	vadd.s32 v1, v4  }
0xa4: {  	v3 =	vand.u32 $0x7, v3;
	v4 =	vand.u32 $0xFFFFFFF8, v4  }
0xa5: {  	v3 =	vor.u32 v3, v4  }
.Ltmp5:
0xa6: {  	(pc) =	sbr.rel @p0 .LBB2_12-.Ltmp5, $2  }
0xa7: {  	_ =	sdelay $0x2  }
0xa8: {  	s18 =	sshra.s32 s17, $0x2;
	s17 =	sadd.s32 $0x100, s17;
	[tilespmem:v3+s12+$0x0] =	vst.idx.add.f32.msk $0xffff, v2  }
0xa9: {  	v3 =	vld [tilespmem:s18+$0x0];
	_ =	sdelay $0x4  }
0xaa: {  	v4 =	vshrl.u32 v3, $0x7  }
0xab: {  	v4 =	vmul.u32 $0x380, v4;
	_ =	sdelay $0x1  }
0xac: {  	v4 =	vadd.s32 v4, v3  }
0xad: {  	v4 =	vadd.s32 v1, v4  }
0xae: {  	v3 =	vand.u32 $0x7, v3;
	v4 =	vand.u32 $0xFFFFFFF8, v4  }
0xaf: {  	v3 =	vor.u32 v3, v4;
	_ =	sdelay $0x4  }
0xb0: {  	s17 =	simm.s32 $0x0;
	[tilespmem:v3+s12+$0x0] =	vst.idx.add.f32.msk $0xffff, v2  }
0xb1: {  	[hbm4b:s6+s17] =	stream.linear.scatter [tilespmem:s12], [sflag:$0x1], $0x4000, $0x38;
	[tilespmem:$0x9900] =	vst v63  }
0xb2: {  	_ =	swait.ge [sflag:s15], $0x4000  }
0xb3: {  	[sflag:s15] =	ssyncset.done $0x0  }
0xb4: {  	s18 =	simm.s32 $0x400;
	s17 =	simm.s32 $0x0;
	[sflag:s15] =	ssyncadd.s32 $0xFFFFC000  }
.LBB2_14:
0xb5: {  	p0 =	sne.s32 s18, $0xFC00;
	[tilespmem:s17+$0x59F0] =	vst v0  }
0xb6: {  	[tilespmem:s17+$0x5900] =	vst v0  }
0xb7: {  	[tilespmem:s17+$0x5910] =	vst v0  }
0xb8: {  	[tilespmem:s17+$0x5920] =	vst v0  }
0xb9: {  	[tilespmem:s17+$0x5930] =	vst v0  }
0xba: {  	[tilespmem:s17+$0x5940] =	vst v0  }
0xbb: {  	[tilespmem:s17+$0x5950] =	vst v0  }
0xbc: {  	[tilespmem:s17+$0x5960] =	vst v0  }
0xbd: {  	[tilespmem:s17+$0x5970] =	vst v0  }
0xbe: {  	[tilespmem:s17+$0x5980] =	vst v0  }
0xbf: {  	[tilespmem:s17+$0x5990] =	vst v0  }
.Ltmp6:
0xc0: {  	[tilespmem:s17+$0x59A0] =	vst v0;
	(pc) =	sbr.rel @p0 .LBB2_14-.Ltmp6, $4  }
0xc1: {  	[tilespmem:s17+$0x59B0] =	vst v0  }
0xc2: {  	[tilespmem:s17+$0x59C0] =	vst v0  }
0xc3: {  	[tilespmem:s17+$0x59D0] =	vst v0  }
0xc4: {  	[tilespmem:s17+$0x59E0] =	vst v0;
	s17 =	sshra.s32 s18, $0x2;
	s18 =	sadd.s32 $0x400, s18  }
0xc5: {  	[tilespmem:s17+$0x59F0] =	vst v0  }
0xc6: {  	[tilespmem:s17+$0x5900] =	vst v0  }
0xc7: {  	[tilespmem:s17+$0x5910] =	vst v0  }
0xc8: {  	[tilespmem:s17+$0x5920] =	vst v0  }
0xc9: {  	[tilespmem:s17+$0x5930] =	vst v0  }
0xca: {  	[tilespmem:s17+$0x5940] =	vst v0  }
0xcb: {  	[tilespmem:s17+$0x5950] =	vst v0  }
0xcc: {  	[tilespmem:s17+$0x5960] =	vst v0  }
0xcd: {  	[tilespmem:s17+$0x5970] =	vst v0  }
0xce: {  	[tilespmem:s17+$0x5980] =	vst v0  }
0xcf: {  	[tilespmem:s17+$0x5990] =	vst v0  }
0xd0: {  	[tilespmem:s17+$0x59A0] =	vst v0  }
0xd1: {  	[tilespmem:s17+$0x59B0] =	vst v0  }
0xd2: {  	[tilespmem:s17+$0x59C0] =	vst v0  }
0xd3: {  	[tilespmem:s17+$0x59D0] =	vst v0  }
0xd4: {  	[tilespmem:s17+$0x59E0] =	vst v0;
	s18 =	simm.s32 $0x30;
	s17 =	simm.s32 $0x1C0  }
.LBB2_16:
0xd5: {  	p0 =	sne.s32 s17, $0x63C0;
	v3 =	vld [tilespmem:s18+$0x0];
	_ =	sdelay $0x4  }
0xd6: {  	v4 =	vshrl.u32 v3, $0x7  }
0xd7: {  	v4 =	vmul.u32 $0x380, v4;
	_ =	sdelay $0x1  }
0xd8: {  	v4 =	vadd.s32 v4, v3  }
0xd9: {  	v4 =	vadd.s32 v1, v4  }
0xda: {  	v3 =	vand.u32 $0x7, v3;
	v4 =	vand.u32 $0xFFFFFFF8, v4  }
0xdb: {  	v3 =	vor.u32 v3, v4  }
.Ltmp7:
0xdc: {  	(pc) =	sbr.rel @p0 .LBB2_16-.Ltmp7, $2  }
0xdd: {  	_ =	sdelay $0x2  }
0xde: {  	s18 =	sshra.s32 s17, $0x2;
	s17 =	sadd.s32 $0x100, s17;
	[tilespmem:v3+s13+$0x0] =	vst.idx.add.f32.msk $0xffff, v2  }
0xdf: {  	v3 =	vld [tilespmem:s18+$0x0];
	_ =	sdelay $0x4  }
0xe0: {  	v4 =	vshrl.u32 v3, $0x7  }
0xe1: {  	v4 =	vmul.u32 $0x380, v4;
	_ =	sdelay $0x1  }
0xe2: {  	v4 =	vadd.s32 v4, v3  }
0xe3: {  	v4 =	vadd.s32 v1, v4  }
0xe4: {  	v3 =	vand.u32 $0x7, v3;
	v4 =	vand.u32 $0xFFFFFFF8, v4  }
0xe5: {  	v3 =	vor.u32 v3, v4;
	_ =	sdelay $0x4  }
0xe6: {  	s16 =	sadd.s32 $0x1, s16;
	[tilespmem:v3+s13+$0x0] =	vst.idx.add.f32.msk $0xffff, v2  }
0xe7: {  	[hbm4b:s7+s2] =	stream.linear.scatter [tilespmem:s13], [sflag:$0x2], $0x4000, $0x38;
	[tilespmem:$0x9900] =	vst v63  }
0xe8: {  	p0 =	sne.s32 s16, s8;
	_ =	swait.ge [sflag:s14], $0x4000  }
.Ltmp8:
0xe9: {  	[sflag:s14] =	ssyncset.done $0x0;
	(pc) =	sbr.rel @p0 .LBB2_1-.Ltmp8, $4  }
0xea: {  	[sflag:s14] =	ssyncadd.s32 $0xFFFFC000  }
0xeb: {  	_ =	swait.ge [sflag:s15], $0x4000  }
0xec: {  	[sflag:s15] =	ssyncset.done $0x0  }
0xed: {  	[sflag:s15] =	ssyncadd.s32 $0xFFFFC000  }
0xee: {  	_ =	sfence.sel $0x180000  }
0xef: {  	[bflag:$0x0] =	sbarrier.arrive $0xFFFF  }
0xf0: {  	p0 =	sne.s32 s1, $0x0;
	_ =	strace $0x9000004A  }
0xf1: {  	s0 =	sadd.s32 @!p0 $0x100000, s0;
	[bflag:$0x2] =	sbarrier.arrive $0xFFFF  }
0xf2: {  	[sflag:s0] =	ssyncadd.tile.s32 @!p0 $0x1;
	_ =	shalt  }
.Lfunc_end2:
_tile_overlayer_lowered:
.L_overlay_start_2:
0xf3: {  	(tag) =	ssettag $0x2  }
0xf4: {  	s0 =	rddreg [dreg:$0x0];
	s2 =	stileid.u32  }
0xf5: {  	s1 =	rddreg [dreg:$0x1];
	p0 =	sne.s32 s2, $0x0  }
0xf6: {  	s3 =	rddreg [dreg:$0x2];
	[bflag:$0x3] =	sbarrier.arrive $0xFFFF;
	s2 =	simm.s32 @!p0 $0x1C03  }
0xf7: {  	[timem:s3], [sflag:s2] =	dma.local @!p0 [hbm:s0], s1  }
0xf8: {  	s0 =	simm.s32 @!p0 $0x3  }
0xf9: {  	_ =	swait.ge @!p0 [sflag:s0], s1  }
0xfa: {  	s1 =	ssub.s32 @!p0 $0x0, s1;
	[sflag:s0] =	ssyncset.done @!p0 $0x0  }
0xfb: {  	[sflag:s0] =	ssyncadd.s32 @!p0 s1  }
0xfc: {  	[bflag:$0x3] =	sbarrier.arrive $0xFFFF  }
0xfd: {  	_ =	shalt  }

</sc_bundles>
